<compile_context>
chip_gen: v7x
topology: tpu7x:2x2x1
jax: 0.10.2.dev20260603
libtpu: 0.0.44.dev20260713+nightly
codegen_flags: <defaults>
</compile_context>

<pallas_src>
import jax
import jax.numpy as jnp
from jax import lax
from jax.experimental import pallas as pl
from jax.experimental.pallas import tpu as pltpu
from jax.experimental.pallas import tpu_sc as plsc

N = 10000
E = 160000
F_IN = 128
H = 4
F_OUT = 32
HF = H * F_OUT
B = 4
T = 8
NI = B * T
ALPHA = 0.2

BN = 1000
NB = N // BN

K = 128
NCHUNKS = E // K
NSUB = 16
NPT = N // NSUB
NROW = 125
NQ = NPT // NROW


def _tc_body(x_ref, w_ref, asr_ref, adr_ref, h_ref, esed_ref):
    xb = x_ref[0, 0]
    h = jnp.dot(xb, w_ref[...], preferred_element_type=jnp.float32)
    h_ref[...] = h
    fi = lax.broadcasted_iota(jnp.int32, (HF, H), 0) // F_OUT
    hi = lax.broadcasted_iota(jnp.int32, (HF, H), 1)
    sel = (fi == hi).astype(jnp.float32)
    es = jnp.dot(h * asr_ref[...], sel, preferred_element_type=jnp.float32)
    ed = jnp.dot(h * adr_ref[...], sel, preferred_element_type=jnp.float32)
    pad = jnp.zeros((BN, 8), jnp.float32)
    esed_ref[...] = jnp.concatenate([es, ed, pad], axis=1)


def _tc_stage(x, W, a_src2, a_dst2):
    return pl.pallas_call(
        _tc_body,
        grid=(NI, NB),
        in_specs=[
            pl.BlockSpec((1, 1, BN, F_IN), lambda i, nb: (i % B, i // B, nb, 0)),
            pl.BlockSpec((F_IN, HF), lambda i, nb: (0, 0)),
            pl.BlockSpec((1, HF), lambda i, nb: (0, 0)),
            pl.BlockSpec((1, HF), lambda i, nb: (0, 0)),
        ],
        out_specs=[
            pl.BlockSpec((BN, HF), lambda i, nb: (i * NB + nb, 0)),
            pl.BlockSpec((BN, 16), lambda i, nb: (i * NB + nb, 0)),
        ],
        out_shape=[
            jax.ShapeDtypeStruct((NI * N, HF), jnp.float32),
            jax.ShapeDtypeStruct((NI * N, 16), jnp.float32),
        ],
    )(x, W, a_src2, a_dst2)


def _sc_body(h_hbm, esed_hbm, src_hbm, dst_hbm, num_hbm, den_hbm,
             num_sp, den_sp,
             srcb, dstb, adjb, adjb2, hb, esb, edb, wb, zdenb,
             sem, sem2, sem3):
    cid = lax.axis_index("c")
    sid = lax.axis_index("s")
    lane = lax.iota(jnp.int32, 16)
    zero16 = jnp.zeros((16,), jnp.float32)

    def _zero_hb(k, _):
        for c8 in range(HF // 16):
            hb[k, pl.ds(c8 * 16, 16)] = zero16
        return 0

    def _zero_16wide(ref):
        def body(k, _):
            ref[k, pl.ds(0, 16)] = zero16
            return 0
        lax.fori_loop(0, K, body, 0)

    _zero_16wide(wb)
    _zero_16wide(zdenb)
    lax.fori_loop(0, K, _zero_hb, 0)

    for q in range(NQ):
        row0 = sid * NPT + q * NROW
        pltpu.sync_copy(hb.at[pl.ds(0, NROW)], num_sp.at[pl.ds(row0, NROW)])
        pltpu.sync_copy(zdenb.at[pl.ds(0, NROW)],
                        den_sp.at[pl.ds(row0, NROW)])

    nch = (NCHUNKS - sid + NSUB - 1) // NSUB

    def inst_body(il, _):
        inst = cid * (NI // 2) + il
        base_row = inst * N
        plsc.subcore_barrier()

        def _zidx(i, _):
            dstb[pl.ds(i * 16, 16)] = jnp.zeros((16,), jnp.int32)
            return 0
        lax.fori_loop(0, K // 16, _zidx, 0)
        pltpu.async_copy(hb, num_sp.at[dstb], sem3, add=True)
        pltpu.async_copy(zdenb, den_sp.at[dstb], sem3, add=True)

        def chunk_body(j, _):
            c = sid + j * NSUB
            ebase = c * K
            pltpu.sync_copy(src_hbm.at[pl.ds(ebase, K)], srcb)
            pltpu.make_async_copy(hb, num_sp.at[dstb], sem3).wait()
            pltpu.make_async_copy(wb, den_sp.at[dstb], sem3).wait()
            pltpu.sync_copy(dst_hbm.at[pl.ds(ebase, K)], dstb)

            def _adj(i, _):
                adjb[pl.ds(i * 16, 16)] = srcb[pl.ds(i * 16, 16)] + base_row
                adjb2[pl.ds(i * 16, 16)] = dstb[pl.ds(i * 16, 16)] + base_row
                return 0
            lax.fori_loop(0, K // 16, _adj, 0, unroll=4)
            hcopy = pltpu.async_copy(h_hbm.at[adjb], hb, sem)
            e1copy = pltpu.async_copy(esed_hbm.at[adjb], esb, sem2)
            e2copy = pltpu.async_copy(esed_hbm.at[adjb2], edb, sem2)
            e1copy.wait()
            e2copy.wait()

            def _wloop(i, _):
                jv = i * 16 + lane
                kv = jv >> 2
                hv = jv & 3
                e1 = plsc.load_gather(esb, [kv, hv])
                e2 = plsc.load_gather(edb, [kv, hv + 4])
                e = e1 + e2
                e = jnp.where(e > 0, e, ALPHA * e)
                plsc.store_scatter(wb, [kv, hv], jnp.exp(e))
                return 0
            lax.fori_loop(0, (K * H) // 16, _wloop, 0, unroll=4)
            hcopy.wait()

            def _sloop(k, _):
                for hd in range(H):
                    wv = plsc.load_gather(
                        wb,
                        [jnp.full((16,), k, jnp.int32),
                         jnp.full((16,), hd, jnp.int32)])
                    for half in range(2):
                        c8 = hd * 2 + half
                        hv = hb[k, pl.ds(c8 * 16, 16)]
                        hb[k, pl.ds(c8 * 16, 16)] = hv * wv
                return 0
            lax.fori_loop(0, K, _sloop, 0, unroll=2)

            pltpu.async_copy(hb, num_sp.at[dstb], sem3, add=True)
            pltpu.async_copy(wb, den_sp.at[dstb], sem3, add=True)
            return 0
        lax.fori_loop(0, nch, chunk_body, 0)
        pltpu.make_async_copy(hb, num_sp.at[dstb], sem3).wait()
        pltpu.make_async_copy(wb, den_sp.at[dstb], sem3).wait()
        plsc.subcore_barrier()

        nbase = sid * NPT
        pltpu.sync_copy(num_sp.at[pl.ds(nbase, NPT)],
                        num_hbm.at[pl.ds(base_row + nbase, NPT)])
        pltpu.sync_copy(den_sp.at[pl.ds(nbase, NPT)],
                        den_hbm.at[pl.ds(base_row + nbase, NPT)])
        lax.fori_loop(0, K, _zero_hb, 0)
        for q in range(NQ):
            row0 = nbase + q * NROW
            pltpu.sync_copy(hb.at[pl.ds(0, NROW)],
                            num_sp.at[pl.ds(row0, NROW)])
            pltpu.sync_copy(zdenb.at[pl.ds(0, NROW)],
                            den_sp.at[pl.ds(row0, NROW)])
        return 0
    lax.fori_loop(0, NI // 2, inst_body, 0)


def _sc_stage(h2, esed2, src, dst):
    mesh = plsc.VectorSubcoreMesh(core_axis_name="c", subcore_axis_name="s")
    return pl.kernel(
        _sc_body,
        out_type=[
            jax.ShapeDtypeStruct((NI * N, HF), jnp.float32),
            jax.ShapeDtypeStruct((NI * N, 16), jnp.float32),
        ],
        mesh=mesh,
        scratch_types=[
            pltpu.VMEM_SHARED((N, HF), jnp.float32),
            pltpu.VMEM_SHARED((N, 16), jnp.float32),
            pltpu.VMEM((K,), jnp.int32),
            pltpu.VMEM((K,), jnp.int32),
            pltpu.VMEM((K,), jnp.int32),
            pltpu.VMEM((K,), jnp.int32),
            pltpu.VMEM((K, HF), jnp.float32),
            pltpu.VMEM((K, 16), jnp.float32),
            pltpu.VMEM((K, 16), jnp.float32),
            pltpu.VMEM((K, 16), jnp.float32),
            pltpu.VMEM((K, 16), jnp.float32),
            pltpu.SemaphoreType.DMA,
            pltpu.SemaphoreType.DMA,
            pltpu.SemaphoreType.DMA,
        ],
        compiler_params=pltpu.CompilerParams(
            use_tc_tiling_on_sc=False, needs_layout_passes=False),
    )(h2, esed2, src, dst)


def _fin_body(num_ref, den_ref, out_ref):
    ci = lax.broadcasted_iota(jnp.int32, (16, HF), 0)
    fi = lax.broadcasted_iota(jnp.int32, (16, HF), 1) // F_OUT
    sel2 = (ci == fi).astype(jnp.float32)
    den_exp = jnp.dot(den_ref[...], sel2, preferred_element_type=jnp.float32)
    v = num_ref[...] / (den_exp + 1e-16)
    out_ref[...] = jnp.where(v > 0, v, jnp.exp(jnp.minimum(v, 0.0)) - 1.0)


def _fin_stage(num2, den2):
    return pl.pallas_call(
        _fin_body,
        grid=(NI * NB,),
        in_specs=[
            pl.BlockSpec((BN, HF), lambda i: (i, 0)),
            pl.BlockSpec((BN, 16), lambda i: (i, 0)),
        ],
        out_specs=pl.BlockSpec((BN, HF), lambda i: (i, 0)),
        out_shape=jax.ShapeDtypeStruct((NI * N, HF), jnp.float32),
    )(num2, den2)


def kernel(x, edge_index, W, a_src, a_dst):
    a_src2 = a_src.reshape(1, HF)
    a_dst2 = a_dst.reshape(1, HF)
    h2, esed2 = _tc_stage(x, W, a_src2, a_dst2)
    src = edge_index[0]
    dst = edge_index[1]
    num2, den2 = _sc_stage(h2, esed2, src, dst)
    out2 = _fin_stage(num2, den2)
    return out2.reshape(T, B, N, HF)

# --- scband reference (transcript-rebuilt; emitter-appended) ---
"""Pipeline reference for scband-sgatembedding-82901458747793 (READ-ONLY COPY).

The authoritative reference and input builder live on the scoring server;
editing this copy changes nothing except your own understanding.
"""

import jax, jax.numpy as jnp
import numpy as np

N = 10000
E = 160000
F_IN = 128
H = 4
F_OUT = 32  # per-head; concat -> 128
B = 4
T = 8
ALPHA = 0.2


def setup_inputs(seed: int = 0) -> dict:
    key = jax.random.key(seed)
    k1, k2, k3, k4, k5 = jax.random.split(key, 5)
    x = jax.random.normal(k1, (B, T, N, F_IN), dtype=jnp.float32)
    edge_index = jax.random.randint(k2, (2, E), 0, N, dtype=jnp.int32)
    W = jax.random.normal(k3, (F_IN, H * F_OUT), dtype=jnp.float32) * 0.05
    a_src = jax.random.normal(k4, (H, F_OUT), dtype=jnp.float32) * 0.05
    a_dst = jax.random.normal(k5, (H, F_OUT), dtype=jnp.float32) * 0.05
    return {"x": x, "edge_index": edge_index, "W": W, "a_src": a_src, "a_dst": a_dst}


def _gat_layer(xg, edge_index, W, a_src, a_dst):
    # xg: [N, F_IN] node features for one graph
    src = edge_index[0]
    dst = edge_index[1]
    h = (xg @ W).reshape(N, H, F_OUT)                       # [N, H, F_OUT]
    e_src = jnp.sum(h * a_src[None, :, :], axis=-1)          # [N, H]
    e_dst = jnp.sum(h * a_dst[None, :, :], axis=-1)          # [N, H]
    e = e_src[src] + e_dst[dst]                              # [E, H]  (gathers)
    e = jnp.where(e > 0, e, ALPHA * e)                       # LeakyReLU(alpha)
    # segment softmax over incoming edges of each dst node
    m = jax.ops.segment_max(e, dst, num_segments=N)          # [N, H]
    m = jnp.where(jnp.isfinite(m), m, 0.0)
    ex = jnp.exp(e - m[dst])                                 # [E, H]
    denom = jax.ops.segment_sum(ex, dst, num_segments=N)     # [N, H]
    attn = ex / (denom[dst] + 1e-16)                         # [E, H]
    msg = h[src] * attn[:, :, None]                          # [E, H, F_OUT]
    out = jax.ops.segment_sum(msg, dst, num_segments=N)      # [N, H, F_OUT]
    out = out.reshape(N, H * F_OUT)
    return jax.nn.elu(out)


def reference(x, edge_index, W, a_src, a_dst):
    # SGATEmbedding.forward: iterate over the sequence dim, apply shared GAT
    # to each (batch of) graph snapshot, stack over time -> [T, B, N, H*F_OUT]
    gat_b = jax.vmap(lambda xb: _gat_layer(xb, edge_index, W, a_src, a_dst))
    hidden_f = []
    for t in range(T):
        batch_data = x[:, t]          # [B, N, F_IN] (list(zip(*x))[t])
        hidden_f.append(gat_b(batch_data))
    return jnp.stack(hidden_f)        # [T, B, N, 128]

if __name__ == "__main__":
    import jax
    _d = setup_inputs()
    print(jax.jit(kernel)(*tuple(_d.values())))

</pallas_src>

<mosaic_0001>
#map = affine_map<(d0, d1) -> (0, 0)>
#map1 = affine_map<(d0, d1) -> (0)>
module attributes {stable_mosaic.version = 14 : i64} {
  func.func @_sc_body(%arg0: i32, %arg1: i32, %arg2: memref<320000x128xf32, #tpu.memory_space<hbm>>, %arg3: memref<320000x16xf32, #tpu.memory_space<hbm>>, %arg4: memref<160000xi32, #tpu.memory_space<hbm>>, %arg5: memref<160000xi32, #tpu.memory_space<hbm>>, %arg6: memref<320000x128xf32, #tpu.memory_space<hbm>>, %arg7: memref<320000x16xf32, #tpu.memory_space<hbm>>, %arg8: memref<10000x128xf32, #tpu.memory_space<vmem_shared>>, %arg9: memref<10000x16xf32, #tpu.memory_space<vmem_shared>>, %arg10: memref<128xi32, #tpu.memory_space<vmem>>, %arg11: memref<128xi32, #tpu.memory_space<vmem>>, %arg12: memref<128xi32, #tpu.memory_space<vmem>>, %arg13: memref<128xi32, #tpu.memory_space<vmem>>, %arg14: memref<128x128xf32, #tpu.memory_space<vmem>>, %arg15: memref<128x16xf32, #tpu.memory_space<vmem>>, %arg16: memref<128x16xf32, #tpu.memory_space<vmem>>, %arg17: memref<128x16xf32, #tpu.memory_space<vmem>>, %arg18: memref<128x16xf32, #tpu.memory_space<vmem>>, %arg19: memref<!tpu.dma_semaphore, #tpu.memory_space<semaphore_mem>>, %arg20: memref<!tpu.dma_semaphore, #tpu.memory_space<semaphore_mem>>, %arg21: memref<!tpu.dma_semaphore, #tpu.memory_space<semaphore_mem>>) attributes {dimension_semantics = [#tpu.dimension_semantics<core_parallel>, #tpu.dimension_semantics<subcore_parallel>], iteration_bounds = array<i64: 2, 16>, scalar_prefetch = 0 : i64, scratch_operands = 14 : i64, tpu.core_type = #tpu.core_type<sc_vector_subcore>, window_params = [{transform_indices = #map}, {transform_indices = #map}, {transform_indices = #map1}, {transform_indices = #map1}, {transform_indices = #map}, {transform_indices = #map}]} {
    %iota3A = tpu.iota {dimensions = array<i32: 0>} : vector<16xi32>
    %broadcast_in_dim3A = arith.constant 0.000000e+00 : f32
    %broadcast_in_dim3A_0 = vector.broadcast %broadcast_in_dim3A : f32 to vector<16xf32>
    %scan3A = arith.constant 0 : i32
    %scan3A_1 = arith.constant 0 : i32
    %scan3A_2 = arith.constant 128 : i32
    %scan3A_3 = arith.addi %scan3A_1, %scan3A_2 : i32
    %scan3A_4 = arith.constant 1 : i32
    %scan3A_5 = scf.for %scan3A_68 = %scan3A_1 to %scan3A_3 step %scan3A_4 iter_args(%scan3A_69 = %scan3A) -> (i32)  : i32 {
      %swap3A = arith.index_cast %scan3A_68 : i32 to index
      %swap3A_70 = arith.constant 0 : index
      %swap3A_71 = tpu.vector_load %arg17[%swap3A, %swap3A_70] {strides = array<i32>} : memref<128x16xf32, #tpu.memory_space<vmem>>, vector<16xf32>,
      tpu.vector_store %arg17[%swap3A, %swap3A_70], %broadcast_in_dim3A_0 {strides = array<i32>} : memref<128x16xf32, #tpu.memory_space<vmem>>, vector<16xf32>,
      %scan3A_72 = arith.constant 0 : i32
      scf.yield %scan3A_72 : i32
    }
    %scan3A_6 = arith.constant 128 : i32
    %scan3A_7 = arith.constant 0 : i32
    %scan3A_8 = arith.constant 0 : i32
    %scan3A_9 = arith.constant 128 : i32
    %scan3A_10 = arith.addi %scan3A_8, %scan3A_9 : i32
    %scan3A_11 = arith.constant 1 : i32
    %scan3A_12 = scf.for %scan3A_68 = %scan3A_8 to %scan3A_10 step %scan3A_11 iter_args(%scan3A_69 = %scan3A_7) -> (i32)  : i32 {
      %swap3A = arith.index_cast %scan3A_68 : i32 to index
      %swap3A_70 = arith.constant 0 : index
      %swap3A_71 = tpu.vector_load %arg18[%swap3A, %swap3A_70] {strides = array<i32>} : memref<128x16xf32, #tpu.memory_space<vmem>>, vector<16xf32>,
      tpu.vector_store %arg18[%swap3A, %swap3A_70], %broadcast_in_dim3A_0 {strides = array<i32>} : memref<128x16xf32, #tpu.memory_space<vmem>>, vector<16xf32>,
      %scan3A_72 = arith.constant 0 : i32
      scf.yield %scan3A_72 : i32
    }
    %scan3A_13 = arith.constant 128 : i32
    %scan3A_14 = arith.constant 0 : i32
    %scan3A_15 = arith.constant 0 : i32
    %scan3A_16 = arith.constant 128 : i32
    %scan3A_17 = arith.addi %scan3A_15, %scan3A_16 : i32
    %scan3A_18 = arith.constant 1 : i32
    %scan3A_19 = scf.for %scan3A_68 = %scan3A_15 to %scan3A_17 step %scan3A_18 iter_args(%scan3A_69 = %scan3A_14) -> (i32)  : i32 {
      %swap3A = arith.index_cast %scan3A_68 : i32 to index
      %swap3A_70 = arith.constant 0 : index
      %swap3A_71 = tpu.vector_load %arg14[%swap3A, %swap3A_70] {strides = array<i32>} : memref<128x128xf32, #tpu.memory_space<vmem>>, vector<16xf32>,
      tpu.vector_store %arg14[%swap3A, %swap3A_70], %broadcast_in_dim3A_0 {strides = array<i32>} : memref<128x128xf32, #tpu.memory_space<vmem>>, vector<16xf32>,
      %swap3A_72 = arith.index_cast %scan3A_68 : i32 to index
      %swap3A_73 = arith.constant 16 : index
      %swap3A_74 = tpu.vector_load %arg14[%swap3A_72, %swap3A_73] {strides = array<i32>} : memref<128x128xf32, #tpu.memory_space<vmem>>, vector<16xf32>,
      tpu.vector_store %arg14[%swap3A_72, %swap3A_73], %broadcast_in_dim3A_0 {strides = array<i32>} : memref<128x128xf32, #tpu.memory_space<vmem>>, vector<16xf32>,
      %swap3A_75 = arith.index_cast %scan3A_68 : i32 to index
      %swap3A_76 = arith.constant 32 : index
      %swap3A_77 = tpu.vector_load %arg14[%swap3A_75, %swap3A_76] {strides = array<i32>} : memref<128x128xf32, #tpu.memory_space<vmem>>, vector<16xf32>,
      tpu.vector_store %arg14[%swap3A_75, %swap3A_76], %broadcast_in_dim3A_0 {strides = array<i32>} : memref<128x128xf32, #tpu.memory_space<vmem>>, vector<16xf32>,
      %swap3A_78 = arith.index_cast %scan3A_68 : i32 to index
      %swap3A_79 = arith.constant 48 : index
      %swap3A_80 = tpu.vector_load %arg14[%swap3A_78, %swap3A_79] {strides = array<i32>} : memref<128x128xf32, #tpu.memory_space<vmem>>, vector<16xf32>,
      tpu.vector_store %arg14[%swap3A_78, %swap3A_79], %broadcast_in_dim3A_0 {strides = array<i32>} : memref<128x128xf32, #tpu.memory_space<vmem>>, vector<16xf32>,
      %swap3A_81 = arith.index_cast %scan3A_68 : i32 to index
      %swap3A_82 = arith.constant 64 : index
      %swap3A_83 = tpu.vector_load %arg14[%swap3A_81, %swap3A_82] {strides = array<i32>} : memref<128x128xf32, #tpu.memory_space<vmem>>, vector<16xf32>,
      tpu.vector_store %arg14[%swap3A_81, %swap3A_82], %broadcast_in_dim3A_0 {strides = array<i32>} : memref<128x128xf32, #tpu.memory_space<vmem>>, vector<16xf32>,
      %swap3A_84 = arith.index_cast %scan3A_68 : i32 to index
      %swap3A_85 = arith.constant 80 : index
      %swap3A_86 = tpu.vector_load %arg14[%swap3A_84, %swap3A_85] {strides = array<i32>} : memref<128x128xf32, #tpu.memory_space<vmem>>, vector<16xf32>,
      tpu.vector_store %arg14[%swap3A_84, %swap3A_85], %broadcast_in_dim3A_0 {strides = array<i32>} : memref<128x128xf32, #tpu.memory_space<vmem>>, vector<16xf32>,
      %swap3A_87 = arith.index_cast %scan3A_68 : i32 to index
      %swap3A_88 = arith.constant 96 : index
      %swap3A_89 = tpu.vector_load %arg14[%swap3A_87, %swap3A_88] {strides = array<i32>} : memref<128x128xf32, #tpu.memory_space<vmem>>, vector<16xf32>,
      tpu.vector_store %arg14[%swap3A_87, %swap3A_88], %broadcast_in_dim3A_0 {strides = array<i32>} : memref<128x128xf32, #tpu.memory_space<vmem>>, vector<16xf32>,
      %swap3A_90 = arith.index_cast %scan3A_68 : i32 to index
      %swap3A_91 = arith.constant 112 : index
      %swap3A_92 = tpu.vector_load %arg14[%swap3A_90, %swap3A_91] {strides = array<i32>} : memref<128x128xf32, #tpu.memory_space<vmem>>, vector<16xf32>,
      tpu.vector_store %arg14[%swap3A_90, %swap3A_91], %broadcast_in_dim3A_0 {strides = array<i32>} : memref<128x128xf32, #tpu.memory_space<vmem>>, vector<16xf32>,
      %scan3A_93 = arith.constant 0 : i32
      scf.yield %scan3A_93 : i32
    }
    %scan3A_20 = arith.constant 128 : i32
    %mul3A = arith.constant 625 : i32
    %mul3A_21 = arith.muli %arg1, %mul3A : i32
    %add3A = arith.constant 0 : i32
    %add3A_22 = arith.addi %mul3A_21, %add3A : i32
    "tpu.region"() ({
      %run_scoped3A = tpu.sem_alloc : memref<!tpu.dma_semaphore, #tpu.memory_space<semaphore_mem>>
      %dma_start3A = arith.constant 0 : i32
      %dma_start3A_68 = arith.constant 0 : i32
      %dma_start3A_69 = tpu.memref_slice %arg14[%dma_start3A, %dma_start3A_68] : memref<128x128xf32, #tpu.memory_space<vmem>> -> memref<125x128xf32, #tpu.memory_space<vmem>>
      %dma_start3A_70 = arith.constant 0 : i32
      %dma_start3A_71 = tpu.memref_slice %arg8[%add3A_22, %dma_start3A_70] : memref<10000x128xf32, #tpu.memory_space<vmem_shared>> -> memref<125x128xf32, #tpu.memory_space<vmem_shared>>
      %dma_start3A_72 = arith.constant 0 : i32
      %dma_start3A_73 = tpu.memref_slice %arg8[%add3A_22, %dma_start3A_72] : memref<10000x128xf32, #tpu.memory_space<vmem_shared>> -> memref<125x128xf32, #tpu.memory_space<vmem_shared>>
      %dma_start3A_74 = arith.constant 0 : i32
      %dma_start3A_75 = arith.constant 0 : i32
      %dma_start3A_76 = tpu.memref_slice %arg14[%dma_start3A_74, %dma_start3A_75] : memref<128x128xf32, #tpu.memory_space<vmem>> -> memref<125x128xf32, #tpu.memory_space<vmem>>
      tpu.enqueue_dma source(%dma_start3A_76 : memref<125x128xf32, #tpu.memory_space<vmem>>) target(%dma_start3A_73 : memref<125x128xf32, #tpu.memory_space<vmem_shared>>) target_semaphore(%run_scoped3A : memref<!tpu.dma_semaphore, #tpu.memory_space<semaphore_mem>>)
      %dma_wait3A = arith.constant 0 : i32
      %dma_wait3A_77 = arith.constant 0 : i32
      %dma_wait3A_78 = tpu.memref_slice %arg14[%dma_wait3A, %dma_wait3A_77] : memref<128x128xf32, #tpu.memory_space<vmem>> -> memref<125x128xf32, #tpu.memory_space<vmem>>
      %dma_wait3A_79 = arith.constant 0 : i32
      %dma_wait3A_80 = tpu.memref_slice %arg8[%add3A_22, %dma_wait3A_79] : memref<10000x128xf32, #tpu.memory_space<vmem_shared>> -> memref<125x128xf32, #tpu.memory_space<vmem_shared>>
      %dma_wait3A_81 = arith.constant 0 : i32
      %dma_wait3A_82 = tpu.memref_slice %arg8[%add3A_22, %dma_wait3A_81] : memref<10000x128xf32, #tpu.memory_space<vmem_shared>> -> memref<125x128xf32, #tpu.memory_space<vmem_shared>>
      %dma_wait3A_83 = arith.constant 0 : i32
      %dma_wait3A_84 = arith.constant 0 : i32
      %dma_wait3A_85 = tpu.memref_slice %arg14[%dma_wait3A_83, %dma_wait3A_84] : memref<128x128xf32, #tpu.memory_space<vmem>> -> memref<125x128xf32, #tpu.memory_space<vmem>>
      tpu.wait_dma2 semaphore(%run_scoped3A : memref<!tpu.dma_semaphore, #tpu.memory_space<semaphore_mem>>) src(%dma_wait3A_85 : memref<125x128xf32, #tpu.memory_space<vmem>>) dst(%dma_wait3A_82 : memref<125x128xf32, #tpu.memory_space<vmem_shared>>)
      tpu.yield
    }) : () -> ()
    "tpu.region"() ({
      %run_scoped3A = tpu.sem_alloc : memref<!tpu.dma_semaphore, #tpu.memory_space<semaphore_mem>>
      %dma_start3A = arith.constant 0 : i32
      %dma_start3A_68 = arith.constant 0 : i32
      %dma_start3A_69 = tpu.memref_slice %arg18[%dma_start3A, %dma_start3A_68] : memref<128x16xf32, #tpu.memory_space<vmem>> -> memref<125x16xf32, #tpu.memory_space<vmem>>
      %dma_start3A_70 = arith.constant 0 : i32
      %dma_start3A_71 = tpu.memref_slice %arg9[%add3A_22, %dma_start3A_70] : memref<10000x16xf32, #tpu.memory_space<vmem_shared>> -> memref<125x16xf32, #tpu.memory_space<vmem_shared>>
      %dma_start3A_72 = arith.constant 0 : i32
      %dma_start3A_73 = tpu.memref_slice %arg9[%add3A_22, %dma_start3A_72] : memref<10000x16xf32, #tpu.memory_space<vmem_shared>> -> memref<125x16xf32, #tpu.memory_space<vmem_shared>>
      %dma_start3A_74 = arith.constant 0 : i32
      %dma_start3A_75 = arith.constant 0 : i32
      %dma_start3A_76 = tpu.memref_slice %arg18[%dma_start3A_74, %dma_start3A_75] : memref<128x16xf32, #tpu.memory_space<vmem>> -> memref<125x16xf32, #tpu.memory_space<vmem>>
      tpu.enqueue_dma source(%dma_start3A_76 : memref<125x16xf32, #tpu.memory_space<vmem>>) target(%dma_start3A_73 : memref<125x16xf32, #tpu.memory_space<vmem_shared>>) target_semaphore(%run_scoped3A : memref<!tpu.dma_semaphore, #tpu.memory_space<semaphore_mem>>)
      %dma_wait3A = arith.constant 0 : i32
      %dma_wait3A_77 = arith.constant 0 : i32
      %dma_wait3A_78 = tpu.memref_slice %arg18[%dma_wait3A, %dma_wait3A_77] : memref<128x16xf32, #tpu.memory_space<vmem>> -> memref<125x16xf32, #tpu.memory_space<vmem>>
      %dma_wait3A_79 = arith.constant 0 : i32
      %dma_wait3A_80 = tpu.memref_slice %arg9[%add3A_22, %dma_wait3A_79] : memref<10000x16xf32, #tpu.memory_space<vmem_shared>> -> memref<125x16xf32, #tpu.memory_space<vmem_shared>>
      %dma_wait3A_81 = arith.constant 0 : i32
      %dma_wait3A_82 = tpu.memref_slice %arg9[%add3A_22, %dma_wait3A_81] : memref<10000x16xf32, #tpu.memory_space<vmem_shared>> -> memref<125x16xf32, #tpu.memory_space<vmem_shared>>
      %dma_wait3A_83 = arith.constant 0 : i32
      %dma_wait3A_84 = arith.constant 0 : i32
      %dma_wait3A_85 = tpu.memref_slice %arg18[%dma_wait3A_83, %dma_wait3A_84] : memref<128x16xf32, #tpu.memory_space<vmem>> -> memref<125x16xf32, #tpu.memory_space<vmem>>
      tpu.wait_dma2 semaphore(%run_scoped3A : memref<!tpu.dma_semaphore, #tpu.memory_space<semaphore_mem>>) src(%dma_wait3A_85 : memref<125x16xf32, #tpu.memory_space<vmem>>) dst(%dma_wait3A_82 : memref<125x16xf32, #tpu.memory_space<vmem_shared>>)
      tpu.yield
    }) : () -> ()
    %mul3A_23 = arith.constant 625 : i32
    %mul3A_24 = arith.muli %arg1, %mul3A_23 : i32
    %add3A_25 = arith.constant 125 : i32
    %add3A_26 = arith.addi %mul3A_24, %add3A_25 : i32
    "tpu.region"() ({
      %run_scoped3A = tpu.sem_alloc : memref<!tpu.dma_semaphore, #tpu.memory_space<semaphore_mem>>
      %dma_start3A = arith.constant 0 : i32
      %dma_start3A_68 = arith.constant 0 : i32
      %dma_start3A_69 = tpu.memref_slice %arg14[%dma_start3A, %dma_start3A_68] : memref<128x128xf32, #tpu.memory_space<vmem>> -> memref<125x128xf32, #tpu.memory_space<vmem>>
      %dma_start3A_70 = arith.constant 0 : i32
      %dma_start3A_71 = tpu.memref_slice %arg8[%add3A_26, %dma_start3A_70] : memref<10000x128xf32, #tpu.memory_space<vmem_shared>> -> memref<125x128xf32, #tpu.memory_space<vmem_shared>>
      %dma_start3A_72 = arith.constant 0 : i32
      %dma_start3A_73 = tpu.memref_slice %arg8[%add3A_26, %dma_start3A_72] : memref<10000x128xf32, #tpu.memory_space<vmem_shared>> -> memref<125x128xf32, #tpu.memory_space<vmem_shared>>
      %dma_start3A_74 = arith.constant 0 : i32
      %dma_start3A_75 = arith.constant 0 : i32
      %dma_start3A_76 = tpu.memref_slice %arg14[%dma_start3A_74, %dma_start3A_75] : memref<128x128xf32, #tpu.memory_space<vmem>> -> memref<125x128xf32, #tpu.memory_space<vmem>>
      tpu.enqueue_dma source(%dma_start3A_76 : memref<125x128xf32, #tpu.memory_space<vmem>>) target(%dma_start3A_73 : memref<125x128xf32, #tpu.memory_space<vmem_shared>>) target_semaphore(%run_scoped3A : memref<!tpu.dma_semaphore, #tpu.memory_space<semaphore_mem>>)
      %dma_wait3A = arith.constant 0 : i32
      %dma_wait3A_77 = arith.constant 0 : i32
      %dma_wait3A_78 = tpu.memref_slice %arg14[%dma_wait3A, %dma_wait3A_77] : memref<128x128xf32, #tpu.memory_space<vmem>> -> memref<125x128xf32, #tpu.memory_space<vmem>>
      %dma_wait3A_79 = arith.constant 0 : i32
      %dma_wait3A_80 = tpu.memref_slice %arg8[%add3A_26, %dma_wait3A_79] : memref<10000x128xf32, #tpu.memory_space<vmem_shared>> -> memref<125x128xf32, #tpu.memory_space<vmem_shared>>
      %dma_wait3A_81 = arith.constant 0 : i32
      %dma_wait3A_82 = tpu.memref_slice %arg8[%add3A_26, %dma_wait3A_81] : memref<10000x128xf32, #tpu.memory_space<vmem_shared>> -> memref<125x128xf32, #tpu.memory_space<vmem_shared>>
      %dma_wait3A_83 = arith.constant 0 : i32
      %dma_wait3A_84 = arith.constant 0 : i32
      %dma_wait3A_85 = tpu.memref_slice %arg14[%dma_wait3A_83, %dma_wait3A_84] : memref<128x128xf32, #tpu.memory_space<vmem>> -> memref<125x128xf32, #tpu.memory_space<vmem>>
      tpu.wait_dma2 semaphore(%run_scoped3A : memref<!tpu.dma_semaphore, #tpu.memory_space<semaphore_mem>>) src(%dma_wait3A_85 : memref<125x128xf32, #tpu.memory_space<vmem>>) dst(%dma_wait3A_82 : memref<125x128xf32, #tpu.memory_space<vmem_shared>>)
      tpu.yield
    }) : () -> ()
    "tpu.region"() ({
      %run_scoped3A = tpu.sem_alloc : memref<!tpu.dma_semaphore, #tpu.memory_space<semaphore_mem>>
      %dma_start3A = arith.constant 0 : i32
      %dma_start3A_68 = arith.constant 0 : i32
      %dma_start3A_69 = tpu.memref_slice %arg18[%dma_start3A, %dma_start3A_68] : memref<128x16xf32, #tpu.memory_space<vmem>> -> memref<125x16xf32, #tpu.memory_space<vmem>>
      %dma_start3A_70 = arith.constant 0 : i32
      %dma_start3A_71 = tpu.memref_slice %arg9[%add3A_26, %dma_start3A_70] : memref<10000x16xf32, #tpu.memory_space<vmem_shared>> -> memref<125x16xf32, #tpu.memory_space<vmem_shared>>
      %dma_start3A_72 = arith.constant 0 : i32
      %dma_start3A_73 = tpu.memref_slice %arg9[%add3A_26, %dma_start3A_72] : memref<10000x16xf32, #tpu.memory_space<vmem_shared>> -> memref<125x16xf32, #tpu.memory_space<vmem_shared>>
      %dma_start3A_74 = arith.constant 0 : i32
      %dma_start3A_75 = arith.constant 0 : i32
      %dma_start3A_76 = tpu.memref_slice %arg18[%dma_start3A_74, %dma_start3A_75] : memref<128x16xf32, #tpu.memory_space<vmem>> -> memref<125x16xf32, #tpu.memory_space<vmem>>
      tpu.enqueue_dma source(%dma_start3A_76 : memref<125x16xf32, #tpu.memory_space<vmem>>) target(%dma_start3A_73 : memref<125x16xf32, #tpu.memory_space<vmem_shared>>) target_semaphore(%run_scoped3A : memref<!tpu.dma_semaphore, #tpu.memory_space<semaphore_mem>>)
      %dma_wait3A = arith.constant 0 : i32
      %dma_wait3A_77 = arith.constant 0 : i32
      %dma_wait3A_78 = tpu.memref_slice %arg18[%dma_wait3A, %dma_wait3A_77] : memref<128x16xf32, #tpu.memory_space<vmem>> -> memref<125x16xf32, #tpu.memory_space<vmem>>
      %dma_wait3A_79 = arith.constant 0 : i32
      %dma_wait3A_80 = tpu.memref_slice %arg9[%add3A_26, %dma_wait3A_79] : memref<10000x16xf32, #tpu.memory_space<vmem_shared>> -> memref<125x16xf32, #tpu.memory_space<vmem_shared>>
      %dma_wait3A_81 = arith.constant 0 : i32
      %dma_wait3A_82 = tpu.memref_slice %arg9[%add3A_26, %dma_wait3A_81] : memref<10000x16xf32, #tpu.memory_space<vmem_shared>> -> memref<125x16xf32, #tpu.memory_space<vmem_shared>>
      %dma_wait3A_83 = arith.constant 0 : i32
      %dma_wait3A_84 = arith.constant 0 : i32
      %dma_wait3A_85 = tpu.memref_slice %arg18[%dma_wait3A_83, %dma_wait3A_84] : memref<128x16xf32, #tpu.memory_space<vmem>> -> memref<125x16xf32, #tpu.memory_space<vmem>>
      tpu.wait_dma2 semaphore(%run_scoped3A : memref<!tpu.dma_semaphore, #tpu.memory_space<semaphore_mem>>) src(%dma_wait3A_85 : memref<125x16xf32, #tpu.memory_space<vmem>>) dst(%dma_wait3A_82 : memref<125x16xf32, #tpu.memory_space<vmem_shared>>)
      tpu.yield
    }) : () -> ()
    %mul3A_27 = arith.constant 625 : i32
    %mul3A_28 = arith.muli %arg1, %mul3A_27 : i32
    %add3A_29 = arith.constant 250 : i32
    %add3A_30 = arith.addi %mul3A_28, %add3A_29 : i32
    "tpu.region"() ({
      %run_scoped3A = tpu.sem_alloc : memref<!tpu.dma_semaphore, #tpu.memory_space<semaphore_mem>>
      %dma_start3A = arith.constant 0 : i32
      %dma_start3A_68 = arith.constant 0 : i32
      %dma_start3A_69 = tpu.memref_slice %arg14[%dma_start3A, %dma_start3A_68] : memref<128x128xf32, #tpu.memory_space<vmem>> -> memref<125x128xf32, #tpu.memory_space<vmem>>
      %dma_start3A_70 = arith.constant 0 : i32
      %dma_start3A_71 = tpu.memref_slice %arg8[%add3A_30, %dma_start3A_70] : memref<10000x128xf32, #tpu.memory_space<vmem_shared>> -> memref<125x128xf32, #tpu.memory_space<vmem_shared>>
      %dma_start3A_72 = arith.constant 0 : i32
      %dma_start3A_73 = tpu.memref_slice %arg8[%add3A_30, %dma_start3A_72] : memref<10000x128xf32, #tpu.memory_space<vmem_shared>> -> memref<125x128xf32, #tpu.memory_space<vmem_shared>>
      %dma_start3A_74 = arith.constant 0 : i32
      %dma_start3A_75 = arith.constant 0 : i32
      %dma_start3A_76 = tpu.memref_slice %arg14[%dma_start3A_74, %dma_start3A_75] : memref<128x128xf32, #tpu.memory_space<vmem>> -> memref<125x128xf32, #tpu.memory_space<vmem>>
      tpu.enqueue_dma source(%dma_start3A_76 : memref<125x128xf32, #tpu.memory_space<vmem>>) target(%dma_start3A_73 : memref<125x128xf32, #tpu.memory_space<vmem_shared>>) target_semaphore(%run_scoped3A : memref<!tpu.dma_semaphore, #tpu.memory_space<semaphore_mem>>)
      %dma_wait3A = arith.constant 0 : i32
      %dma_wait3A_77 = arith.constant 0 : i32
      %dma_wait3A_78 = tpu.memref_slice %arg14[%dma_wait3A, %dma_wait3A_77] : memref<128x128xf32, #tpu.memory_space<vmem>> -> memref<125x128xf32, #tpu.memory_space<vmem>>
      %dma_wait3A_79 = arith.constant 0 : i32
      %dma_wait3A_80 = tpu.memref_slice %arg8[%add3A_30, %dma_wait3A_79] : memref<10000x128xf32, #tpu.memory_space<vmem_shared>> -> memref<125x128xf32, #tpu.memory_space<vmem_shared>>
      %dma_wait3A_81 = arith.constant 0 : i32
      %dma_wait3A_82 = tpu.memref_slice %arg8[%add3A_30, %dma_wait3A_81] : memref<10000x128xf32, #tpu.memory_space<vmem_shared>> -> memref<125x128xf32, #tpu.memory_space<vmem_shared>>
      %dma_wait3A_83 = arith.constant 0 : i32
      %dma_wait3A_84 = arith.constant 0 : i32
      %dma_wait3A_85 = tpu.memref_slice %arg14[%dma_wait3A_83, %dma_wait3A_84] : memref<128x128xf32, #tpu.memory_space<vmem>> -> memref<125x128xf32, #tpu.memory_space<vmem>>
      tpu.wait_dma2 semaphore(%run_scoped3A : memref<!tpu.dma_semaphore, #tpu.memory_space<semaphore_mem>>) src(%dma_wait3A_85 : memref<125x128xf32, #tpu.memory_space<vmem>>) dst(%dma_wait3A_82 : memref<125x128xf32, #tpu.memory_space<vmem_shared>>)
      tpu.yield
    }) : () -> ()
    "tpu.region"() ({
      %run_scoped3A = tpu.sem_alloc : memref<!tpu.dma_semaphore, #tpu.memory_space<semaphore_mem>>
      %dma_start3A = arith.constant 0 : i32
      %dma_start3A_68 = arith.constant 0 : i32
      %dma_start3A_69 = tpu.memref_slice %arg18[%dma_start3A, %dma_start3A_68] : memref<128x16xf32, #tpu.memory_space<vmem>> -> memref<125x16xf32, #tpu.memory_space<vmem>>
      %dma_start3A_70 = arith.constant 0 : i32
      %dma_start3A_71 = tpu.memref_slice %arg9[%add3A_30, %dma_start3A_70] : memref<10000x16xf32, #tpu.memory_space<vmem_shared>> -> memref<125x16xf32, #tpu.memory_space<vmem_shared>>
      %dma_start3A_72 = arith.constant 0 : i32
      %dma_start3A_73 = tpu.memref_slice %arg9[%add3A_30, %dma_start3A_72] : memref<10000x16xf32, #tpu.memory_space<vmem_shared>> -> memref<125x16xf32, #tpu.memory_space<vmem_shared>>
      %dma_start3A_74 = arith.constant 0 : i32
      %dma_start3A_75 = arith.constant 0 : i32
      %dma_start3A_76 = tpu.memref_slice %arg18[%dma_start3A_74, %dma_start3A_75] : memref<128x16xf32, #tpu.memory_space<vmem>> -> memref<125x16xf32, #tpu.memory_space<vmem>>
      tpu.enqueue_dma source(%dma_start3A_76 : memref<125x16xf32, #tpu.memory_space<vmem>>) target(%dma_start3A_73 : memref<125x16xf32, #tpu.memory_space<vmem_shared>>) target_semaphore(%run_scoped3A : memref<!tpu.dma_semaphore, #tpu.memory_space<semaphore_mem>>)
      %dma_wait3A = arith.constant 0 : i32
      %dma_wait3A_77 = arith.constant 0 : i32
      %dma_wait3A_78 = tpu.memref_slice %arg18[%dma_wait3A, %dma_wait3A_77] : memref<128x16xf32, #tpu.memory_space<vmem>> -> memref<125x16xf32, #tpu.memory_space<vmem>>
      %dma_wait3A_79 = arith.constant 0 : i32
      %dma_wait3A_80 = tpu.memref_slice %arg9[%add3A_30, %dma_wait3A_79] : memref<10000x16xf32, #tpu.memory_space<vmem_shared>> -> memref<125x16xf32, #tpu.memory_space<vmem_shared>>
      %dma_wait3A_81 = arith.constant 0 : i32
      %dma_wait3A_82 = tpu.memref_slice %arg9[%add3A_30, %dma_wait3A_81] : memref<10000x16xf32, #tpu.memory_space<vmem_shared>> -> memref<125x16xf32, #tpu.memory_space<vmem_shared>>
      %dma_wait3A_83 = arith.constant 0 : i32
      %dma_wait3A_84 = arith.constant 0 : i32
      %dma_wait3A_85 = tpu.memref_slice %arg18[%dma_wait3A_83, %dma_wait3A_84] : memref<128x16xf32, #tpu.memory_space<vmem>> -> memref<125x16xf32, #tpu.memory_space<vmem>>
      tpu.wait_dma2 semaphore(%run_scoped3A : memref<!tpu.dma_semaphore, #tpu.memory_space<semaphore_mem>>) src(%dma_wait3A_85 : memref<125x16xf32, #tpu.memory_space<vmem>>) dst(%dma_wait3A_82 : memref<125x16xf32, #tpu.memory_space<vmem_shared>>)
      tpu.yield
    }) : () -> ()
    %mul3A_31 = arith.constant 625 : i32
    %mul3A_32 = arith.muli %arg1, %mul3A_31 : i32
    %add3A_33 = arith.constant 375 : i32
    %add3A_34 = arith.addi %mul3A_32, %add3A_33 : i32
    "tpu.region"() ({
      %run_scoped3A = tpu.sem_alloc : memref<!tpu.dma_semaphore, #tpu.memory_space<semaphore_mem>>
      %dma_start3A = arith.constant 0 : i32
      %dma_start3A_68 = arith.constant 0 : i32
      %dma_start3A_69 = tpu.memref_slice %arg14[%dma_start3A, %dma_start3A_68] : memref<128x128xf32, #tpu.memory_space<vmem>> -> memref<125x128xf32, #tpu.memory_space<vmem>>
      %dma_start3A_70 = arith.constant 0 : i32
      %dma_start3A_71 = tpu.memref_slice %arg8[%add3A_34, %dma_start3A_70] : memref<10000x128xf32, #tpu.memory_space<vmem_shared>> -> memref<125x128xf32, #tpu.memory_space<vmem_shared>>
      %dma_start3A_72 = arith.constant 0 : i32
      %dma_start3A_73 = tpu.memref_slice %arg8[%add3A_34, %dma_start3A_72] : memref<10000x128xf32, #tpu.memory_space<vmem_shared>> -> memref<125x128xf32, #tpu.memory_space<vmem_shared>>
      %dma_start3A_74 = arith.constant 0 : i32
      %dma_start3A_75 = arith.constant 0 : i32
      %dma_start3A_76 = tpu.memref_slice %arg14[%dma_start3A_74, %dma_start3A_75] : memref<128x128xf32, #tpu.memory_space<vmem>> -> memref<125x128xf32, #tpu.memory_space<vmem>>
      tpu.enqueue_dma source(%dma_start3A_76 : memref<125x128xf32, #tpu.memory_space<vmem>>) target(%dma_start3A_73 : memref<125x128xf32, #tpu.memory_space<vmem_shared>>) target_semaphore(%run_scoped3A : memref<!tpu.dma_semaphore, #tpu.memory_space<semaphore_mem>>)
      %dma_wait3A = arith.constant 0 : i32
      %dma_wait3A_77 = arith.constant 0 : i32
      %dma_wait3A_78 = tpu.memref_slice %arg14[%dma_wait3A, %dma_wait3A_77] : memref<128x128xf32, #tpu.memory_space<vmem>> -> memref<125x128xf32, #tpu.memory_space<vmem>>
      %dma_wait3A_79 = arith.constant 0 : i32
      %dma_wait3A_80 = tpu.memref_slice %arg8[%add3A_34, %dma_wait3A_79] : memref<10000x128xf32, #tpu.memory_space<vmem_shared>> -> memref<125x128xf32, #tpu.memory_space<vmem_shared>>
      %dma_wait3A_81 = arith.constant 0 : i32
      %dma_wait3A_82 = tpu.memref_slice %arg8[%add3A_34, %dma_wait3A_81] : memref<10000x128xf32, #tpu.memory_space<vmem_shared>> -> memref<125x128xf32, #tpu.memory_space<vmem_shared>>
      %dma_wait3A_83 = arith.constant 0 : i32
      %dma_wait3A_84 = arith.constant 0 : i32
      %dma_wait3A_85 = tpu.memref_slice %arg14[%dma_wait3A_83, %dma_wait3A_84] : memref<128x128xf32, #tpu.memory_space<vmem>> -> memref<125x128xf32, #tpu.memory_space<vmem>>
      tpu.wait_dma2 semaphore(%run_scoped3A : memref<!tpu.dma_semaphore, #tpu.memory_space<semaphore_mem>>) src(%dma_wait3A_85 : memref<125x128xf32, #tpu.memory_space<vmem>>) dst(%dma_wait3A_82 : memref<125x128xf32, #tpu.memory_space<vmem_shared>>)
      tpu.yield
    }) : () -> ()
    "tpu.region"() ({
      %run_scoped3A = tpu.sem_alloc : memref<!tpu.dma_semaphore, #tpu.memory_space<semaphore_mem>>
      %dma_start3A = arith.constant 0 : i32
      %dma_start3A_68 = arith.constant 0 : i32
      %dma_start3A_69 = tpu.memref_slice %arg18[%dma_start3A, %dma_start3A_68] : memref<128x16xf32, #tpu.memory_space<vmem>> -> memref<125x16xf32, #tpu.memory_space<vmem>>
      %dma_start3A_70 = arith.constant 0 : i32
      %dma_start3A_71 = tpu.memref_slice %arg9[%add3A_34, %dma_start3A_70] : memref<10000x16xf32, #tpu.memory_space<vmem_shared>> -> memref<125x16xf32, #tpu.memory_space<vmem_shared>>
      %dma_start3A_72 = arith.constant 0 : i32
      %dma_start3A_73 = tpu.memref_slice %arg9[%add3A_34, %dma_start3A_72] : memref<10000x16xf32, #tpu.memory_space<vmem_shared>> -> memref<125x16xf32, #tpu.memory_space<vmem_shared>>
      %dma_start3A_74 = arith.constant 0 : i32
      %dma_start3A_75 = arith.constant 0 : i32
      %dma_start3A_76 = tpu.memref_slice %arg18[%dma_start3A_74, %dma_start3A_75] : memref<128x16xf32, #tpu.memory_space<vmem>> -> memref<125x16xf32, #tpu.memory_space<vmem>>
      tpu.enqueue_dma source(%dma_start3A_76 : memref<125x16xf32, #tpu.memory_space<vmem>>) target(%dma_start3A_73 : memref<125x16xf32, #tpu.memory_space<vmem_shared>>) target_semaphore(%run_scoped3A : memref<!tpu.dma_semaphore, #tpu.memory_space<semaphore_mem>>)
      %dma_wait3A = arith.constant 0 : i32
      %dma_wait3A_77 = arith.constant 0 : i32
      %dma_wait3A_78 = tpu.memref_slice %arg18[%dma_wait3A, %dma_wait3A_77] : memref<128x16xf32, #tpu.memory_space<vmem>> -> memref<125x16xf32, #tpu.memory_space<vmem>>
      %dma_wait3A_79 = arith.constant 0 : i32
      %dma_wait3A_80 = tpu.memref_slice %arg9[%add3A_34, %dma_wait3A_79] : memref<10000x16xf32, #tpu.memory_space<vmem_shared>> -> memref<125x16xf32, #tpu.memory_space<vmem_shared>>
      %dma_wait3A_81 = arith.constant 0 : i32
      %dma_wait3A_82 = tpu.memref_slice %arg9[%add3A_34, %dma_wait3A_81] : memref<10000x16xf32, #tpu.memory_space<vmem_shared>> -> memref<125x16xf32, #tpu.memory_space<vmem_shared>>
      %dma_wait3A_83 = arith.constant 0 : i32
      %dma_wait3A_84 = arith.constant 0 : i32
      %dma_wait3A_85 = tpu.memref_slice %arg18[%dma_wait3A_83, %dma_wait3A_84] : memref<128x16xf32, #tpu.memory_space<vmem>> -> memref<125x16xf32, #tpu.memory_space<vmem>>
      tpu.wait_dma2 semaphore(%run_scoped3A : memref<!tpu.dma_semaphore, #tpu.memory_space<semaphore_mem>>) src(%dma_wait3A_85 : memref<125x16xf32, #tpu.memory_space<vmem>>) dst(%dma_wait3A_82 : memref<125x16xf32, #tpu.memory_space<vmem_shared>>)
      tpu.yield
    }) : () -> ()
    %mul3A_35 = arith.constant 625 : i32
    %mul3A_36 = arith.muli %arg1, %mul3A_35 : i32
    %add3A_37 = arith.constant 500 : i32
    %add3A_38 = arith.addi %mul3A_36, %add3A_37 : i32
    "tpu.region"() ({
      %run_scoped3A = tpu.sem_alloc : memref<!tpu.dma_semaphore, #tpu.memory_space<semaphore_mem>>
      %dma_start3A = arith.constant 0 : i32
      %dma_start3A_68 = arith.constant 0 : i32
      %dma_start3A_69 = tpu.memref_slice %arg14[%dma_start3A, %dma_start3A_68] : memref<128x128xf32, #tpu.memory_space<vmem>> -> memref<125x128xf32, #tpu.memory_space<vmem>>
      %dma_start3A_70 = arith.constant 0 : i32
      %dma_start3A_71 = tpu.memref_slice %arg8[%add3A_38, %dma_start3A_70] : memref<10000x128xf32, #tpu.memory_space<vmem_shared>> -> memref<125x128xf32, #tpu.memory_space<vmem_shared>>
      %dma_start3A_72 = arith.constant 0 : i32
      %dma_start3A_73 = tpu.memref_slice %arg8[%add3A_38, %dma_start3A_72] : memref<10000x128xf32, #tpu.memory_space<vmem_shared>> -> memref<125x128xf32, #tpu.memory_space<vmem_shared>>
      %dma_start3A_74 = arith.constant 0 : i32
      %dma_start3A_75 = arith.constant 0 : i32
      %dma_start3A_76 = tpu.memref_slice %arg14[%dma_start3A_74, %dma_start3A_75] : memref<128x128xf32, #tpu.memory_space<vmem>> -> memref<125x128xf32, #tpu.memory_space<vmem>>
      tpu.enqueue_dma source(%dma_start3A_76 : memref<125x128xf32, #tpu.memory_space<vmem>>) target(%dma_start3A_73 : memref<125x128xf32, #tpu.memory_space<vmem_shared>>) target_semaphore(%run_scoped3A : memref<!tpu.dma_semaphore, #tpu.memory_space<semaphore_mem>>)
      %dma_wait3A = arith.constant 0 : i32
      %dma_wait3A_77 = arith.constant 0 : i32
      %dma_wait3A_78 = tpu.memref_slice %arg14[%dma_wait3A, %dma_wait3A_77] : memref<128x128xf32, #tpu.memory_space<vmem>> -> memref<125x128xf32, #tpu.memory_space<vmem>>
      %dma_wait3A_79 = arith.constant 0 : i32
      %dma_wait3A_80 = tpu.memref_slice %arg8[%add3A_38, %dma_wait3A_79] : memref<10000x128xf32, #tpu.memory_space<vmem_shared>> -> memref<125x128xf32, #tpu.memory_space<vmem_shared>>
      %dma_wait3A_81 = arith.constant 0 : i32
      %dma_wait3A_82 = tpu.memref_slice %arg8[%add3A_38, %dma_wait3A_81] : memref<10000x128xf32, #tpu.memory_space<vmem_shared>> -> memref<125x128xf32, #tpu.memory_space<vmem_shared>>
      %dma_wait3A_83 = arith.constant 0 : i32
      %dma_wait3A_84 = arith.constant 0 : i32
      %dma_wait3A_85 = tpu.memref_slice %arg14[%dma_wait3A_83, %dma_wait3A_84] : memref<128x128xf32, #tpu.memory_space<vmem>> -> memref<125x128xf32, #tpu.memory_space<vmem>>
      tpu.wait_dma2 semaphore(%run_scoped3A : memref<!tpu.dma_semaphore, #tpu.memory_space<semaphore_mem>>) src(%dma_wait3A_85 : memref<125x128xf32, #tpu.memory_space<vmem>>) dst(%dma_wait3A_82 : memref<125x128xf32, #tpu.memory_space<vmem_shared>>)
      tpu.yield
    }) : () -> ()
    "tpu.region"() ({
      %run_scoped3A = tpu.sem_alloc : memref<!tpu.dma_semaphore, #tpu.memory_space<semaphore_mem>>
      %dma_start3A = arith.constant 0 : i32
      %dma_start3A_68 = arith.constant 0 : i32
      %dma_start3A_69 = tpu.memref_slice %arg18[%dma_start3A, %dma_start3A_68] : memref<128x16xf32, #tpu.memory_space<vmem>> -> memref<125x16xf32, #tpu.memory_space<vmem>>
      %dma_start3A_70 = arith.constant 0 : i32
      %dma_start3A_71 = tpu.memref_slice %arg9[%add3A_38, %dma_start3A_70] : memref<10000x16xf32, #tpu.memory_space<vmem_shared>> -> memref<125x16xf32, #tpu.memory_space<vmem_shared>>
      %dma_start3A_72 = arith.constant 0 : i32
      %dma_start3A_73 = tpu.memref_slice %arg9[%add3A_38, %dma_start3A_72] : memref<10000x16xf32, #tpu.memory_space<vmem_shared>> -> memref<125x16xf32, #tpu.memory_space<vmem_shared>>
      %dma_start3A_74 = arith.constant 0 : i32
      %dma_start3A_75 = arith.constant 0 : i32
      %dma_start3A_76 = tpu.memref_slice %arg18[%dma_start3A_74, %dma_start3A_75] : memref<128x16xf32, #tpu.memory_space<vmem>> -> memref<125x16xf32, #tpu.memory_space<vmem>>
      tpu.enqueue_dma source(%dma_start3A_76 : memref<125x16xf32, #tpu.memory_space<vmem>>) target(%dma_start3A_73 : memref<125x16xf32, #tpu.memory_space<vmem_shared>>) target_semaphore(%run_scoped3A : memref<!tpu.dma_semaphore, #tpu.memory_space<semaphore_mem>>)
      %dma_wait3A = arith.constant 0 : i32
      %dma_wait3A_77 = arith.constant 0 : i32
      %dma_wait3A_78 = tpu.memref_slice %arg18[%dma_wait3A, %dma_wait3A_77] : memref<128x16xf32, #tpu.memory_space<vmem>> -> memref<125x16xf32, #tpu.memory_space<vmem>>
      %dma_wait3A_79 = arith.constant 0 : i32
      %dma_wait3A_80 = tpu.memref_slice %arg9[%add3A_38, %dma_wait3A_79] : memref<10000x16xf32, #tpu.memory_space<vmem_shared>> -> memref<125x16xf32, #tpu.memory_space<vmem_shared>>
      %dma_wait3A_81 = arith.constant 0 : i32
      %dma_wait3A_82 = tpu.memref_slice %arg9[%add3A_38, %dma_wait3A_81] : memref<10000x16xf32, #tpu.memory_space<vmem_shared>> -> memref<125x16xf32, #tpu.memory_space<vmem_shared>>
      %dma_wait3A_83 = arith.constant 0 : i32
      %dma_wait3A_84 = arith.constant 0 : i32
      %dma_wait3A_85 = tpu.memref_slice %arg18[%dma_wait3A_83, %dma_wait3A_84] : memref<128x16xf32, #tpu.memory_space<vmem>> -> memref<125x16xf32, #tpu.memory_space<vmem>>
      tpu.wait_dma2 semaphore(%run_scoped3A : memref<!tpu.dma_semaphore, #tpu.memory_space<semaphore_mem>>) src(%dma_wait3A_85 : memref<125x16xf32, #tpu.memory_space<vmem>>) dst(%dma_wait3A_82 : memref<125x16xf32, #tpu.memory_space<vmem_shared>>)
      tpu.yield
    }) : () -> ()
    %sub3A = arith.constant 1250 : i32
    %sub3A_39 = arith.subi %sub3A, %arg1 : i32
    %add3A_40 = arith.constant 16 : i32
    %add3A_41 = arith.addi %sub3A_39, %add3A_40 : i32
    %sub3A_42 = arith.constant 1 : i32
    %sub3A_43 = arith.subi %add3A_41, %sub3A_42 : i32
    %jit3A = arith.constant 16 : i32
    %div3A = arith.divsi %sub3A_43, %jit3A : i32
    %sign3A = arith.constant 0 : i32
    %sign3A_44 = arith.cmpi sgt, %sub3A_43, %sign3A : i32
    %sign3A_45 = arith.extui %sign3A_44 : i1 to i32
    %sign3A_46 = arith.constant 0 : i32
    %sign3A_47 = arith.cmpi slt, %sub3A_43, %sign3A_46 : i32
    %sign3A_48 = arith.extui %sign3A_47 : i1 to i32
    %sign3A_49 = arith.subi %sign3A_45, %sign3A_48 : i32
    %sign3A_50 = arith.constant 0 : i32
    %sign3A_51 = arith.cmpi sgt, %jit3A, %sign3A_50 : i32
    %sign3A_52 = arith.extui %sign3A_51 : i1 to i32
    %sign3A_53 = arith.constant 0 : i32
    %sign3A_54 = arith.cmpi slt, %jit3A, %sign3A_53 : i32
    %sign3A_55 = arith.extui %sign3A_54 : i1 to i32
    %sign3A_56 = arith.subi %sign3A_52, %sign3A_55 : i32
    %ne3A = arith.cmpi ne, %sign3A_49, %sign3A_56 : i32
    %rem3A = arith.remsi %sub3A_43, %jit3A : i32
    %ne3A_57 = arith.constant 0 : i32
    %ne3A_58 = arith.cmpi ne, %rem3A, %ne3A_57 : i32
    %and3A = arith.andi %ne3A, %ne3A_58 : i1
    %sub3A_59 = arith.constant 1 : i32
    %sub3A_60 = arith.subi %div3A, %sub3A_59 : i32
    %select_n3A = arith.select %and3A, %sub3A_60, %div3A : i32
    %scan3A_61 = arith.constant 0 : i32
    %scan3A_62 = arith.constant 0 : i32
    %scan3A_63 = arith.constant 16 : i32
    %scan3A_64 = arith.addi %scan3A_62, %scan3A_63 : i32
    %scan3A_65 = arith.constant 1 : i32
    %scan3A_66 = scf.for %scan3A_68 = %scan3A_62 to %scan3A_64 step %scan3A_65 iter_args(%scan3A_69 = %scan3A_61) -> (i32)  : i32 {
      %mul3A_70 = arith.constant 16 : i32
      %mul3A_71 = arith.muli %arg0, %mul3A_70 : i32
      %add3A_72 = arith.addi %mul3A_71, %scan3A_68 : i32
      %mul3A_73 = arith.constant 10000 : i32
      %mul3A_74 = arith.muli %add3A_72, %mul3A_73 : i32
      %barrier3A = arith.constant 0 : index
      tpu.barrier barrier_id(%barrier3A)
      %scan3A_75 = arith.constant 0 : i32
      %scan3A_76 = arith.constant 0 : i32
      %scan3A_77 = arith.constant 8 : i32
      %scan3A_78 = arith.addi %scan3A_76, %scan3A_77 : i32
      %scan3A_79 = arith.constant 1 : i32
      %scan3A_80 = scf.for %scan3A_126 = %scan3A_76 to %scan3A_78 step %scan3A_79 iter_args(%scan3A_127 = %scan3A_75) -> (i32)  : i32 {
        %broadcast_in_dim3A_128 = arith.constant 0 : i32
        %broadcast_in_dim3A_129 = vector.broadcast %broadcast_in_dim3A_128 : i32 to vector<16xi32>
        %mul3A_130 = arith.constant 16 : i32
        %mul3A_131 = arith.muli %scan3A_126, %mul3A_130 : i32
        %swap3A = arith.index_cast %mul3A_131 : i32 to index
        %swap3A_132 = tpu.vector_load %arg11[%swap3A] {strides = array<i32>} : memref<128xi32, #tpu.memory_space<vmem>>, vector<16xi32>,
        tpu.vector_store %arg11[%swap3A], %broadcast_in_dim3A_129 {strides = array<i32>} : memref<128xi32, #tpu.memory_space<vmem>>, vector<16xi32>,
        %scan3A_133 = arith.constant 0 : i32
        scf.yield %scan3A_133 : i32
      }
      %scan3A_81 = arith.constant 8 : i32
      %dma_start3A = arith.constant 0 : i32
      %dma_start3A_82 = arith.constant 0 : i32
      %dma_start3A_83 = tpu.memref_slice %arg8[%dma_start3A, %dma_start3A_82] : memref<10000x128xf32, #tpu.memory_space<vmem_shared>> -> memref<10000x128xf32, #tpu.memory_space<vmem_shared>>
      tpu.enqueue_indirect_dma source(%arg14 : memref<128x128xf32, #tpu.memory_space<vmem>>) target(%dma_start3A_83 : memref<10000x128xf32, #tpu.memory_space<vmem_shared>>) offsets(%arg11 : memref<128xi32, #tpu.memory_space<vmem>>) semaphore(%arg21 : memref<!tpu.dma_semaphore, #tpu.memory_space<semaphore_mem>>) {add = true}
      %dma_start3A_84 = arith.constant 0 : i32
      %dma_start3A_85 = arith.constant 0 : i32
      %dma_start3A_86 = tpu.memref_slice %arg9[%dma_start3A_84, %dma_start3A_85] : memref<10000x16xf32, #tpu.memory_space<vmem_shared>> -> memref<10000x16xf32, #tpu.memory_space<vmem_shared>>
      tpu.enqueue_indirect_dma source(%arg18 : memref<128x16xf32, #tpu.memory_space<vmem>>) target(%dma_start3A_86 : memref<10000x16xf32, #tpu.memory_space<vmem_shared>>) offsets(%arg11 : memref<128xi32, #tpu.memory_space<vmem>>) semaphore(%arg21 : memref<!tpu.dma_semaphore, #tpu.memory_space<semaphore_mem>>) {add = true}
      %while3A = arith.constant 0 : i32
      %while3A_87 = arith.constant 0 : i32
      %while3A_88 = arith.subi %select_n3A, %while3A : i32
      %while3A_89 = arith.addi %while3A, %while3A_88 : i32
      %while3A_90 = arith.constant 1 : i32
      %while3A_91 = arith.divsi %while3A_88, %while3A_90 : i32
      %while3A_92 = arith.muli %while3A_91, %while3A_90 : i32
      %while3A_93 = arith.addi %while3A, %while3A_92 : i32
      %while3A_94 = arith.constant 1 : i32
      %while3A_95 = scf.for %while3A_126 = %while3A to %while3A_93 step %while3A_94 iter_args(%while3A_127 = %while3A_87) -> (i32)  : i32 {
        %mul3A_128 = arith.constant 16 : i32
        %mul3A_129 = arith.muli %while3A_126, %mul3A_128 : i32
        %add3A_130 = arith.addi %arg1, %mul3A_129 : i32
        %mul3A_131 = arith.constant 128 : i32
        %mul3A_132 = arith.muli %add3A_130, %mul3A_131 : i32
        "tpu.region"() ({
          %run_scoped3A = tpu.sem_alloc : memref<!tpu.dma_semaphore, #tpu.memory_space<semaphore_mem>>
          %dma_start3A_185 = tpu.memref_slice %arg4[%mul3A_132] : memref<160000xi32, #tpu.memory_space<hbm>> -> memref<128xi32, #tpu.memory_space<hbm>>
          %dma_start3A_186 = tpu.memref_slice %arg4[%mul3A_132] : memref<160000xi32, #tpu.memory_space<hbm>> -> memref<128xi32, #tpu.memory_space<hbm>>
          tpu.enqueue_dma source(%dma_start3A_186 : memref<128xi32, #tpu.memory_space<hbm>>) target(%arg10 : memref<128xi32, #tpu.memory_space<vmem>>) target_semaphore(%run_scoped3A : memref<!tpu.dma_semaphore, #tpu.memory_space<semaphore_mem>>)
          %dma_wait3A_187 = tpu.memref_slice %arg4[%mul3A_132] : memref<160000xi32, #tpu.memory_space<hbm>> -> memref<128xi32, #tpu.memory_space<hbm>>
          %dma_wait3A_188 = tpu.memref_slice %arg4[%mul3A_132] : memref<160000xi32, #tpu.memory_space<hbm>> -> memref<128xi32, #tpu.memory_space<hbm>>
          tpu.wait_dma2 semaphore(%run_scoped3A : memref<!tpu.dma_semaphore, #tpu.memory_space<semaphore_mem>>) src(%dma_wait3A_188 : memref<128xi32, #tpu.memory_space<hbm>>) dst(%arg10 : memref<128xi32, #tpu.memory_space<vmem>>)
          tpu.yield
        }) : () -> ()
        %dma_wait3A_133 = arith.constant 0 : i32
        %dma_wait3A_134 = arith.constant 0 : i32
        %dma_wait3A_135 = tpu.memref_slice %arg8[%dma_wait3A_133, %dma_wait3A_134] : memref<10000x128xf32, #tpu.memory_space<vmem_shared>> -> memref<10000x128xf32, #tpu.memory_space<vmem_shared>>
        tpu.wait_indirect_dma semaphore(%arg21 : memref<!tpu.dma_semaphore, #tpu.memory_space<semaphore_mem>>) src(%arg14 : memref<128x128xf32, #tpu.memory_space<vmem>>) dst(%dma_wait3A_135 : memref<10000x128xf32, #tpu.memory_space<vmem_shared>>)
        %dma_wait3A_136 = arith.constant 0 : i32
        %dma_wait3A_137 = arith.constant 0 : i32
        %dma_wait3A_138 = tpu.memref_slice %arg9[%dma_wait3A_136, %dma_wait3A_137] : memref<10000x16xf32, #tpu.memory_space<vmem_shared>> -> memref<10000x16xf32, #tpu.memory_space<vmem_shared>>
        tpu.wait_indirect_dma semaphore(%arg21 : memref<!tpu.dma_semaphore, #tpu.memory_space<semaphore_mem>>) src(%arg17 : memref<128x16xf32, #tpu.memory_space<vmem>>) dst(%dma_wait3A_138 : memref<10000x16xf32, #tpu.memory_space<vmem_shared>>)
        "tpu.region"() ({
          %run_scoped3A = tpu.sem_alloc : memref<!tpu.dma_semaphore, #tpu.memory_space<semaphore_mem>>
          %dma_start3A_185 = tpu.memref_slice %arg5[%mul3A_132] : memref<160000xi32, #tpu.memory_space<hbm>> -> memref<128xi32, #tpu.memory_space<hbm>>
          %dma_start3A_186 = tpu.memref_slice %arg5[%mul3A_132] : memref<160000xi32, #tpu.memory_space<hbm>> -> memref<128xi32, #tpu.memory_space<hbm>>
          tpu.enqueue_dma source(%dma_start3A_186 : memref<128xi32, #tpu.memory_space<hbm>>) target(%arg11 : memref<128xi32, #tpu.memory_space<vmem>>) target_semaphore(%run_scoped3A : memref<!tpu.dma_semaphore, #tpu.memory_space<semaphore_mem>>)
          %dma_wait3A_187 = tpu.memref_slice %arg5[%mul3A_132] : memref<160000xi32, #tpu.memory_space<hbm>> -> memref<128xi32, #tpu.memory_space<hbm>>
          %dma_wait3A_188 = tpu.memref_slice %arg5[%mul3A_132] : memref<160000xi32, #tpu.memory_space<hbm>> -> memref<128xi32, #tpu.memory_space<hbm>>
          tpu.wait_dma2 semaphore(%run_scoped3A : memref<!tpu.dma_semaphore, #tpu.memory_space<semaphore_mem>>) src(%dma_wait3A_188 : memref<128xi32, #tpu.memory_space<hbm>>) dst(%arg11 : memref<128xi32, #tpu.memory_space<vmem>>)
          tpu.yield
        }) : () -> ()
        %scan3A_139 = arith.constant 0 : i32
        %scan3A_140 = arith.constant 0 : i32
        %scan3A_141 = arith.constant 8 : i32
        %scan3A_142 = arith.addi %scan3A_140, %scan3A_141 : i32
        %scan3A_143 = arith.constant 4 : i32
        %scan3A_144 = scf.for %scan3A_185 = %scan3A_140 to %scan3A_142 step %scan3A_143 iter_args(%scan3A_186 = %scan3A_139) -> (i32)  : i32 {
          %mul3A_187 = arith.constant 16 : i32
          %mul3A_188 = arith.muli %scan3A_185, %mul3A_187 : i32
          %get3A = arith.index_cast %mul3A_188 : i32 to index
          %get3A_189 = tpu.vector_load %arg10[%get3A] {strides = array<i32>} : memref<128xi32, #tpu.memory_space<vmem>>, vector<16xi32>,
          %add3A_190 = vector.broadcast %mul3A_74 : i32 to vector<16xi32>
          %add3A_191 = arith.addi %get3A_189, %add3A_190 : vector<16xi32>
          %mul3A_192 = arith.constant 16 : i32
          %mul3A_193 = arith.muli %scan3A_185, %mul3A_192 : i32
          %swap3A = arith.index_cast %mul3A_193 : i32 to index
          %swap3A_194 = tpu.vector_load %arg12[%swap3A] {strides = array<i32>} : memref<128xi32, #tpu.memory_space<vmem>>, vector<16xi32>,
          tpu.vector_store %arg12[%swap3A], %add3A_191 {strides = array<i32>} : memref<128xi32, #tpu.memory_space<vmem>>, vector<16xi32>,
          %mul3A_195 = arith.constant 16 : i32
          %mul3A_196 = arith.muli %scan3A_185, %mul3A_195 : i32
          %get3A_197 = arith.index_cast %mul3A_196 : i32 to index
          %get3A_198 = tpu.vector_load %arg11[%get3A_197] {strides = array<i32>} : memref<128xi32, #tpu.memory_space<vmem>>, vector<16xi32>,
          %add3A_199 = vector.broadcast %mul3A_74 : i32 to vector<16xi32>
          %add3A_200 = arith.addi %get3A_198, %add3A_199 : vector<16xi32>
          %mul3A_201 = arith.constant 16 : i32
          %mul3A_202 = arith.muli %scan3A_185, %mul3A_201 : i32
          %swap3A_203 = arith.index_cast %mul3A_202 : i32 to index
          %swap3A_204 = tpu.vector_load %arg13[%swap3A_203] {strides = array<i32>} : memref<128xi32, #tpu.memory_space<vmem>>, vector<16xi32>,
          tpu.vector_store %arg13[%swap3A_203], %add3A_200 {strides = array<i32>} : memref<128xi32, #tpu.memory_space<vmem>>, vector<16xi32>,
          %scan3A_205 = arith.constant 0 : i32
          %scan3A_206 = arith.constant 1 : i32
          %scan3A_207 = arith.addi %scan3A_185, %scan3A_206 : i32
          %mul3A_208 = arith.constant 16 : i32
          %mul3A_209 = arith.muli %scan3A_207, %mul3A_208 : i32
          %get3A_210 = arith.index_cast %mul3A_209 : i32 to index
          %get3A_211 = tpu.vector_load %arg10[%get3A_210] {strides = array<i32>} : memref<128xi32, #tpu.memory_space<vmem>>, vector<16xi32>,
          %add3A_212 = vector.broadcast %mul3A_74 : i32 to vector<16xi32>
          %add3A_213 = arith.addi %get3A_211, %add3A_212 : vector<16xi32>
          %mul3A_214 = arith.constant 16 : i32
          %mul3A_215 = arith.muli %scan3A_207, %mul3A_214 : i32
          %swap3A_216 = arith.index_cast %mul3A_215 : i32 to index
          %swap3A_217 = tpu.vector_load %arg12[%swap3A_216] {strides = array<i32>} : memref<128xi32, #tpu.memory_space<vmem>>, vector<16xi32>,
          tpu.vector_store %arg12[%swap3A_216], %add3A_213 {strides = array<i32>} : memref<128xi32, #tpu.memory_space<vmem>>, vector<16xi32>,
          %mul3A_218 = arith.constant 16 : i32
          %mul3A_219 = arith.muli %scan3A_207, %mul3A_218 : i32
          %get3A_220 = arith.index_cast %mul3A_219 : i32 to index
          %get3A_221 = tpu.vector_load %arg11[%get3A_220] {strides = array<i32>} : memref<128xi32, #tpu.memory_space<vmem>>, vector<16xi32>,
          %add3A_222 = vector.broadcast %mul3A_74 : i32 to vector<16xi32>
          %add3A_223 = arith.addi %get3A_221, %add3A_222 : vector<16xi32>
          %mul3A_224 = arith.constant 16 : i32
          %mul3A_225 = arith.muli %scan3A_207, %mul3A_224 : i32
          %swap3A_226 = arith.index_cast %mul3A_225 : i32 to index
          %swap3A_227 = tpu.vector_load %arg13[%swap3A_226] {strides = array<i32>} : memref<128xi32, #tpu.memory_space<vmem>>, vector<16xi32>,
          tpu.vector_store %arg13[%swap3A_226], %add3A_223 {strides = array<i32>} : memref<128xi32, #tpu.memory_space<vmem>>, vector<16xi32>,
          %scan3A_228 = arith.constant 0 : i32
          %scan3A_229 = arith.constant 2 : i32
          %scan3A_230 = arith.addi %scan3A_185, %scan3A_229 : i32
          %mul3A_231 = arith.constant 16 : i32
          %mul3A_232 = arith.muli %scan3A_230, %mul3A_231 : i32
          %get3A_233 = arith.index_cast %mul3A_232 : i32 to index
          %get3A_234 = tpu.vector_load %arg10[%get3A_233] {strides = array<i32>} : memref<128xi32, #tpu.memory_space<vmem>>, vector<16xi32>,
          %add3A_235 = vector.broadcast %mul3A_74 : i32 to vector<16xi32>
          %add3A_236 = arith.addi %get3A_234, %add3A_235 : vector<16xi32>
          %mul3A_237 = arith.constant 16 : i32
          %mul3A_238 = arith.muli %scan3A_230, %mul3A_237 : i32
          %swap3A_239 = arith.index_cast %mul3A_238 : i32 to index
          %swap3A_240 = tpu.vector_load %arg12[%swap3A_239] {strides = array<i32>} : memref<128xi32, #tpu.memory_space<vmem>>, vector<16xi32>,
          tpu.vector_store %arg12[%swap3A_239], %add3A_236 {strides = array<i32>} : memref<128xi32, #tpu.memory_space<vmem>>, vector<16xi32>,
          %mul3A_241 = arith.constant 16 : i32
          %mul3A_242 = arith.muli %scan3A_230, %mul3A_241 : i32
          %get3A_243 = arith.index_cast %mul3A_242 : i32 to index
          %get3A_244 = tpu.vector_load %arg11[%get3A_243] {strides = array<i32>} : memref<128xi32, #tpu.memory_space<vmem>>, vector<16xi32>,
          %add3A_245 = vector.broadcast %mul3A_74 : i32 to vector<16xi32>
          %add3A_246 = arith.addi %get3A_244, %add3A_245 : vector<16xi32>
          %mul3A_247 = arith.constant 16 : i32
          %mul3A_248 = arith.muli %scan3A_230, %mul3A_247 : i32
          %swap3A_249 = arith.index_cast %mul3A_248 : i32 to index
          %swap3A_250 = tpu.vector_load %arg13[%swap3A_249] {strides = array<i32>} : memref<128xi32, #tpu.memory_space<vmem>>, vector<16xi32>,
          tpu.vector_store %arg13[%swap3A_249], %add3A_246 {strides = array<i32>} : memref<128xi32, #tpu.memory_space<vmem>>, vector<16xi32>,
          %scan3A_251 = arith.constant 0 : i32
          %scan3A_252 = arith.constant 3 : i32
          %scan3A_253 = arith.addi %scan3A_185, %scan3A_252 : i32
          %mul3A_254 = arith.constant 16 : i32
          %mul3A_255 = arith.muli %scan3A_253, %mul3A_254 : i32
          %get3A_256 = arith.index_cast %mul3A_255 : i32 to index
          %get3A_257 = tpu.vector_load %arg10[%get3A_256] {strides = array<i32>} : memref<128xi32, #tpu.memory_space<vmem>>, vector<16xi32>,
          %add3A_258 = vector.broadcast %mul3A_74 : i32 to vector<16xi32>
          %add3A_259 = arith.addi %get3A_257, %add3A_258 : vector<16xi32>
          %mul3A_260 = arith.constant 16 : i32
          %mul3A_261 = arith.muli %scan3A_253, %mul3A_260 : i32
          %swap3A_262 = arith.index_cast %mul3A_261 : i32 to index
          %swap3A_263 = tpu.vector_load %arg12[%swap3A_262] {strides = array<i32>} : memref<128xi32, #tpu.memory_space<vmem>>, vector<16xi32>,
          tpu.vector_store %arg12[%swap3A_262], %add3A_259 {strides = array<i32>} : memref<128xi32, #tpu.memory_space<vmem>>, vector<16xi32>,
          %mul3A_264 = arith.constant 16 : i32
          %mul3A_265 = arith.muli %scan3A_253, %mul3A_264 : i32
          %get3A_266 = arith.index_cast %mul3A_265 : i32 to index
          %get3A_267 = tpu.vector_load %arg11[%get3A_266] {strides = array<i32>} : memref<128xi32, #tpu.memory_space<vmem>>, vector<16xi32>,
          %add3A_268 = vector.broadcast %mul3A_74 : i32 to vector<16xi32>
          %add3A_269 = arith.addi %get3A_267, %add3A_268 : vector<16xi32>
          %mul3A_270 = arith.constant 16 : i32
          %mul3A_271 = arith.muli %scan3A_253, %mul3A_270 : i32
          %swap3A_272 = arith.index_cast %mul3A_271 : i32 to index
          %swap3A_273 = tpu.vector_load %arg13[%swap3A_272] {strides = array<i32>} : memref<128xi32, #tpu.memory_space<vmem>>, vector<16xi32>,
          tpu.vector_store %arg13[%swap3A_272], %add3A_269 {strides = array<i32>} : memref<128xi32, #tpu.memory_space<vmem>>, vector<16xi32>,
          %scan3A_274 = arith.constant 0 : i32
          scf.yield %scan3A_274 : i32
        }
        %scan3A_145 = arith.constant 8 : i32
        %dma_start3A_146 = arith.constant 0 : i32
        %dma_start3A_147 = arith.constant 0 : i32
        %dma_start3A_148 = tpu.memref_slice %arg2[%dma_start3A_146, %dma_start3A_147] : memref<320000x128xf32, #tpu.memory_space<hbm>> -> memref<320000x128xf32, #tpu.memory_space<hbm>>
        tpu.enqueue_indirect_dma source(%dma_start3A_148 : memref<320000x128xf32, #tpu.memory_space<hbm>>) target(%arg14 : memref<128x128xf32, #tpu.memory_space<vmem>>) offsets(%arg12 : memref<128xi32, #tpu.memory_space<vmem>>) semaphore(%arg19 : memref<!tpu.dma_semaphore, #tpu.memory_space<semaphore_mem>>)
        %dma_start3A_149 = arith.constant 0 : i32
        %dma_start3A_150 = arith.constant 0 : i32
        %dma_start3A_151 = tpu.memref_slice %arg3[%dma_start3A_149, %dma_start3A_150] : memref<320000x16xf32, #tpu.memory_space<hbm>> -> memref<320000x16xf32, #tpu.memory_space<hbm>>
        tpu.enqueue_indirect_dma source(%dma_start3A_151 : memref<320000x16xf32, #tpu.memory_space<hbm>>) target(%arg15 : memref<128x16xf32, #tpu.memory_space<vmem>>) offsets(%arg12 : memref<128xi32, #tpu.memory_space<vmem>>) semaphore(%arg20 : memref<!tpu.dma_semaphore, #tpu.memory_space<semaphore_mem>>)
        %dma_start3A_152 = arith.constant 0 : i32
        %dma_start3A_153 = arith.constant 0 : i32
        %dma_start3A_154 = tpu.memref_slice %arg3[%dma_start3A_152, %dma_start3A_153] : memref<320000x16xf32, #tpu.memory_space<hbm>> -> memref<320000x16xf32, #tpu.memory_space<hbm>>
        tpu.enqueue_indirect_dma source(%dma_start3A_154 : memref<320000x16xf32, #tpu.memory_space<hbm>>) target(%arg16 : memref<128x16xf32, #tpu.memory_space<vmem>>) offsets(%arg13 : memref<128xi32, #tpu.memory_space<vmem>>) semaphore(%arg20 : memref<!tpu.dma_semaphore, #tpu.memory_space<semaphore_mem>>)
        %dma_wait3A_155 = arith.constant 0 : i32
        %dma_wait3A_156 = arith.constant 0 : i32
        %dma_wait3A_157 = tpu.memref_slice %arg3[%dma_wait3A_155, %dma_wait3A_156] : memref<320000x16xf32, #tpu.memory_space<hbm>> -> memref<320000x16xf32, #tpu.memory_space<hbm>>
        tpu.wait_indirect_dma semaphore(%arg20 : memref<!tpu.dma_semaphore, #tpu.memory_space<semaphore_mem>>) src(%dma_wait3A_157 : memref<320000x16xf32, #tpu.memory_space<hbm>>) dst(%arg15 : memref<128x16xf32, #tpu.memory_space<vmem>>)
        %dma_wait3A_158 = arith.constant 0 : i32
        %dma_wait3A_159 = arith.constant 0 : i32
        %dma_wait3A_160 = tpu.memref_slice %arg3[%dma_wait3A_158, %dma_wait3A_159] : memref<320000x16xf32, #tpu.memory_space<hbm>> -> memref<320000x16xf32, #tpu.memory_space<hbm>>
        tpu.wait_indirect_dma semaphore(%arg20 : memref<!tpu.dma_semaphore, #tpu.memory_space<semaphore_mem>>) src(%dma_wait3A_160 : memref<320000x16xf32, #tpu.memory_space<hbm>>) dst(%arg16 : memref<128x16xf32, #tpu.memory_space<vmem>>)
        %scan3A_161 = arith.constant 0 : i32
        %scan3A_162 = arith.constant 0 : i32
        %scan3A_163 = arith.constant 32 : i32
        %scan3A_164 = arith.addi %scan3A_162, %scan3A_163 : i32
        %scan3A_165 = arith.constant 4 : i32
        %scan3A_166 = scf.for %scan3A_185 = %scan3A_162 to %scan3A_164 step %scan3A_165 iter_args(%scan3A_186 = %scan3A_161) -> (i32)  : i32 {
          %mul3A_187 = arith.constant 16 : i32
          %mul3A_188 = arith.muli %scan3A_185, %mul3A_187 : i32
          %add3A_189 = vector.broadcast %mul3A_188 : i32 to vector<16xi32>
          %add3A_190 = arith.addi %add3A_189, %iota3A : vector<16xi32>
          %shift_right_arithmetic3A = arith.constant 2 : i32
          %shift_right_arithmetic3A_191 = vector.broadcast %shift_right_arithmetic3A : i32 to vector<16xi32>
          %shift_right_arithmetic3A_192 = arith.shrsi %add3A_190, %shift_right_arithmetic3A_191 : vector<16xi32>
          %and3A_193 = arith.constant 3 : i32
          %and3A_194 = vector.broadcast %and3A_193 : i32 to vector<16xi32>
          %and3A_195 = arith.andi %add3A_190, %and3A_194 : vector<16xi32>
          %gather3A = tpu.vector_load_idx %arg15[%shift_right_arithmetic3A_192, %and3A_195] : memref<128x16xf32, #tpu.memory_space<vmem>>[vector<16xi32>, vector<16xi32>], vector<16xf32>,
          %add3A_196 = arith.constant 4 : i32
          %add3A_197 = vector.broadcast %add3A_196 : i32 to vector<16xi32>
          %add3A_198 = arith.addi %and3A_195, %add3A_197 : vector<16xi32>
          %gather3A_199 = tpu.vector_load_idx %arg16[%shift_right_arithmetic3A_192, %add3A_198] : memref<128x16xf32, #tpu.memory_space<vmem>>[vector<16xi32>, vector<16xi32>], vector<16xf32>,
          %add3A_200 = arith.addf %gather3A, %gather3A_199 : vector<16xf32>
          %gt3A = arith.constant 0.000000e+00 : f32
          %gt3A_201 = vector.broadcast %gt3A : f32 to vector<16xf32>
          %gt3A_202 = arith.cmpf ogt, %add3A_200, %gt3A_201 : vector<16xf32>
          %mul3A_203 = arith.constant 2.000000e-01 : f32
          %mul3A_204 = vector.broadcast %mul3A_203 : f32 to vector<16xf32>
          %mul3A_205 = arith.mulf %mul3A_204, %add3A_200 : vector<16xf32>
          %select_n3A_206 = arith.select %gt3A_202, %add3A_200, %mul3A_205 : vector<16xi1>, vector<16xf32>
          %exp3A = math.exp %select_n3A_206 : vector<16xf32>
          tpu.vector_store_idx %arg17[%shift_right_arithmetic3A_192, %and3A_195], %exp3A : memref<128x16xf32, #tpu.memory_space<vmem>>[vector<16xi32>, vector<16xi32>], vector<16xf32>,
          %scan3A_207 = arith.constant 0 : i32
          %scan3A_208 = arith.constant 1 : i32
          %scan3A_209 = arith.addi %scan3A_185, %scan3A_208 : i32
          %mul3A_210 = arith.constant 16 : i32
          %mul3A_211 = arith.muli %scan3A_209, %mul3A_210 : i32
          %add3A_212 = vector.broadcast %mul3A_211 : i32 to vector<16xi32>
          %add3A_213 = arith.addi %add3A_212, %iota3A : vector<16xi32>
          %shift_right_arithmetic3A_214 = arith.constant 2 : i32
          %shift_right_arithmetic3A_215 = vector.broadcast %shift_right_arithmetic3A_214 : i32 to vector<16xi32>
          %shift_right_arithmetic3A_216 = arith.shrsi %add3A_213, %shift_right_arithmetic3A_215 : vector<16xi32>
          %and3A_217 = arith.constant 3 : i32
          %and3A_218 = vector.broadcast %and3A_217 : i32 to vector<16xi32>
          %and3A_219 = arith.andi %add3A_213, %and3A_218 : vector<16xi32>
          %gather3A_220 = tpu.vector_load_idx %arg15[%shift_right_arithmetic3A_216, %and3A_219] : memref<128x16xf32, #tpu.memory_space<vmem>>[vector<16xi32>, vector<16xi32>], vector<16xf32>,
          %add3A_221 = arith.constant 4 : i32
          %add3A_222 = vector.broadcast %add3A_221 : i32 to vector<16xi32>
          %add3A_223 = arith.addi %and3A_219, %add3A_222 : vector<16xi32>
          %gather3A_224 = tpu.vector_load_idx %arg16[%shift_right_arithmetic3A_216, %add3A_223] : memref<128x16xf32, #tpu.memory_space<vmem>>[vector<16xi32>, vector<16xi32>], vector<16xf32>,
          %add3A_225 = arith.addf %gather3A_220, %gather3A_224 : vector<16xf32>
          %gt3A_226 = arith.constant 0.000000e+00 : f32
          %gt3A_227 = vector.broadcast %gt3A_226 : f32 to vector<16xf32>
          %gt3A_228 = arith.cmpf ogt, %add3A_225, %gt3A_227 : vector<16xf32>
          %mul3A_229 = arith.constant 2.000000e-01 : f32
          %mul3A_230 = vector.broadcast %mul3A_229 : f32 to vector<16xf32>
          %mul3A_231 = arith.mulf %mul3A_230, %add3A_225 : vector<16xf32>
          %select_n3A_232 = arith.select %gt3A_228, %add3A_225, %mul3A_231 : vector<16xi1>, vector<16xf32>
          %exp3A_233 = math.exp %select_n3A_232 : vector<16xf32>
          tpu.vector_store_idx %arg17[%shift_right_arithmetic3A_216, %and3A_219], %exp3A_233 : memref<128x16xf32, #tpu.memory_space<vmem>>[vector<16xi32>, vector<16xi32>], vector<16xf32>,
          %scan3A_234 = arith.constant 0 : i32
          %scan3A_235 = arith.constant 2 : i32
          %scan3A_236 = arith.addi %scan3A_185, %scan3A_235 : i32
          %mul3A_237 = arith.constant 16 : i32
          %mul3A_238 = arith.muli %scan3A_236, %mul3A_237 : i32
          %add3A_239 = vector.broadcast %mul3A_238 : i32 to vector<16xi32>
          %add3A_240 = arith.addi %add3A_239, %iota3A : vector<16xi32>
          %shift_right_arithmetic3A_241 = arith.constant 2 : i32
          %shift_right_arithmetic3A_242 = vector.broadcast %shift_right_arithmetic3A_241 : i32 to vector<16xi32>
          %shift_right_arithmetic3A_243 = arith.shrsi %add3A_240, %shift_right_arithmetic3A_242 : vector<16xi32>
          %and3A_244 = arith.constant 3 : i32
          %and3A_245 = vector.broadcast %and3A_244 : i32 to vector<16xi32>
          %and3A_246 = arith.andi %add3A_240, %and3A_245 : vector<16xi32>
          %gather3A_247 = tpu.vector_load_idx %arg15[%shift_right_arithmetic3A_243, %and3A_246] : memref<128x16xf32, #tpu.memory_space<vmem>>[vector<16xi32>, vector<16xi32>], vector<16xf32>,
          %add3A_248 = arith.constant 4 : i32
          %add3A_249 = vector.broadcast %add3A_248 : i32 to vector<16xi32>
          %add3A_250 = arith.addi %and3A_246, %add3A_249 : vector<16xi32>
          %gather3A_251 = tpu.vector_load_idx %arg16[%shift_right_arithmetic3A_243, %add3A_250] : memref<128x16xf32, #tpu.memory_space<vmem>>[vector<16xi32>, vector<16xi32>], vector<16xf32>,
          %add3A_252 = arith.addf %gather3A_247, %gather3A_251 : vector<16xf32>
          %gt3A_253 = arith.constant 0.000000e+00 : f32
          %gt3A_254 = vector.broadcast %gt3A_253 : f32 to vector<16xf32>
          %gt3A_255 = arith.cmpf ogt, %add3A_252, %gt3A_254 : vector<16xf32>
          %mul3A_256 = arith.constant 2.000000e-01 : f32
          %mul3A_257 = vector.broadcast %mul3A_256 : f32 to vector<16xf32>
          %mul3A_258 = arith.mulf %mul3A_257, %add3A_252 : vector<16xf32>
          %select_n3A_259 = arith.select %gt3A_255, %add3A_252, %mul3A_258 : vector<16xi1>, vector<16xf32>
          %exp3A_260 = math.exp %select_n3A_259 : vector<16xf32>
          tpu.vector_store_idx %arg17[%shift_right_arithmetic3A_243, %and3A_246], %exp3A_260 : memref<128x16xf32, #tpu.memory_space<vmem>>[vector<16xi32>, vector<16xi32>], vector<16xf32>,
          %scan3A_261 = arith.constant 0 : i32
          %scan3A_262 = arith.constant 3 : i32
          %scan3A_263 = arith.addi %scan3A_185, %scan3A_262 : i32
          %mul3A_264 = arith.constant 16 : i32
          %mul3A_265 = arith.muli %scan3A_263, %mul3A_264 : i32
          %add3A_266 = vector.broadcast %mul3A_265 : i32 to vector<16xi32>
          %add3A_267 = arith.addi %add3A_266, %iota3A : vector<16xi32>
          %shift_right_arithmetic3A_268 = arith.constant 2 : i32
          %shift_right_arithmetic3A_269 = vector.broadcast %shift_right_arithmetic3A_268 : i32 to vector<16xi32>
          %shift_right_arithmetic3A_270 = arith.shrsi %add3A_267, %shift_right_arithmetic3A_269 : vector<16xi32>
          %and3A_271 = arith.constant 3 : i32
          %and3A_272 = vector.broadcast %and3A_271 : i32 to vector<16xi32>
          %and3A_273 = arith.andi %add3A_267, %and3A_272 : vector<16xi32>
          %gather3A_274 = tpu.vector_load_idx %arg15[%shift_right_arithmetic3A_270, %and3A_273] : memref<128x16xf32, #tpu.memory_space<vmem>>[vector<16xi32>, vector<16xi32>], vector<16xf32>,
          %add3A_275 = arith.constant 4 : i32
          %add3A_276 = vector.broadcast %add3A_275 : i32 to vector<16xi32>
          %add3A_277 = arith.addi %and3A_273, %add3A_276 : vector<16xi32>
          %gather3A_278 = tpu.vector_load_idx %arg16[%shift_right_arithmetic3A_270, %add3A_277] : memref<128x16xf32, #tpu.memory_space<vmem>>[vector<16xi32>, vector<16xi32>], vector<16xf32>,
          %add3A_279 = arith.addf %gather3A_274, %gather3A_278 : vector<16xf32>
          %gt3A_280 = arith.constant 0.000000e+00 : f32
          %gt3A_281 = vector.broadcast %gt3A_280 : f32 to vector<16xf32>
          %gt3A_282 = arith.cmpf ogt, %add3A_279, %gt3A_281 : vector<16xf32>
          %mul3A_283 = arith.constant 2.000000e-01 : f32
          %mul3A_284 = vector.broadcast %mul3A_283 : f32 to vector<16xf32>
          %mul3A_285 = arith.mulf %mul3A_284, %add3A_279 : vector<16xf32>
          %select_n3A_286 = arith.select %gt3A_282, %add3A_279, %mul3A_285 : vector<16xi1>, vector<16xf32>
          %exp3A_287 = math.exp %select_n3A_286 : vector<16xf32>
          tpu.vector_store_idx %arg17[%shift_right_arithmetic3A_270, %and3A_273], %exp3A_287 : memref<128x16xf32, #tpu.memory_space<vmem>>[vector<16xi32>, vector<16xi32>], vector<16xf32>,
          %scan3A_288 = arith.constant 0 : i32
          scf.yield %scan3A_288 : i32
        }
        %scan3A_167 = arith.constant 32 : i32
        %dma_wait3A_168 = arith.constant 0 : i32
        %dma_wait3A_169 = arith.constant 0 : i32
        %dma_wait3A_170 = tpu.memref_slice %arg2[%dma_wait3A_168, %dma_wait3A_169] : memref<320000x128xf32, #tpu.memory_space<hbm>> -> memref<320000x128xf32, #tpu.memory_space<hbm>>
        tpu.wait_indirect_dma semaphore(%arg19 : memref<!tpu.dma_semaphore, #tpu.memory_space<semaphore_mem>>) src(%dma_wait3A_170 : memref<320000x128xf32, #tpu.memory_space<hbm>>) dst(%arg14 : memref<128x128xf32, #tpu.memory_space<vmem>>)
        %scan3A_171 = arith.constant 0 : i32
        %scan3A_172 = arith.constant 0 : i32
        %scan3A_173 = arith.constant 128 : i32
        %scan3A_174 = arith.addi %scan3A_172, %scan3A_173 : i32
        %scan3A_175 = arith.constant 2 : i32
        %scan3A_176 = scf.for %scan3A_185 = %scan3A_172 to %scan3A_174 step %scan3A_175 iter_args(%scan3A_186 = %scan3A_171) -> (i32)  : i32 {
          %broadcast_in_dim3A_187 = vector.broadcast %scan3A_185 : i32 to vector<16xi32>
          %broadcast_in_dim3A_188 = arith.constant 0 : i32
          %broadcast_in_dim3A_189 = vector.broadcast %broadcast_in_dim3A_188 : i32 to vector<16xi32>
          %gather3A = tpu.vector_load_idx %arg17[%broadcast_in_dim3A_187, %broadcast_in_dim3A_189] : memref<128x16xf32, #tpu.memory_space<vmem>>[vector<16xi32>, vector<16xi32>], vector<16xf32>,
          %get3A = arith.index_cast %scan3A_185 : i32 to index
          %get3A_190 = arith.constant 0 : index
          %get3A_191 = tpu.vector_load %arg14[%get3A, %get3A_190] {strides = array<i32>} : memref<128x128xf32, #tpu.memory_space<vmem>>, vector<16xf32>,
          %mul3A_192 = arith.mulf %get3A_191, %gather3A : vector<16xf32>
          %swap3A = arith.index_cast %scan3A_185 : i32 to index
          %swap3A_193 = arith.constant 0 : index
          %swap3A_194 = tpu.vector_load %arg14[%swap3A, %swap3A_193] {strides = array<i32>} : memref<128x128xf32, #tpu.memory_space<vmem>>, vector<16xf32>,
          tpu.vector_store %arg14[%swap3A, %swap3A_193], %mul3A_192 {strides = array<i32>} : memref<128x128xf32, #tpu.memory_space<vmem>>, vector<16xf32>,
          %get3A_195 = arith.index_cast %scan3A_185 : i32 to index
          %get3A_196 = arith.constant 16 : index
          %get3A_197 = tpu.vector_load %arg14[%get3A_195, %get3A_196] {strides = array<i32>} : memref<128x128xf32, #tpu.memory_space<vmem>>, vector<16xf32>,
          %mul3A_198 = arith.mulf %get3A_197, %gather3A : vector<16xf32>
          %swap3A_199 = arith.index_cast %scan3A_185 : i32 to index
          %swap3A_200 = arith.constant 16 : index
          %swap3A_201 = tpu.vector_load %arg14[%swap3A_199, %swap3A_200] {strides = array<i32>} : memref<128x128xf32, #tpu.memory_space<vmem>>, vector<16xf32>,
          tpu.vector_store %arg14[%swap3A_199, %swap3A_200], %mul3A_198 {strides = array<i32>} : memref<128x128xf32, #tpu.memory_space<vmem>>, vector<16xf32>,
          %broadcast_in_dim3A_202 = vector.broadcast %scan3A_185 : i32 to vector<16xi32>
          %broadcast_in_dim3A_203 = arith.constant 1 : i32
          %broadcast_in_dim3A_204 = vector.broadcast %broadcast_in_dim3A_203 : i32 to vector<16xi32>
          %gather3A_205 = tpu.vector_load_idx %arg17[%broadcast_in_dim3A_202, %broadcast_in_dim3A_204] : memref<128x16xf32, #tpu.memory_space<vmem>>[vector<16xi32>, vector<16xi32>], vector<16xf32>,
          %get3A_206 = arith.index_cast %scan3A_185 : i32 to index
          %get3A_207 = arith.constant 32 : index
          %get3A_208 = tpu.vector_load %arg14[%get3A_206, %get3A_207] {strides = array<i32>} : memref<128x128xf32, #tpu.memory_space<vmem>>, vector<16xf32>,
          %mul3A_209 = arith.mulf %get3A_208, %gather3A_205 : vector<16xf32>
          %swap3A_210 = arith.index_cast %scan3A_185 : i32 to index
          %swap3A_211 = arith.constant 32 : index
          %swap3A_212 = tpu.vector_load %arg14[%swap3A_210, %swap3A_211] {strides = array<i32>} : memref<128x128xf32, #tpu.memory_space<vmem>>, vector<16xf32>,
          tpu.vector_store %arg14[%swap3A_210, %swap3A_211], %mul3A_209 {strides = array<i32>} : memref<128x128xf32, #tpu.memory_space<vmem>>, vector<16xf32>,
          %get3A_213 = arith.index_cast %scan3A_185 : i32 to index
          %get3A_214 = arith.constant 48 : index
          %get3A_215 = tpu.vector_load %arg14[%get3A_213, %get3A_214] {strides = array<i32>} : memref<128x128xf32, #tpu.memory_space<vmem>>, vector<16xf32>,
          %mul3A_216 = arith.mulf %get3A_215, %gather3A_205 : vector<16xf32>
          %swap3A_217 = arith.index_cast %scan3A_185 : i32 to index
          %swap3A_218 = arith.constant 48 : index
          %swap3A_219 = tpu.vector_load %arg14[%swap3A_217, %swap3A_218] {strides = array<i32>} : memref<128x128xf32, #tpu.memory_space<vmem>>, vector<16xf32>,
          tpu.vector_store %arg14[%swap3A_217, %swap3A_218], %mul3A_216 {strides = array<i32>} : memref<128x128xf32, #tpu.memory_space<vmem>>, vector<16xf32>,
          %broadcast_in_dim3A_220 = vector.broadcast %scan3A_185 : i32 to vector<16xi32>
          %broadcast_in_dim3A_221 = arith.constant 2 : i32
          %broadcast_in_dim3A_222 = vector.broadcast %broadcast_in_dim3A_221 : i32 to vector<16xi32>
          %gather3A_223 = tpu.vector_load_idx %arg17[%broadcast_in_dim3A_220, %broadcast_in_dim3A_222] : memref<128x16xf32, #tpu.memory_space<vmem>>[vector<16xi32>, vector<16xi32>], vector<16xf32>,
          %get3A_224 = arith.index_cast %scan3A_185 : i32 to index
          %get3A_225 = arith.constant 64 : index
          %get3A_226 = tpu.vector_load %arg14[%get3A_224, %get3A_225] {strides = array<i32>} : memref<128x128xf32, #tpu.memory_space<vmem>>, vector<16xf32>,
          %mul3A_227 = arith.mulf %get3A_226, %gather3A_223 : vector<16xf32>
          %swap3A_228 = arith.index_cast %scan3A_185 : i32 to index
          %swap3A_229 = arith.constant 64 : index
          %swap3A_230 = tpu.vector_load %arg14[%swap3A_228, %swap3A_229] {strides = array<i32>} : memref<128x128xf32, #tpu.memory_space<vmem>>, vector<16xf32>,
          tpu.vector_store %arg14[%swap3A_228, %swap3A_229], %mul3A_227 {strides = array<i32>} : memref<128x128xf32, #tpu.memory_space<vmem>>, vector<16xf32>,
          %get3A_231 = arith.index_cast %scan3A_185 : i32 to index
          %get3A_232 = arith.constant 80 : index
          %get3A_233 = tpu.vector_load %arg14[%get3A_231, %get3A_232] {strides = array<i32>} : memref<128x128xf32, #tpu.memory_space<vmem>>, vector<16xf32>,
          %mul3A_234 = arith.mulf %get3A_233, %gather3A_223 : vector<16xf32>
          %swap3A_235 = arith.index_cast %scan3A_185 : i32 to index
          %swap3A_236 = arith.constant 80 : index
          %swap3A_237 = tpu.vector_load %arg14[%swap3A_235, %swap3A_236] {strides = array<i32>} : memref<128x128xf32, #tpu.memory_space<vmem>>, vector<16xf32>,
          tpu.vector_store %arg14[%swap3A_235, %swap3A_236], %mul3A_234 {strides = array<i32>} : memref<128x128xf32, #tpu.memory_space<vmem>>, vector<16xf32>,
          %broadcast_in_dim3A_238 = vector.broadcast %scan3A_185 : i32 to vector<16xi32>
          %broadcast_in_dim3A_239 = arith.constant 3 : i32
          %broadcast_in_dim3A_240 = vector.broadcast %broadcast_in_dim3A_239 : i32 to vector<16xi32>
          %gather3A_241 = tpu.vector_load_idx %arg17[%broadcast_in_dim3A_238, %broadcast_in_dim3A_240] : memref<128x16xf32, #tpu.memory_space<vmem>>[vector<16xi32>, vector<16xi32>], vector<16xf32>,
          %get3A_242 = arith.index_cast %scan3A_185 : i32 to index
          %get3A_243 = arith.constant 96 : index
          %get3A_244 = tpu.vector_load %arg14[%get3A_242, %get3A_243] {strides = array<i32>} : memref<128x128xf32, #tpu.memory_space<vmem>>, vector<16xf32>,
          %mul3A_245 = arith.mulf %get3A_244, %gather3A_241 : vector<16xf32>
          %swap3A_246 = arith.index_cast %scan3A_185 : i32 to index
          %swap3A_247 = arith.constant 96 : index
          %swap3A_248 = tpu.vector_load %arg14[%swap3A_246, %swap3A_247] {strides = array<i32>} : memref<128x128xf32, #tpu.memory_space<vmem>>, vector<16xf32>,
          tpu.vector_store %arg14[%swap3A_246, %swap3A_247], %mul3A_245 {strides = array<i32>} : memref<128x128xf32, #tpu.memory_space<vmem>>, vector<16xf32>,
          %get3A_249 = arith.index_cast %scan3A_185 : i32 to index
          %get3A_250 = arith.constant 112 : index
          %get3A_251 = tpu.vector_load %arg14[%get3A_249, %get3A_250] {strides = array<i32>} : memref<128x128xf32, #tpu.memory_space<vmem>>, vector<16xf32>,
          %mul3A_252 = arith.mulf %get3A_251, %gather3A_241 : vector<16xf32>
          %swap3A_253 = arith.index_cast %scan3A_185 : i32 to index
          %swap3A_254 = arith.constant 112 : index
          %swap3A_255 = tpu.vector_load %arg14[%swap3A_253, %swap3A_254] {strides = array<i32>} : memref<128x128xf32, #tpu.memory_space<vmem>>, vector<16xf32>,
          tpu.vector_store %arg14[%swap3A_253, %swap3A_254], %mul3A_252 {strides = array<i32>} : memref<128x128xf32, #tpu.memory_space<vmem>>, vector<16xf32>,
          %scan3A_256 = arith.constant 0 : i32
          %scan3A_257 = arith.constant 1 : i32
          %scan3A_258 = arith.addi %scan3A_185, %scan3A_257 : i32
          %broadcast_in_dim3A_259 = vector.broadcast %scan3A_258 : i32 to vector<16xi32>
          %broadcast_in_dim3A_260 = arith.constant 0 : i32
          %broadcast_in_dim3A_261 = vector.broadcast %broadcast_in_dim3A_260 : i32 to vector<16xi32>
          %gather3A_262 = tpu.vector_load_idx %arg17[%broadcast_in_dim3A_259, %broadcast_in_dim3A_261] : memref<128x16xf32, #tpu.memory_space<vmem>>[vector<16xi32>, vector<16xi32>], vector<16xf32>,
          %get3A_263 = arith.index_cast %scan3A_258 : i32 to index
          %get3A_264 = arith.constant 0 : index
          %get3A_265 = tpu.vector_load %arg14[%get3A_263, %get3A_264] {strides = array<i32>} : memref<128x128xf32, #tpu.memory_space<vmem>>, vector<16xf32>,
          %mul3A_266 = arith.mulf %get3A_265, %gather3A_262 : vector<16xf32>
          %swap3A_267 = arith.index_cast %scan3A_258 : i32 to index
          %swap3A_268 = arith.constant 0 : index
          %swap3A_269 = tpu.vector_load %arg14[%swap3A_267, %swap3A_268] {strides = array<i32>} : memref<128x128xf32, #tpu.memory_space<vmem>>, vector<16xf32>,
          tpu.vector_store %arg14[%swap3A_267, %swap3A_268], %mul3A_266 {strides = array<i32>} : memref<128x128xf32, #tpu.memory_space<vmem>>, vector<16xf32>,
          %get3A_270 = arith.index_cast %scan3A_258 : i32 to index
          %get3A_271 = arith.constant 16 : index
          %get3A_272 = tpu.vector_load %arg14[%get3A_270, %get3A_271] {strides = array<i32>} : memref<128x128xf32, #tpu.memory_space<vmem>>, vector<16xf32>,
          %mul3A_273 = arith.mulf %get3A_272, %gather3A_262 : vector<16xf32>
          %swap3A_274 = arith.index_cast %scan3A_258 : i32 to index
          %swap3A_275 = arith.constant 16 : index
          %swap3A_276 = tpu.vector_load %arg14[%swap3A_274, %swap3A_275] {strides = array<i32>} : memref<128x128xf32, #tpu.memory_space<vmem>>, vector<16xf32>,
          tpu.vector_store %arg14[%swap3A_274, %swap3A_275], %mul3A_273 {strides = array<i32>} : memref<128x128xf32, #tpu.memory_space<vmem>>, vector<16xf32>,
          %broadcast_in_dim3A_277 = vector.broadcast %scan3A_258 : i32 to vector<16xi32>
          %broadcast_in_dim3A_278 = arith.constant 1 : i32
          %broadcast_in_dim3A_279 = vector.broadcast %broadcast_in_dim3A_278 : i32 to vector<16xi32>
          %gather3A_280 = tpu.vector_load_idx %arg17[%broadcast_in_dim3A_277, %broadcast_in_dim3A_279] : memref<128x16xf32, #tpu.memory_space<vmem>>[vector<16xi32>, vector<16xi32>], vector<16xf32>,
          %get3A_281 = arith.index_cast %scan3A_258 : i32 to index
          %get3A_282 = arith.constant 32 : index
          %get3A_283 = tpu.vector_load %arg14[%get3A_281, %get3A_282] {strides = array<i32>} : memref<128x128xf32, #tpu.memory_space<vmem>>, vector<16xf32>,
          %mul3A_284 = arith.mulf %get3A_283, %gather3A_280 : vector<16xf32>
          %swap3A_285 = arith.index_cast %scan3A_258 : i32 to index
          %swap3A_286 = arith.constant 32 : index
          %swap3A_287 = tpu.vector_load %arg14[%swap3A_285, %swap3A_286] {strides = array<i32>} : memref<128x128xf32, #tpu.memory_space<vmem>>, vector<16xf32>,
          tpu.vector_store %arg14[%swap3A_285, %swap3A_286], %mul3A_284 {strides = array<i32>} : memref<128x128xf32, #tpu.memory_space<vmem>>, vector<16xf32>,
          %get3A_288 = arith.index_cast %scan3A_258 : i32 to index
          %get3A_289 = arith.constant 48 : index
          %get3A_290 = tpu.vector_load %arg14[%get3A_288, %get3A_289] {strides = array<i32>} : memref<128x128xf32, #tpu.memory_space<vmem>>, vector<16xf32>,
          %mul3A_291 = arith.mulf %get3A_290, %gather3A_280 : vector<16xf32>
          %swap3A_292 = arith.index_cast %scan3A_258 : i32 to index
          %swap3A_293 = arith.constant 48 : index
          %swap3A_294 = tpu.vector_load %arg14[%swap3A_292, %swap3A_293] {strides = array<i32>} : memref<128x128xf32, #tpu.memory_space<vmem>>, vector<16xf32>,
          tpu.vector_store %arg14[%swap3A_292, %swap3A_293], %mul3A_291 {strides = array<i32>} : memref<128x128xf32, #tpu.memory_space<vmem>>, vector<16xf32>,
          %broadcast_in_dim3A_295 = vector.broadcast %scan3A_258 : i32 to vector<16xi32>
          %broadcast_in_dim3A_296 = arith.constant 2 : i32
          %broadcast_in_dim3A_297 = vector.broadcast %broadcast_in_dim3A_296 : i32 to vector<16xi32>
          %gather3A_298 = tpu.vector_load_idx %arg17[%broadcast_in_dim3A_295, %broadcast_in_dim3A_297] : memref<128x16xf32, #tpu.memory_space<vmem>>[vector<16xi32>, vector<16xi32>], vector<16xf32>,
          %get3A_299 = arith.index_cast %scan3A_258 : i32 to index
          %get3A_300 = arith.constant 64 : index
          %get3A_301 = tpu.vector_load %arg14[%get3A_299, %get3A_300] {strides = array<i32>} : memref<128x128xf32, #tpu.memory_space<vmem>>, vector<16xf32>,
          %mul3A_302 = arith.mulf %get3A_301, %gather3A_298 : vector<16xf32>
          %swap3A_303 = arith.index_cast %scan3A_258 : i32 to index
          %swap3A_304 = arith.constant 64 : index
          %swap3A_305 = tpu.vector_load %arg14[%swap3A_303, %swap3A_304] {strides = array<i32>} : memref<128x128xf32, #tpu.memory_space<vmem>>, vector<16xf32>,
          tpu.vector_store %arg14[%swap3A_303, %swap3A_304], %mul3A_302 {strides = array<i32>} : memref<128x128xf32, #tpu.memory_space<vmem>>, vector<16xf32>,
          %get3A_306 = arith.index_cast %scan3A_258 : i32 to index
          %get3A_307 = arith.constant 80 : index
          %get3A_308 = tpu.vector_load %arg14[%get3A_306, %get3A_307] {strides = array<i32>} : memref<128x128xf32, #tpu.memory_space<vmem>>, vector<16xf32>,
          %mul3A_309 = arith.mulf %get3A_308, %gather3A_298 : vector<16xf32>
          %swap3A_310 = arith.index_cast %scan3A_258 : i32 to index
          %swap3A_311 = arith.constant 80 : index
          %swap3A_312 = tpu.vector_load %arg14[%swap3A_310, %swap3A_311] {strides = array<i32>} : memref<128x128xf32, #tpu.memory_space<vmem>>, vector<16xf32>,
          tpu.vector_store %arg14[%swap3A_310, %swap3A_311], %mul3A_309 {strides = array<i32>} : memref<128x128xf32, #tpu.memory_space<vmem>>, vector<16xf32>,
          %broadcast_in_dim3A_313 = vector.broadcast %scan3A_258 : i32 to vector<16xi32>
          %broadcast_in_dim3A_314 = arith.constant 3 : i32
          %broadcast_in_dim3A_315 = vector.broadcast %broadcast_in_dim3A_314 : i32 to vector<16xi32>
          %gather3A_316 = tpu.vector_load_idx %arg17[%broadcast_in_dim3A_313, %broadcast_in_dim3A_315] : memref<128x16xf32, #tpu.memory_space<vmem>>[vector<16xi32>, vector<16xi32>], vector<16xf32>,
          %get3A_317 = arith.index_cast %scan3A_258 : i32 to index
          %get3A_318 = arith.constant 96 : index
          %get3A_319 = tpu.vector_load %arg14[%get3A_317, %get3A_318] {strides = array<i32>} : memref<128x128xf32, #tpu.memory_space<vmem>>, vector<16xf32>,
          %mul3A_320 = arith.mulf %get3A_319, %gather3A_316 : vector<16xf32>
          %swap3A_321 = arith.index_cast %scan3A_258 : i32 to index
          %swap3A_322 = arith.constant 96 : index
          %swap3A_323 = tpu.vector_load %arg14[%swap3A_321, %swap3A_322] {strides = array<i32>} : memref<128x128xf32, #tpu.memory_space<vmem>>, vector<16xf32>,
          tpu.vector_store %arg14[%swap3A_321, %swap3A_322], %mul3A_320 {strides = array<i32>} : memref<128x128xf32, #tpu.memory_space<vmem>>, vector<16xf32>,
          %get3A_324 = arith.index_cast %scan3A_258 : i32 to index
          %get3A_325 = arith.constant 112 : index
          %get3A_326 = tpu.vector_load %arg14[%get3A_324, %get3A_325] {strides = array<i32>} : memref<128x128xf32, #tpu.memory_space<vmem>>, vector<16xf32>,
          %mul3A_327 = arith.mulf %get3A_326, %gather3A_316 : vector<16xf32>
          %swap3A_328 = arith.index_cast %scan3A_258 : i32 to index
          %swap3A_329 = arith.constant 112 : index
          %swap3A_330 = tpu.vector_load %arg14[%swap3A_328, %swap3A_329] {strides = array<i32>} : memref<128x128xf32, #tpu.memory_space<vmem>>, vector<16xf32>,
          tpu.vector_store %arg14[%swap3A_328, %swap3A_329], %mul3A_327 {strides = array<i32>} : memref<128x128xf32, #tpu.memory_space<vmem>>, vector<16xf32>,
          %scan3A_331 = arith.constant 0 : i32
          scf.yield %scan3A_331 : i32
        }
        %scan3A_177 = arith.constant 128 : i32
        %dma_start3A_178 = arith.constant 0 : i32
        %dma_start3A_179 = arith.constant 0 : i32
        %dma_start3A_180 = tpu.memref_slice %arg8[%dma_start3A_178, %dma_start3A_179] : memref<10000x128xf32, #tpu.memory_space<vmem_shared>> -> memref<10000x128xf32, #tpu.memory_space<vmem_shared>>
        tpu.enqueue_indirect_dma source(%arg14 : memref<128x128xf32, #tpu.memory_space<vmem>>) target(%dma_start3A_180 : memref<10000x128xf32, #tpu.memory_space<vmem_shared>>) offsets(%arg11 : memref<128xi32, #tpu.memory_space<vmem>>) semaphore(%arg21 : memref<!tpu.dma_semaphore, #tpu.memory_space<semaphore_mem>>) {add = true}
        %dma_start3A_181 = arith.constant 0 : i32
        %dma_start3A_182 = arith.constant 0 : i32
        %dma_start3A_183 = tpu.memref_slice %arg9[%dma_start3A_181, %dma_start3A_182] : memref<10000x16xf32, #tpu.memory_space<vmem_shared>> -> memref<10000x16xf32, #tpu.memory_space<vmem_shared>>
        tpu.enqueue_indirect_dma source(%arg17 : memref<128x16xf32, #tpu.memory_space<vmem>>) target(%dma_start3A_183 : memref<10000x16xf32, #tpu.memory_space<vmem_shared>>) offsets(%arg11 : memref<128xi32, #tpu.memory_space<vmem>>) semaphore(%arg21 : memref<!tpu.dma_semaphore, #tpu.memory_space<semaphore_mem>>) {add = true}
        %while3A_184 = arith.constant 0 : i32
        scf.yield %while3A_184 : i32
      }
      %while3A_96 = arith.constant 1 : i32
      %while3A_97 = scf.for %while3A_126 = %while3A_93 to %while3A_89 step %while3A_96 iter_args(%while3A_127 = %while3A_95) -> (i32)  : i32 {
        %mul3A_128 = arith.constant 16 : i32
        %mul3A_129 = arith.muli %while3A_126, %mul3A_128 : i32
        %add3A_130 = arith.addi %arg1, %mul3A_129 : i32
        %mul3A_131 = arith.constant 128 : i32
        %mul3A_132 = arith.muli %add3A_130, %mul3A_131 : i32
        "tpu.region"() ({
          %run_scoped3A = tpu.sem_alloc : memref<!tpu.dma_semaphore, #tpu.memory_space<semaphore_mem>>
          %dma_start3A_185 = tpu.memref_slice %arg4[%mul3A_132] : memref<160000xi32, #tpu.memory_space<hbm>> -> memref<128xi32, #tpu.memory_space<hbm>>
          %dma_start3A_186 = tpu.memref_slice %arg4[%mul3A_132] : memref<160000xi32, #tpu.memory_space<hbm>> -> memref<128xi32, #tpu.memory_space<hbm>>
          tpu.enqueue_dma source(%dma_start3A_186 : memref<128xi32, #tpu.memory_space<hbm>>) target(%arg10 : memref<128xi32, #tpu.memory_space<vmem>>) target_semaphore(%run_scoped3A : memref<!tpu.dma_semaphore, #tpu.memory_space<semaphore_mem>>)
          %dma_wait3A_187 = tpu.memref_slice %arg4[%mul3A_132] : memref<160000xi32, #tpu.memory_space<hbm>> -> memref<128xi32, #tpu.memory_space<hbm>>
          %dma_wait3A_188 = tpu.memref_slice %arg4[%mul3A_132] : memref<160000xi32, #tpu.memory_space<hbm>> -> memref<128xi32, #tpu.memory_space<hbm>>
          tpu.wait_dma2 semaphore(%run_scoped3A : memref<!tpu.dma_semaphore, #tpu.memory_space<semaphore_mem>>) src(%dma_wait3A_188 : memref<128xi32, #tpu.memory_space<hbm>>) dst(%arg10 : memref<128xi32, #tpu.memory_space<vmem>>)
          tpu.yield
        }) : () -> ()
        %dma_wait3A_133 = arith.constant 0 : i32
        %dma_wait3A_134 = arith.constant 0 : i32
        %dma_wait3A_135 = tpu.memref_slice %arg8[%dma_wait3A_133, %dma_wait3A_134] : memref<10000x128xf32, #tpu.memory_space<vmem_shared>> -> memref<10000x128xf32, #tpu.memory_space<vmem_shared>>
        tpu.wait_indirect_dma semaphore(%arg21 : memref<!tpu.dma_semaphore, #tpu.memory_space<semaphore_mem>>) src(%arg14 : memref<128x128xf32, #tpu.memory_space<vmem>>) dst(%dma_wait3A_135 : memref<10000x128xf32, #tpu.memory_space<vmem_shared>>)
        %dma_wait3A_136 = arith.constant 0 : i32
        %dma_wait3A_137 = arith.constant 0 : i32
        %dma_wait3A_138 = tpu.memref_slice %arg9[%dma_wait3A_136, %dma_wait3A_137] : memref<10000x16xf32, #tpu.memory_space<vmem_shared>> -> memref<10000x16xf32, #tpu.memory_space<vmem_shared>>
        tpu.wait_indirect_dma semaphore(%arg21 : memref<!tpu.dma_semaphore, #tpu.memory_space<semaphore_mem>>) src(%arg17 : memref<128x16xf32, #tpu.memory_space<vmem>>) dst(%dma_wait3A_138 : memref<10000x16xf32, #tpu.memory_space<vmem_shared>>)
        "tpu.region"() ({
          %run_scoped3A = tpu.sem_alloc : memref<!tpu.dma_semaphore, #tpu.memory_space<semaphore_mem>>
          %dma_start3A_185 = tpu.memref_slice %arg5[%mul3A_132] : memref<160000xi32, #tpu.memory_space<hbm>> -> memref<128xi32, #tpu.memory_space<hbm>>
          %dma_start3A_186 = tpu.memref_slice %arg5[%mul3A_132] : memref<160000xi32, #tpu.memory_space<hbm>> -> memref<128xi32, #tpu.memory_space<hbm>>
          tpu.enqueue_dma source(%dma_start3A_186 : memref<128xi32, #tpu.memory_space<hbm>>) target(%arg11 : memref<128xi32, #tpu.memory_space<vmem>>) target_semaphore(%run_scoped3A : memref<!tpu.dma_semaphore, #tpu.memory_space<semaphore_mem>>)
          %dma_wait3A_187 = tpu.memref_slice %arg5[%mul3A_132] : memref<160000xi32, #tpu.memory_space<hbm>> -> memref<128xi32, #tpu.memory_space<hbm>>
          %dma_wait3A_188 = tpu.memref_slice %arg5[%mul3A_132] : memref<160000xi32, #tpu.memory_space<hbm>> -> memref<128xi32, #tpu.memory_space<hbm>>
          tpu.wait_dma2 semaphore(%run_scoped3A : memref<!tpu.dma_semaphore, #tpu.memory_space<semaphore_mem>>) src(%dma_wait3A_188 : memref<128xi32, #tpu.memory_space<hbm>>) dst(%arg11 : memref<128xi32, #tpu.memory_space<vmem>>)
          tpu.yield
        }) : () -> ()
        %scan3A_139 = arith.constant 0 : i32
        %scan3A_140 = arith.constant 0 : i32
        %scan3A_141 = arith.constant 8 : i32
        %scan3A_142 = arith.addi %scan3A_140, %scan3A_141 : i32
        %scan3A_143 = arith.constant 4 : i32
        %scan3A_144 = scf.for %scan3A_185 = %scan3A_140 to %scan3A_142 step %scan3A_143 iter_args(%scan3A_186 = %scan3A_139) -> (i32)  : i32 {
          %mul3A_187 = arith.constant 16 : i32
          %mul3A_188 = arith.muli %scan3A_185, %mul3A_187 : i32
          %get3A = arith.index_cast %mul3A_188 : i32 to index
          %get3A_189 = tpu.vector_load %arg10[%get3A] {strides = array<i32>} : memref<128xi32, #tpu.memory_space<vmem>>, vector<16xi32>,
          %add3A_190 = vector.broadcast %mul3A_74 : i32 to vector<16xi32>
          %add3A_191 = arith.addi %get3A_189, %add3A_190 : vector<16xi32>
          %mul3A_192 = arith.constant 16 : i32
          %mul3A_193 = arith.muli %scan3A_185, %mul3A_192 : i32
          %swap3A = arith.index_cast %mul3A_193 : i32 to index
          %swap3A_194 = tpu.vector_load %arg12[%swap3A] {strides = array<i32>} : memref<128xi32, #tpu.memory_space<vmem>>, vector<16xi32>,
          tpu.vector_store %arg12[%swap3A], %add3A_191 {strides = array<i32>} : memref<128xi32, #tpu.memory_space<vmem>>, vector<16xi32>,
          %mul3A_195 = arith.constant 16 : i32
          %mul3A_196 = arith.muli %scan3A_185, %mul3A_195 : i32
          %get3A_197 = arith.index_cast %mul3A_196 : i32 to index
          %get3A_198 = tpu.vector_load %arg11[%get3A_197] {strides = array<i32>} : memref<128xi32, #tpu.memory_space<vmem>>, vector<16xi32>,
          %add3A_199 = vector.broadcast %mul3A_74 : i32 to vector<16xi32>
          %add3A_200 = arith.addi %get3A_198, %add3A_199 : vector<16xi32>
          %mul3A_201 = arith.constant 16 : i32
          %mul3A_202 = arith.muli %scan3A_185, %mul3A_201 : i32
          %swap3A_203 = arith.index_cast %mul3A_202 : i32 to index
          %swap3A_204 = tpu.vector_load %arg13[%swap3A_203] {strides = array<i32>} : memref<128xi32, #tpu.memory_space<vmem>>, vector<16xi32>,
          tpu.vector_store %arg13[%swap3A_203], %add3A_200 {strides = array<i32>} : memref<128xi32, #tpu.memory_space<vmem>>, vector<16xi32>,
          %scan3A_205 = arith.constant 0 : i32
          %scan3A_206 = arith.constant 1 : i32
          %scan3A_207 = arith.addi %scan3A_185, %scan3A_206 : i32
          %mul3A_208 = arith.constant 16 : i32
          %mul3A_209 = arith.muli %scan3A_207, %mul3A_208 : i32
          %get3A_210 = arith.index_cast %mul3A_209 : i32 to index
          %get3A_211 = tpu.vector_load %arg10[%get3A_210] {strides = array<i32>} : memref<128xi32, #tpu.memory_space<vmem>>, vector<16xi32>,
          %add3A_212 = vector.broadcast %mul3A_74 : i32 to vector<16xi32>
          %add3A_213 = arith.addi %get3A_211, %add3A_212 : vector<16xi32>
          %mul3A_214 = arith.constant 16 : i32
          %mul3A_215 = arith.muli %scan3A_207, %mul3A_214 : i32
          %swap3A_216 = arith.index_cast %mul3A_215 : i32 to index
          %swap3A_217 = tpu.vector_load %arg12[%swap3A_216] {strides = array<i32>} : memref<128xi32, #tpu.memory_space<vmem>>, vector<16xi32>,
          tpu.vector_store %arg12[%swap3A_216], %add3A_213 {strides = array<i32>} : memref<128xi32, #tpu.memory_space<vmem>>, vector<16xi32>,
          %mul3A_218 = arith.constant 16 : i32
          %mul3A_219 = arith.muli %scan3A_207, %mul3A_218 : i32
          %get3A_220 = arith.index_cast %mul3A_219 : i32 to index
          %get3A_221 = tpu.vector_load %arg11[%get3A_220] {strides = array<i32>} : memref<128xi32, #tpu.memory_space<vmem>>, vector<16xi32>,
          %add3A_222 = vector.broadcast %mul3A_74 : i32 to vector<16xi32>
          %add3A_223 = arith.addi %get3A_221, %add3A_222 : vector<16xi32>
          %mul3A_224 = arith.constant 16 : i32
          %mul3A_225 = arith.muli %scan3A_207, %mul3A_224 : i32
          %swap3A_226 = arith.index_cast %mul3A_225 : i32 to index
          %swap3A_227 = tpu.vector_load %arg13[%swap3A_226] {strides = array<i32>} : memref<128xi32, #tpu.memory_space<vmem>>, vector<16xi32>,
          tpu.vector_store %arg13[%swap3A_226], %add3A_223 {strides = array<i32>} : memref<128xi32, #tpu.memory_space<vmem>>, vector<16xi32>,
          %scan3A_228 = arith.constant 0 : i32
          %scan3A_229 = arith.constant 2 : i32
          %scan3A_230 = arith.addi %scan3A_185, %scan3A_229 : i32
          %mul3A_231 = arith.constant 16 : i32
          %mul3A_232 = arith.muli %scan3A_230, %mul3A_231 : i32
          %get3A_233 = arith.index_cast %mul3A_232 : i32 to index
          %get3A_234 = tpu.vector_load %arg10[%get3A_233] {strides = array<i32>} : memref<128xi32, #tpu.memory_space<vmem>>, vector<16xi32>,
          %add3A_235 = vector.broadcast %mul3A_74 : i32 to vector<16xi32>
          %add3A_236 = arith.addi %get3A_234, %add3A_235 : vector<16xi32>
          %mul3A_237 = arith.constant 16 : i32
          %mul3A_238 = arith.muli %scan3A_230, %mul3A_237 : i32
          %swap3A_239 = arith.index_cast %mul3A_238 : i32 to index
          %swap3A_240 = tpu.vector_load %arg12[%swap3A_239] {strides = array<i32>} : memref<128xi32, #tpu.memory_space<vmem>>, vector<16xi32>,
          tpu.vector_store %arg12[%swap3A_239], %add3A_236 {strides = array<i32>} : memref<128xi32, #tpu.memory_space<vmem>>, vector<16xi32>,
          %mul3A_241 = arith.constant 16 : i32
          %mul3A_242 = arith.muli %scan3A_230, %mul3A_241 : i32
          %get3A_243 = arith.index_cast %mul3A_242 : i32 to index
          %get3A_244 = tpu.vector_load %arg11[%get3A_243] {strides = array<i32>} : memref<128xi32, #tpu.memory_space<vmem>>, vector<16xi32>,
          %add3A_245 = vector.broadcast %mul3A_74 : i32 to vector<16xi32>
          %add3A_246 = arith.addi %get3A_244, %add3A_245 : vector<16xi32>
          %mul3A_247 = arith.constant 16 : i32
          %mul3A_248 = arith.muli %scan3A_230, %mul3A_247 : i32
          %swap3A_249 = arith.index_cast %mul3A_248 : i32 to index
          %swap3A_250 = tpu.vector_load %arg13[%swap3A_249] {strides = array<i32>} : memref<128xi32, #tpu.memory_space<vmem>>, vector<16xi32>,
          tpu.vector_store %arg13[%swap3A_249], %add3A_246 {strides = array<i32>} : memref<128xi32, #tpu.memory_space<vmem>>, vector<16xi32>,
          %scan3A_251 = arith.constant 0 : i32
          %scan3A_252 = arith.constant 3 : i32
          %scan3A_253 = arith.addi %scan3A_185, %scan3A_252 : i32
          %mul3A_254 = arith.constant 16 : i32
          %mul3A_255 = arith.muli %scan3A_253, %mul3A_254 : i32
          %get3A_256 = arith.index_cast %mul3A_255 : i32 to index
          %get3A_257 = tpu.vector_load %arg10[%get3A_256] {strides = array<i32>} : memref<128xi32, #tpu.memory_space<vmem>>, vector<16xi32>,
          %add3A_258 = vector.broadcast %mul3A_74 : i32 to vector<16xi32>
          %add3A_259 = arith.addi %get3A_257, %add3A_258 : vector<16xi32>
          %mul3A_260 = arith.constant 16 : i32
          %mul3A_261 = arith.muli %scan3A_253, %mul3A_260 : i32
          %swap3A_262 = arith.index_cast %mul3A_261 : i32 to index
          %swap3A_263 = tpu.vector_load %arg12[%swap3A_262] {strides = array<i32>} : memref<128xi32, #tpu.memory_space<vmem>>, vector<16xi32>,
          tpu.vector_store %arg12[%swap3A_262], %add3A_259 {strides = array<i32>} : memref<128xi32, #tpu.memory_space<vmem>>, vector<16xi32>,
          %mul3A_264 = arith.constant 16 : i32
          %mul3A_265 = arith.muli %scan3A_253, %mul3A_264 : i32
          %get3A_266 = arith.index_cast %mul3A_265 : i32 to index
          %get3A_267 = tpu.vector_load %arg11[%get3A_266] {strides = array<i32>} : memref<128xi32, #tpu.memory_space<vmem>>, vector<16xi32>,
          %add3A_268 = vector.broadcast %mul3A_74 : i32 to vector<16xi32>
          %add3A_269 = arith.addi %get3A_267, %add3A_268 : vector<16xi32>
          %mul3A_270 = arith.constant 16 : i32
          %mul3A_271 = arith.muli %scan3A_253, %mul3A_270 : i32
          %swap3A_272 = arith.index_cast %mul3A_271 : i32 to index
          %swap3A_273 = tpu.vector_load %arg13[%swap3A_272] {strides = array<i32>} : memref<128xi32, #tpu.memory_space<vmem>>, vector<16xi32>,
          tpu.vector_store %arg13[%swap3A_272], %add3A_269 {strides = array<i32>} : memref<128xi32, #tpu.memory_space<vmem>>, vector<16xi32>,
          %scan3A_274 = arith.constant 0 : i32
          scf.yield %scan3A_274 : i32
        }
        %scan3A_145 = arith.constant 8 : i32
        %dma_start3A_146 = arith.constant 0 : i32
        %dma_start3A_147 = arith.constant 0 : i32
        %dma_start3A_148 = tpu.memref_slice %arg2[%dma_start3A_146, %dma_start3A_147] : memref<320000x128xf32, #tpu.memory_space<hbm>> -> memref<320000x128xf32, #tpu.memory_space<hbm>>
        tpu.enqueue_indirect_dma source(%dma_start3A_148 : memref<320000x128xf32, #tpu.memory_space<hbm>>) target(%arg14 : memref<128x128xf32, #tpu.memory_space<vmem>>) offsets(%arg12 : memref<128xi32, #tpu.memory_space<vmem>>) semaphore(%arg19 : memref<!tpu.dma_semaphore, #tpu.memory_space<semaphore_mem>>)
        %dma_start3A_149 = arith.constant 0 : i32
        %dma_start3A_150 = arith.constant 0 : i32
        %dma_start3A_151 = tpu.memref_slice %arg3[%dma_start3A_149, %dma_start3A_150] : memref<320000x16xf32, #tpu.memory_space<hbm>> -> memref<320000x16xf32, #tpu.memory_space<hbm>>
        tpu.enqueue_indirect_dma source(%dma_start3A_151 : memref<320000x16xf32, #tpu.memory_space<hbm>>) target(%arg15 : memref<128x16xf32, #tpu.memory_space<vmem>>) offsets(%arg12 : memref<128xi32, #tpu.memory_space<vmem>>) semaphore(%arg20 : memref<!tpu.dma_semaphore, #tpu.memory_space<semaphore_mem>>)
        %dma_start3A_152 = arith.constant 0 : i32
        %dma_start3A_153 = arith.constant 0 : i32
        %dma_start3A_154 = tpu.memref_slice %arg3[%dma_start3A_152, %dma_start3A_153] : memref<320000x16xf32, #tpu.memory_space<hbm>> -> memref<320000x16xf32, #tpu.memory_space<hbm>>
        tpu.enqueue_indirect_dma source(%dma_start3A_154 : memref<320000x16xf32, #tpu.memory_space<hbm>>) target(%arg16 : memref<128x16xf32, #tpu.memory_space<vmem>>) offsets(%arg13 : memref<128xi32, #tpu.memory_space<vmem>>) semaphore(%arg20 : memref<!tpu.dma_semaphore, #tpu.memory_space<semaphore_mem>>)
        %dma_wait3A_155 = arith.constant 0 : i32
        %dma_wait3A_156 = arith.constant 0 : i32
        %dma_wait3A_157 = tpu.memref_slice %arg3[%dma_wait3A_155, %dma_wait3A_156] : memref<320000x16xf32, #tpu.memory_space<hbm>> -> memref<320000x16xf32, #tpu.memory_space<hbm>>
        tpu.wait_indirect_dma semaphore(%arg20 : memref<!tpu.dma_semaphore, #tpu.memory_space<semaphore_mem>>) src(%dma_wait3A_157 : memref<320000x16xf32, #tpu.memory_space<hbm>>) dst(%arg15 : memref<128x16xf32, #tpu.memory_space<vmem>>)
        %dma_wait3A_158 = arith.constant 0 : i32
        %dma_wait3A_159 = arith.constant 0 : i32
        %dma_wait3A_160 = tpu.memref_slice %arg3[%dma_wait3A_158, %dma_wait3A_159] : memref<320000x16xf32, #tpu.memory_space<hbm>> -> memref<320000x16xf32, #tpu.memory_space<hbm>>
        tpu.wait_indirect_dma semaphore(%arg20 : memref<!tpu.dma_semaphore, #tpu.memory_space<semaphore_mem>>) src(%dma_wait3A_160 : memref<320000x16xf32, #tpu.memory_space<hbm>>) dst(%arg16 : memref<128x16xf32, #tpu.memory_space<vmem>>)
        %scan3A_161 = arith.constant 0 : i32
        %scan3A_162 = arith.constant 0 : i32
        %scan3A_163 = arith.constant 32 : i32
        %scan3A_164 = arith.addi %scan3A_162, %scan3A_163 : i32
        %scan3A_165 = arith.constant 4 : i32
        %scan3A_166 = scf.for %scan3A_185 = %scan3A_162 to %scan3A_164 step %scan3A_165 iter_args(%scan3A_186 = %scan3A_161) -> (i32)  : i32 {
          %mul3A_187 = arith.constant 16 : i32
          %mul3A_188 = arith.muli %scan3A_185, %mul3A_187 : i32
          %add3A_189 = vector.broadcast %mul3A_188 : i32 to vector<16xi32>
          %add3A_190 = arith.addi %add3A_189, %iota3A : vector<16xi32>
          %shift_right_arithmetic3A = arith.constant 2 : i32
          %shift_right_arithmetic3A_191 = vector.broadcast %shift_right_arithmetic3A : i32 to vector<16xi32>
          %shift_right_arithmetic3A_192 = arith.shrsi %add3A_190, %shift_right_arithmetic3A_191 : vector<16xi32>
          %and3A_193 = arith.constant 3 : i32
          %and3A_194 = vector.broadcast %and3A_193 : i32 to vector<16xi32>
          %and3A_195 = arith.andi %add3A_190, %and3A_194 : vector<16xi32>
          %gather3A = tpu.vector_load_idx %arg15[%shift_right_arithmetic3A_192, %and3A_195] : memref<128x16xf32, #tpu.memory_space<vmem>>[vector<16xi32>, vector<16xi32>], vector<16xf32>,
          %add3A_196 = arith.constant 4 : i32
          %add3A_197 = vector.broadcast %add3A_196 : i32 to vector<16xi32>
          %add3A_198 = arith.addi %and3A_195, %add3A_197 : vector<16xi32>
          %gather3A_199 = tpu.vector_load_idx %arg16[%shift_right_arithmetic3A_192, %add3A_198] : memref<128x16xf32, #tpu.memory_space<vmem>>[vector<16xi32>, vector<16xi32>], vector<16xf32>,
          %add3A_200 = arith.addf %gather3A, %gather3A_199 : vector<16xf32>
          %gt3A = arith.constant 0.000000e+00 : f32
          %gt3A_201 = vector.broadcast %gt3A : f32 to vector<16xf32>
          %gt3A_202 = arith.cmpf ogt, %add3A_200, %gt3A_201 : vector<16xf32>
          %mul3A_203 = arith.constant 2.000000e-01 : f32
          %mul3A_204 = vector.broadcast %mul3A_203 : f32 to vector<16xf32>
          %mul3A_205 = arith.mulf %mul3A_204, %add3A_200 : vector<16xf32>
          %select_n3A_206 = arith.select %gt3A_202, %add3A_200, %mul3A_205 : vector<16xi1>, vector<16xf32>
          %exp3A = math.exp %select_n3A_206 : vector<16xf32>
          tpu.vector_store_idx %arg17[%shift_right_arithmetic3A_192, %and3A_195], %exp3A : memref<128x16xf32, #tpu.memory_space<vmem>>[vector<16xi32>, vector<16xi32>], vector<16xf32>,
          %scan3A_207 = arith.constant 0 : i32
          %scan3A_208 = arith.constant 1 : i32
          %scan3A_209 = arith.addi %scan3A_185, %scan3A_208 : i32
          %mul3A_210 = arith.constant 16 : i32
          %mul3A_211 = arith.muli %scan3A_209, %mul3A_210 : i32
          %add3A_212 = vector.broadcast %mul3A_211 : i32 to vector<16xi32>
          %add3A_213 = arith.addi %add3A_212, %iota3A : vector<16xi32>
          %shift_right_arithmetic3A_214 = arith.constant 2 : i32
          %shift_right_arithmetic3A_215 = vector.broadcast %shift_right_arithmetic3A_214 : i32 to vector<16xi32>
          %shift_right_arithmetic3A_216 = arith.shrsi %add3A_213, %shift_right_arithmetic3A_215 : vector<16xi32>
          %and3A_217 = arith.constant 3 : i32
          %and3A_218 = vector.broadcast %and3A_217 : i32 to vector<16xi32>
          %and3A_219 = arith.andi %add3A_213, %and3A_218 : vector<16xi32>
          %gather3A_220 = tpu.vector_load_idx %arg15[%shift_right_arithmetic3A_216, %and3A_219] : memref<128x16xf32, #tpu.memory_space<vmem>>[vector<16xi32>, vector<16xi32>], vector<16xf32>,
          %add3A_221 = arith.constant 4 : i32
          %add3A_222 = vector.broadcast %add3A_221 : i32 to vector<16xi32>
          %add3A_223 = arith.addi %and3A_219, %add3A_222 : vector<16xi32>
          %gather3A_224 = tpu.vector_load_idx %arg16[%shift_right_arithmetic3A_216, %add3A_223] : memref<128x16xf32, #tpu.memory_space<vmem>>[vector<16xi32>, vector<16xi32>], vector<16xf32>,
          %add3A_225 = arith.addf %gather3A_220, %gather3A_224 : vector<16xf32>
          %gt3A_226 = arith.constant 0.000000e+00 : f32
          %gt3A_227 = vector.broadcast %gt3A_226 : f32 to vector<16xf32>
          %gt3A_228 = arith.cmpf ogt, %add3A_225, %gt3A_227 : vector<16xf32>
          %mul3A_229 = arith.constant 2.000000e-01 : f32
          %mul3A_230 = vector.broadcast %mul3A_229 : f32 to vector<16xf32>
          %mul3A_231 = arith.mulf %mul3A_230, %add3A_225 : vector<16xf32>
          %select_n3A_232 = arith.select %gt3A_228, %add3A_225, %mul3A_231 : vector<16xi1>, vector<16xf32>
          %exp3A_233 = math.exp %select_n3A_232 : vector<16xf32>
          tpu.vector_store_idx %arg17[%shift_right_arithmetic3A_216, %and3A_219], %exp3A_233 : memref<128x16xf32, #tpu.memory_space<vmem>>[vector<16xi32>, vector<16xi32>], vector<16xf32>,
          %scan3A_234 = arith.constant 0 : i32
          %scan3A_235 = arith.constant 2 : i32
          %scan3A_236 = arith.addi %scan3A_185, %scan3A_235 : i32
          %mul3A_237 = arith.constant 16 : i32
          %mul3A_238 = arith.muli %scan3A_236, %mul3A_237 : i32
          %add3A_239 = vector.broadcast %mul3A_238 : i32 to vector<16xi32>
          %add3A_240 = arith.addi %add3A_239, %iota3A : vector<16xi32>
          %shift_right_arithmetic3A_241 = arith.constant 2 : i32
          %shift_right_arithmetic3A_242 = vector.broadcast %shift_right_arithmetic3A_241 : i32 to vector<16xi32>
          %shift_right_arithmetic3A_243 = arith.shrsi %add3A_240, %shift_right_arithmetic3A_242 : vector<16xi32>
          %and3A_244 = arith.constant 3 : i32
          %and3A_245 = vector.broadcast %and3A_244 : i32 to vector<16xi32>
          %and3A_246 = arith.andi %add3A_240, %and3A_245 : vector<16xi32>
          %gather3A_247 = tpu.vector_load_idx %arg15[%shift_right_arithmetic3A_243, %and3A_246] : memref<128x16xf32, #tpu.memory_space<vmem>>[vector<16xi32>, vector<16xi32>], vector<16xf32>,
          %add3A_248 = arith.constant 4 : i32
          %add3A_249 = vector.broadcast %add3A_248 : i32 to vector<16xi32>
          %add3A_250 = arith.addi %and3A_246, %add3A_249 : vector<16xi32>
          %gather3A_251 = tpu.vector_load_idx %arg16[%shift_right_arithmetic3A_243, %add3A_250] : memref<128x16xf32, #tpu.memory_space<vmem>>[vector<16xi32>, vector<16xi32>], vector<16xf32>,
          %add3A_252 = arith.addf %gather3A_247, %gather3A_251 : vector<16xf32>
          %gt3A_253 = arith.constant 0.000000e+00 : f32
          %gt3A_254 = vector.broadcast %gt3A_253 : f32 to vector<16xf32>
          %gt3A_255 = arith.cmpf ogt, %add3A_252, %gt3A_254 : vector<16xf32>
          %mul3A_256 = arith.constant 2.000000e-01 : f32
          %mul3A_257 = vector.broadcast %mul3A_256 : f32 to vector<16xf32>
          %mul3A_258 = arith.mulf %mul3A_257, %add3A_252 : vector<16xf32>
          %select_n3A_259 = arith.select %gt3A_255, %add3A_252, %mul3A_258 : vector<16xi1>, vector<16xf32>
          %exp3A_260 = math.exp %select_n3A_259 : vector<16xf32>
          tpu.vector_store_idx %arg17[%shift_right_arithmetic3A_243, %and3A_246], %exp3A_260 : memref<128x16xf32, #tpu.memory_space<vmem>>[vector<16xi32>, vector<16xi32>], vector<16xf32>,
          %scan3A_261 = arith.constant 0 : i32
          %scan3A_262 = arith.constant 3 : i32
          %scan3A_263 = arith.addi %scan3A_185, %scan3A_262 : i32
          %mul3A_264 = arith.constant 16 : i32
          %mul3A_265 = arith.muli %scan3A_263, %mul3A_264 : i32
          %add3A_266 = vector.broadcast %mul3A_265 : i32 to vector<16xi32>
          %add3A_267 = arith.addi %add3A_266, %iota3A : vector<16xi32>
          %shift_right_arithmetic3A_268 = arith.constant 2 : i32
          %shift_right_arithmetic3A_269 = vector.broadcast %shift_right_arithmetic3A_268 : i32 to vector<16xi32>
          %shift_right_arithmetic3A_270 = arith.shrsi %add3A_267, %shift_right_arithmetic3A_269 : vector<16xi32>
          %and3A_271 = arith.constant 3 : i32
          %and3A_272 = vector.broadcast %and3A_271 : i32 to vector<16xi32>
          %and3A_273 = arith.andi %add3A_267, %and3A_272 : vector<16xi32>
          %gather3A_274 = tpu.vector_load_idx %arg15[%shift_right_arithmetic3A_270, %and3A_273] : memref<128x16xf32, #tpu.memory_space<vmem>>[vector<16xi32>, vector<16xi32>], vector<16xf32>,
          %add3A_275 = arith.constant 4 : i32
          %add3A_276 = vector.broadcast %add3A_275 : i32 to vector<16xi32>
          %add3A_277 = arith.addi %and3A_273, %add3A_276 : vector<16xi32>
          %gather3A_278 = tpu.vector_load_idx %arg16[%shift_right_arithmetic3A_270, %add3A_277] : memref<128x16xf32, #tpu.memory_space<vmem>>[vector<16xi32>, vector<16xi32>], vector<16xf32>,
          %add3A_279 = arith.addf %gather3A_274, %gather3A_278 : vector<16xf32>
          %gt3A_280 = arith.constant 0.000000e+00 : f32
          %gt3A_281 = vector.broadcast %gt3A_280 : f32 to vector<16xf32>
          %gt3A_282 = arith.cmpf ogt, %add3A_279, %gt3A_281 : vector<16xf32>
          %mul3A_283 = arith.constant 2.000000e-01 : f32
          %mul3A_284 = vector.broadcast %mul3A_283 : f32 to vector<16xf32>
          %mul3A_285 = arith.mulf %mul3A_284, %add3A_279 : vector<16xf32>
          %select_n3A_286 = arith.select %gt3A_282, %add3A_279, %mul3A_285 : vector<16xi1>, vector<16xf32>
          %exp3A_287 = math.exp %select_n3A_286 : vector<16xf32>
          tpu.vector_store_idx %arg17[%shift_right_arithmetic3A_270, %and3A_273], %exp3A_287 : memref<128x16xf32, #tpu.memory_space<vmem>>[vector<16xi32>, vector<16xi32>], vector<16xf32>,
          %scan3A_288 = arith.constant 0 : i32
          scf.yield %scan3A_288 : i32
        }
        %scan3A_167 = arith.constant 32 : i32
        %dma_wait3A_168 = arith.constant 0 : i32
        %dma_wait3A_169 = arith.constant 0 : i32
        %dma_wait3A_170 = tpu.memref_slice %arg2[%dma_wait3A_168, %dma_wait3A_169] : memref<320000x128xf32, #tpu.memory_space<hbm>> -> memref<320000x128xf32, #tpu.memory_space<hbm>>
        tpu.wait_indirect_dma semaphore(%arg19 : memref<!tpu.dma_semaphore, #tpu.memory_space<semaphore_mem>>) src(%dma_wait3A_170 : memref<320000x128xf32, #tpu.memory_space<hbm>>) dst(%arg14 : memref<128x128xf32, #tpu.memory_space<vmem>>)
        %scan3A_171 = arith.constant 0 : i32
        %scan3A_172 = arith.constant 0 : i32
        %scan3A_173 = arith.constant 128 : i32
        %scan3A_174 = arith.addi %scan3A_172, %scan3A_173 : i32
        %scan3A_175 = arith.constant 2 : i32
        %scan3A_176 = scf.for %scan3A_185 = %scan3A_172 to %scan3A_174 step %scan3A_175 iter_args(%scan3A_186 = %scan3A_171) -> (i32)  : i32 {
          %broadcast_in_dim3A_187 = vector.broadcast %scan3A_185 : i32 to vector<16xi32>
          %broadcast_in_dim3A_188 = arith.constant 0 : i32
          %broadcast_in_dim3A_189 = vector.broadcast %broadcast_in_dim3A_188 : i32 to vector<16xi32>
          %gather3A = tpu.vector_load_idx %arg17[%broadcast_in_dim3A_187, %broadcast_in_dim3A_189] : memref<128x16xf32, #tpu.memory_space<vmem>>[vector<16xi32>, vector<16xi32>], vector<16xf32>,
          %get3A = arith.index_cast %scan3A_185 : i32 to index
          %get3A_190 = arith.constant 0 : index
          %get3A_191 = tpu.vector_load %arg14[%get3A, %get3A_190] {strides = array<i32>} : memref<128x128xf32, #tpu.memory_space<vmem>>, vector<16xf32>,
          %mul3A_192 = arith.mulf %get3A_191, %gather3A : vector<16xf32>
          %swap3A = arith.index_cast %scan3A_185 : i32 to index
          %swap3A_193 = arith.constant 0 : index
          %swap3A_194 = tpu.vector_load %arg14[%swap3A, %swap3A_193] {strides = array<i32>} : memref<128x128xf32, #tpu.memory_space<vmem>>, vector<16xf32>,
          tpu.vector_store %arg14[%swap3A, %swap3A_193], %mul3A_192 {strides = array<i32>} : memref<128x128xf32, #tpu.memory_space<vmem>>, vector<16xf32>,
          %get3A_195 = arith.index_cast %scan3A_185 : i32 to index
          %get3A_196 = arith.constant 16 : index
          %get3A_197 = tpu.vector_load %arg14[%get3A_195, %get3A_196] {strides = array<i32>} : memref<128x128xf32, #tpu.memory_space<vmem>>, vector<16xf32>,
          %mul3A_198 = arith.mulf %get3A_197, %gather3A : vector<16xf32>
          %swap3A_199 = arith.index_cast %scan3A_185 : i32 to index
          %swap3A_200 = arith.constant 16 : index
          %swap3A_201 = tpu.vector_load %arg14[%swap3A_199, %swap3A_200] {strides = array<i32>} : memref<128x128xf32, #tpu.memory_space<vmem>>, vector<16xf32>,
          tpu.vector_store %arg14[%swap3A_199, %swap3A_200], %mul3A_198 {strides = array<i32>} : memref<128x128xf32, #tpu.memory_space<vmem>>, vector<16xf32>,
          %broadcast_in_dim3A_202 = vector.broadcast %scan3A_185 : i32 to vector<16xi32>
          %broadcast_in_dim3A_203 = arith.constant 1 : i32
          %broadcast_in_dim3A_204 = vector.broadcast %broadcast_in_dim3A_203 : i32 to vector<16xi32>
          %gather3A_205 = tpu.vector_load_idx %arg17[%broadcast_in_dim3A_202, %broadcast_in_dim3A_204] : memref<128x16xf32, #tpu.memory_space<vmem>>[vector<16xi32>, vector<16xi32>], vector<16xf32>,
          %get3A_206 = arith.index_cast %scan3A_185 : i32 to index
          %get3A_207 = arith.constant 32 : index
          %get3A_208 = tpu.vector_load %arg14[%get3A_206, %get3A_207] {strides = array<i32>} : memref<128x128xf32, #tpu.memory_space<vmem>>, vector<16xf32>,
          %mul3A_209 = arith.mulf %get3A_208, %gather3A_205 : vector<16xf32>
          %swap3A_210 = arith.index_cast %scan3A_185 : i32 to index
          %swap3A_211 = arith.constant 32 : index
          %swap3A_212 = tpu.vector_load %arg14[%swap3A_210, %swap3A_211] {strides = array<i32>} : memref<128x128xf32, #tpu.memory_space<vmem>>, vector<16xf32>,
          tpu.vector_store %arg14[%swap3A_210, %swap3A_211], %mul3A_209 {strides = array<i32>} : memref<128x128xf32, #tpu.memory_space<vmem>>, vector<16xf32>,
          %get3A_213 = arith.index_cast %scan3A_185 : i32 to index
          %get3A_214 = arith.constant 48 : index
          %get3A_215 = tpu.vector_load %arg14[%get3A_213, %get3A_214] {strides = array<i32>} : memref<128x128xf32, #tpu.memory_space<vmem>>, vector<16xf32>,
          %mul3A_216 = arith.mulf %get3A_215, %gather3A_205 : vector<16xf32>
          %swap3A_217 = arith.index_cast %scan3A_185 : i32 to index
          %swap3A_218 = arith.constant 48 : index
          %swap3A_219 = tpu.vector_load %arg14[%swap3A_217, %swap3A_218] {strides = array<i32>} : memref<128x128xf32, #tpu.memory_space<vmem>>, vector<16xf32>,
          tpu.vector_store %arg14[%swap3A_217, %swap3A_218], %mul3A_216 {strides = array<i32>} : memref<128x128xf32, #tpu.memory_space<vmem>>, vector<16xf32>,
          %broadcast_in_dim3A_220 = vector.broadcast %scan3A_185 : i32 to vector<16xi32>
          %broadcast_in_dim3A_221 = arith.constant 2 : i32
          %broadcast_in_dim3A_222 = vector.broadcast %broadcast_in_dim3A_221 : i32 to vector<16xi32>
          %gather3A_223 = tpu.vector_load_idx %arg17[%broadcast_in_dim3A_220, %broadcast_in_dim3A_222] : memref<128x16xf32, #tpu.memory_space<vmem>>[vector<16xi32>, vector<16xi32>], vector<16xf32>,
          %get3A_224 = arith.index_cast %scan3A_185 : i32 to index
          %get3A_225 = arith.constant 64 : index
          %get3A_226 = tpu.vector_load %arg14[%get3A_224, %get3A_225] {strides = array<i32>} : memref<128x128xf32, #tpu.memory_space<vmem>>, vector<16xf32>,
          %mul3A_227 = arith.mulf %get3A_226, %gather3A_223 : vector<16xf32>
          %swap3A_228 = arith.index_cast %scan3A_185 : i32 to index
          %swap3A_229 = arith.constant 64 : index
          %swap3A_230 = tpu.vector_load %arg14[%swap3A_228, %swap3A_229] {strides = array<i32>} : memref<128x128xf32, #tpu.memory_space<vmem>>, vector<16xf32>,
          tpu.vector_store %arg14[%swap3A_228, %swap3A_229], %mul3A_227 {strides = array<i32>} : memref<128x128xf32, #tpu.memory_space<vmem>>, vector<16xf32>,
          %get3A_231 = arith.index_cast %scan3A_185 : i32 to index
          %get3A_232 = arith.constant 80 : index
          %get3A_233 = tpu.vector_load %arg14[%get3A_231, %get3A_232] {strides = array<i32>} : memref<128x128xf32, #tpu.memory_space<vmem>>, vector<16xf32>,
          %mul3A_234 = arith.mulf %get3A_233, %gather3A_223 : vector<16xf32>
          %swap3A_235 = arith.index_cast %scan3A_185 : i32 to index
          %swap3A_236 = arith.constant 80 : index
          %swap3A_237 = tpu.vector_load %arg14[%swap3A_235, %swap3A_236] {strides = array<i32>} : memref<128x128xf32, #tpu.memory_space<vmem>>, vector<16xf32>,
          tpu.vector_store %arg14[%swap3A_235, %swap3A_236], %mul3A_234 {strides = array<i32>} : memref<128x128xf32, #tpu.memory_space<vmem>>, vector<16xf32>,
          %broadcast_in_dim3A_238 = vector.broadcast %scan3A_185 : i32 to vector<16xi32>
          %broadcast_in_dim3A_239 = arith.constant 3 : i32
          %broadcast_in_dim3A_240 = vector.broadcast %broadcast_in_dim3A_239 : i32 to vector<16xi32>
          %gather3A_241 = tpu.vector_load_idx %arg17[%broadcast_in_dim3A_238, %broadcast_in_dim3A_240] : memref<128x16xf32, #tpu.memory_space<vmem>>[vector<16xi32>, vector<16xi32>], vector<16xf32>,
          %get3A_242 = arith.index_cast %scan3A_185 : i32 to index
          %get3A_243 = arith.constant 96 : index
          %get3A_244 = tpu.vector_load %arg14[%get3A_242, %get3A_243] {strides = array<i32>} : memref<128x128xf32, #tpu.memory_space<vmem>>, vector<16xf32>,
          %mul3A_245 = arith.mulf %get3A_244, %gather3A_241 : vector<16xf32>
          %swap3A_246 = arith.index_cast %scan3A_185 : i32 to index
          %swap3A_247 = arith.constant 96 : index
          %swap3A_248 = tpu.vector_load %arg14[%swap3A_246, %swap3A_247] {strides = array<i32>} : memref<128x128xf32, #tpu.memory_space<vmem>>, vector<16xf32>,
          tpu.vector_store %arg14[%swap3A_246, %swap3A_247], %mul3A_245 {strides = array<i32>} : memref<128x128xf32, #tpu.memory_space<vmem>>, vector<16xf32>,
          %get3A_249 = arith.index_cast %scan3A_185 : i32 to index
          %get3A_250 = arith.constant 112 : index
          %get3A_251 = tpu.vector_load %arg14[%get3A_249, %get3A_250] {strides = array<i32>} : memref<128x128xf32, #tpu.memory_space<vmem>>, vector<16xf32>,
          %mul3A_252 = arith.mulf %get3A_251, %gather3A_241 : vector<16xf32>
          %swap3A_253 = arith.index_cast %scan3A_185 : i32 to index
          %swap3A_254 = arith.constant 112 : index
          %swap3A_255 = tpu.vector_load %arg14[%swap3A_253, %swap3A_254] {strides = array<i32>} : memref<128x128xf32, #tpu.memory_space<vmem>>, vector<16xf32>,
          tpu.vector_store %arg14[%swap3A_253, %swap3A_254], %mul3A_252 {strides = array<i32>} : memref<128x128xf32, #tpu.memory_space<vmem>>, vector<16xf32>,
          %scan3A_256 = arith.constant 0 : i32
          %scan3A_257 = arith.constant 1 : i32
          %scan3A_258 = arith.addi %scan3A_185, %scan3A_257 : i32
          %broadcast_in_dim3A_259 = vector.broadcast %scan3A_258 : i32 to vector<16xi32>
          %broadcast_in_dim3A_260 = arith.constant 0 : i32
          %broadcast_in_dim3A_261 = vector.broadcast %broadcast_in_dim3A_260 : i32 to vector<16xi32>
          %gather3A_262 = tpu.vector_load_idx %arg17[%broadcast_in_dim3A_259, %broadcast_in_dim3A_261] : memref<128x16xf32, #tpu.memory_space<vmem>>[vector<16xi32>, vector<16xi32>], vector<16xf32>,
          %get3A_263 = arith.index_cast %scan3A_258 : i32 to index
          %get3A_264 = arith.constant 0 : index
          %get3A_265 = tpu.vector_load %arg14[%get3A_263, %get3A_264] {strides = array<i32>} : memref<128x128xf32, #tpu.memory_space<vmem>>, vector<16xf32>,
          %mul3A_266 = arith.mulf %get3A_265, %gather3A_262 : vector<16xf32>
          %swap3A_267 = arith.index_cast %scan3A_258 : i32 to index
          %swap3A_268 = arith.constant 0 : index
          %swap3A_269 = tpu.vector_load %arg14[%swap3A_267, %swap3A_268] {strides = array<i32>} : memref<128x128xf32, #tpu.memory_space<vmem>>, vector<16xf32>,
          tpu.vector_store %arg14[%swap3A_267, %swap3A_268], %mul3A_266 {strides = array<i32>} : memref<128x128xf32, #tpu.memory_space<vmem>>, vector<16xf32>,
          %get3A_270 = arith.index_cast %scan3A_258 : i32 to index
          %get3A_271 = arith.constant 16 : index
          %get3A_272 = tpu.vector_load %arg14[%get3A_270, %get3A_271] {strides = array<i32>} : memref<128x128xf32, #tpu.memory_space<vmem>>, vector<16xf32>,
          %mul3A_273 = arith.mulf %get3A_272, %gather3A_262 : vector<16xf32>
          %swap3A_274 = arith.index_cast %scan3A_258 : i32 to index
          %swap3A_275 = arith.constant 16 : index
          %swap3A_276 = tpu.vector_load %arg14[%swap3A_274, %swap3A_275] {strides = array<i32>} : memref<128x128xf32, #tpu.memory_space<vmem>>, vector<16xf32>,
          tpu.vector_store %arg14[%swap3A_274, %swap3A_275], %mul3A_273 {strides = array<i32>} : memref<128x128xf32, #tpu.memory_space<vmem>>, vector<16xf32>,
          %broadcast_in_dim3A_277 = vector.broadcast %scan3A_258 : i32 to vector<16xi32>
          %broadcast_in_dim3A_278 = arith.constant 1 : i32
          %broadcast_in_dim3A_279 = vector.broadcast %broadcast_in_dim3A_278 : i32 to vector<16xi32>
          %gather3A_280 = tpu.vector_load_idx %arg17[%broadcast_in_dim3A_277, %broadcast_in_dim3A_279] : memref<128x16xf32, #tpu.memory_space<vmem>>[vector<16xi32>, vector<16xi32>], vector<16xf32>,
          %get3A_281 = arith.index_cast %scan3A_258 : i32 to index
          %get3A_282 = arith.constant 32 : index
          %get3A_283 = tpu.vector_load %arg14[%get3A_281, %get3A_282] {strides = array<i32>} : memref<128x128xf32, #tpu.memory_space<vmem>>, vector<16xf32>,
          %mul3A_284 = arith.mulf %get3A_283, %gather3A_280 : vector<16xf32>
          %swap3A_285 = arith.index_cast %scan3A_258 : i32 to index
          %swap3A_286 = arith.constant 32 : index
          %swap3A_287 = tpu.vector_load %arg14[%swap3A_285, %swap3A_286] {strides = array<i32>} : memref<128x128xf32, #tpu.memory_space<vmem>>, vector<16xf32>,
          tpu.vector_store %arg14[%swap3A_285, %swap3A_286], %mul3A_284 {strides = array<i32>} : memref<128x128xf32, #tpu.memory_space<vmem>>, vector<16xf32>,
          %get3A_288 = arith.index_cast %scan3A_258 : i32 to index
          %get3A_289 = arith.constant 48 : index
          %get3A_290 = tpu.vector_load %arg14[%get3A_288, %get3A_289] {strides = array<i32>} : memref<128x128xf32, #tpu.memory_space<vmem>>, vector<16xf32>,
          %mul3A_291 = arith.mulf %get3A_290, %gather3A_280 : vector<16xf32>
          %swap3A_292 = arith.index_cast %scan3A_258 : i32 to index
          %swap3A_293 = arith.constant 48 : index
          %swap3A_294 = tpu.vector_load %arg14[%swap3A_292, %swap3A_293] {strides = array<i32>} : memref<128x128xf32, #tpu.memory_space<vmem>>, vector<16xf32>,
          tpu.vector_store %arg14[%swap3A_292, %swap3A_293], %mul3A_291 {strides = array<i32>} : memref<128x128xf32, #tpu.memory_space<vmem>>, vector<16xf32>,
          %broadcast_in_dim3A_295 = vector.broadcast %scan3A_258 : i32 to vector<16xi32>
          %broadcast_in_dim3A_296 = arith.constant 2 : i32
          %broadcast_in_dim3A_297 = vector.broadcast %broadcast_in_dim3A_296 : i32 to vector<16xi32>
          %gather3A_298 = tpu.vector_load_idx %arg17[%broadcast_in_dim3A_295, %broadcast_in_dim3A_297] : memref<128x16xf32, #tpu.memory_space<vmem>>[vector<16xi32>, vector<16xi32>], vector<16xf32>,
          %get3A_299 = arith.index_cast %scan3A_258 : i32 to index
          %get3A_300 = arith.constant 64 : index
          %get3A_301 = tpu.vector_load %arg14[%get3A_299, %get3A_300] {strides = array<i32>} : memref<128x128xf32, #tpu.memory_space<vmem>>, vector<16xf32>,
          %mul3A_302 = arith.mulf %get3A_301, %gather3A_298 : vector<16xf32>
          %swap3A_303 = arith.index_cast %scan3A_258 : i32 to index
          %swap3A_304 = arith.constant 64 : index
          %swap3A_305 = tpu.vector_load %arg14[%swap3A_303, %swap3A_304] {strides = array<i32>} : memref<128x128xf32, #tpu.memory_space<vmem>>, vector<16xf32>,
          tpu.vector_store %arg14[%swap3A_303, %swap3A_304], %mul3A_302 {strides = array<i32>} : memref<128x128xf32, #tpu.memory_space<vmem>>, vector<16xf32>,
          %get3A_306 = arith.index_cast %scan3A_258 : i32 to index
          %get3A_307 = arith.constant 80 : index
          %get3A_308 = tpu.vector_load %arg14[%get3A_306, %get3A_307] {strides = array<i32>} : memref<128x128xf32, #tpu.memory_space<vmem>>, vector<16xf32>,
          %mul3A_309 = arith.mulf %get3A_308, %gather3A_298 : vector<16xf32>
          %swap3A_310 = arith.index_cast %scan3A_258 : i32 to index
          %swap3A_311 = arith.constant 80 : index
          %swap3A_312 = tpu.vector_load %arg14[%swap3A_310, %swap3A_311] {strides = array<i32>} : memref<128x128xf32, #tpu.memory_space<vmem>>, vector<16xf32>,
          tpu.vector_store %arg14[%swap3A_310, %swap3A_311], %mul3A_309 {strides = array<i32>} : memref<128x128xf32, #tpu.memory_space<vmem>>, vector<16xf32>,
          %broadcast_in_dim3A_313 = vector.broadcast %scan3A_258 : i32 to vector<16xi32>
          %broadcast_in_dim3A_314 = arith.constant 3 : i32
          %broadcast_in_dim3A_315 = vector.broadcast %broadcast_in_dim3A_314 : i32 to vector<16xi32>
          %gather3A_316 = tpu.vector_load_idx %arg17[%broadcast_in_dim3A_313, %broadcast_in_dim3A_315] : memref<128x16xf32, #tpu.memory_space<vmem>>[vector<16xi32>, vector<16xi32>], vector<16xf32>,
          %get3A_317 = arith.index_cast %scan3A_258 : i32 to index
          %get3A_318 = arith.constant 96 : index
          %get3A_319 = tpu.vector_load %arg14[%get3A_317, %get3A_318] {strides = array<i32>} : memref<128x128xf32, #tpu.memory_space<vmem>>, vector<16xf32>,
          %mul3A_320 = arith.mulf %get3A_319, %gather3A_316 : vector<16xf32>
          %swap3A_321 = arith.index_cast %scan3A_258 : i32 to index
          %swap3A_322 = arith.constant 96 : index
          %swap3A_323 = tpu.vector_load %arg14[%swap3A_321, %swap3A_322] {strides = array<i32>} : memref<128x128xf32, #tpu.memory_space<vmem>>, vector<16xf32>,
          tpu.vector_store %arg14[%swap3A_321, %swap3A_322], %mul3A_320 {strides = array<i32>} : memref<128x128xf32, #tpu.memory_space<vmem>>, vector<16xf32>,
          %get3A_324 = arith.index_cast %scan3A_258 : i32 to index
          %get3A_325 = arith.constant 112 : index
          %get3A_326 = tpu.vector_load %arg14[%get3A_324, %get3A_325] {strides = array<i32>} : memref<128x128xf32, #tpu.memory_space<vmem>>, vector<16xf32>,
          %mul3A_327 = arith.mulf %get3A_326, %gather3A_316 : vector<16xf32>
          %swap3A_328 = arith.index_cast %scan3A_258 : i32 to index
          %swap3A_329 = arith.constant 112 : index
          %swap3A_330 = tpu.vector_load %arg14[%swap3A_328, %swap3A_329] {strides = array<i32>} : memref<128x128xf32, #tpu.memory_space<vmem>>, vector<16xf32>,
          tpu.vector_store %arg14[%swap3A_328, %swap3A_329], %mul3A_327 {strides = array<i32>} : memref<128x128xf32, #tpu.memory_space<vmem>>, vector<16xf32>,
          %scan3A_331 = arith.constant 0 : i32
          scf.yield %scan3A_331 : i32
        }
        %scan3A_177 = arith.constant 128 : i32
        %dma_start3A_178 = arith.constant 0 : i32
        %dma_start3A_179 = arith.constant 0 : i32
        %dma_start3A_180 = tpu.memref_slice %arg8[%dma_start3A_178, %dma_start3A_179] : memref<10000x128xf32, #tpu.memory_space<vmem_shared>> -> memref<10000x128xf32, #tpu.memory_space<vmem_shared>>
        tpu.enqueue_indirect_dma source(%arg14 : memref<128x128xf32, #tpu.memory_space<vmem>>) target(%dma_start3A_180 : memref<10000x128xf32, #tpu.memory_space<vmem_shared>>) offsets(%arg11 : memref<128xi32, #tpu.memory_space<vmem>>) semaphore(%arg21 : memref<!tpu.dma_semaphore, #tpu.memory_space<semaphore_mem>>) {add = true}
        %dma_start3A_181 = arith.constant 0 : i32
        %dma_start3A_182 = arith.constant 0 : i32
        %dma_start3A_183 = tpu.memref_slice %arg9[%dma_start3A_181, %dma_start3A_182] : memref<10000x16xf32, #tpu.memory_space<vmem_shared>> -> memref<10000x16xf32, #tpu.memory_space<vmem_shared>>
        tpu.enqueue_indirect_dma source(%arg17 : memref<128x16xf32, #tpu.memory_space<vmem>>) target(%dma_start3A_183 : memref<10000x16xf32, #tpu.memory_space<vmem_shared>>) offsets(%arg11 : memref<128xi32, #tpu.memory_space<vmem>>) semaphore(%arg21 : memref<!tpu.dma_semaphore, #tpu.memory_space<semaphore_mem>>) {add = true}
        %while3A_184 = arith.constant 0 : i32
        scf.yield %while3A_184 : i32
      }
      %dma_wait3A = arith.constant 0 : i32
      %dma_wait3A_98 = arith.constant 0 : i32
      %dma_wait3A_99 = tpu.memref_slice %arg8[%dma_wait3A, %dma_wait3A_98] : memref<10000x128xf32, #tpu.memory_space<vmem_shared>> -> memref<10000x128xf32, #tpu.memory_space<vmem_shared>>
      tpu.wait_indirect_dma semaphore(%arg21 : memref<!tpu.dma_semaphore, #tpu.memory_space<semaphore_mem>>) src(%arg14 : memref<128x128xf32, #tpu.memory_space<vmem>>) dst(%dma_wait3A_99 : memref<10000x128xf32, #tpu.memory_space<vmem_shared>>)
      %dma_wait3A_100 = arith.constant 0 : i32
      %dma_wait3A_101 = arith.constant 0 : i32
      %dma_wait3A_102 = tpu.memref_slice %arg9[%dma_wait3A_100, %dma_wait3A_101] : memref<10000x16xf32, #tpu.memory_space<vmem_shared>> -> memref<10000x16xf32, #tpu.memory_space<vmem_shared>>
      tpu.wait_indirect_dma semaphore(%arg21 : memref<!tpu.dma_semaphore, #tpu.memory_space<semaphore_mem>>) src(%arg17 : memref<128x16xf32, #tpu.memory_space<vmem>>) dst(%dma_wait3A_102 : memref<10000x16xf32, #tpu.memory_space<vmem_shared>>)
      %barrier3A_103 = arith.constant 0 : index
      tpu.barrier barrier_id(%barrier3A_103)
      %mul3A_104 = arith.constant 625 : i32
      %mul3A_105 = arith.muli %arg1, %mul3A_104 : i32
      %add3A_106 = arith.addi %mul3A_74, %mul3A_105 : i32
      "tpu.region"() ({
        %run_scoped3A = tpu.sem_alloc : memref<!tpu.dma_semaphore, #tpu.memory_space<semaphore_mem>>
        %dma_start3A_126 = arith.constant 0 : i32
        %dma_start3A_127 = tpu.memref_slice %arg6[%add3A_106, %dma_start3A_126] : memref<320000x128xf32, #tpu.memory_space<hbm>> -> memref<625x128xf32, #tpu.memory_space<hbm>>
        %dma_start3A_128 = arith.constant 0 : i32
        %dma_start3A_129 = tpu.memref_slice %arg8[%mul3A_105, %dma_start3A_128] : memref<10000x128xf32, #tpu.memory_space<vmem_shared>> -> memref<625x128xf32, #tpu.memory_space<vmem_shared>>
        tpu.enqueue_dma source(%dma_start3A_129 : memref<625x128xf32, #tpu.memory_space<vmem_shared>>) target(%dma_start3A_127 : memref<625x128xf32, #tpu.memory_space<hbm>>) target_semaphore(%run_scoped3A : memref<!tpu.dma_semaphore, #tpu.memory_space<semaphore_mem>>)
        %dma_wait3A_130 = arith.constant 0 : i32
        %dma_wait3A_131 = tpu.memref_slice %arg6[%add3A_106, %dma_wait3A_130] : memref<320000x128xf32, #tpu.memory_space<hbm>> -> memref<625x128xf32, #tpu.memory_space<hbm>>
        %dma_wait3A_132 = arith.constant 0 : i32
        %dma_wait3A_133 = tpu.memref_slice %arg8[%mul3A_105, %dma_wait3A_132] : memref<10000x128xf32, #tpu.memory_space<vmem_shared>> -> memref<625x128xf32, #tpu.memory_space<vmem_shared>>
        tpu.wait_dma2 semaphore(%run_scoped3A : memref<!tpu.dma_semaphore, #tpu.memory_space<semaphore_mem>>) src(%dma_wait3A_133 : memref<625x128xf32, #tpu.memory_space<vmem_shared>>) dst(%dma_wait3A_131 : memref<625x128xf32, #tpu.memory_space<hbm>>)
        tpu.yield
      }) : () -> ()
      %add3A_107 = arith.addi %mul3A_74, %mul3A_105 : i32
      "tpu.region"() ({
        %run_scoped3A = tpu.sem_alloc : memref<!tpu.dma_semaphore, #tpu.memory_space<semaphore_mem>>
        %dma_start3A_126 = arith.constant 0 : i32
        %dma_start3A_127 = tpu.memref_slice %arg7[%add3A_107, %dma_start3A_126] : memref<320000x16xf32, #tpu.memory_space<hbm>> -> memref<625x16xf32, #tpu.memory_space<hbm>>
        %dma_start3A_128 = arith.constant 0 : i32
        %dma_start3A_129 = tpu.memref_slice %arg9[%mul3A_105, %dma_start3A_128] : memref<10000x16xf32, #tpu.memory_space<vmem_shared>> -> memref<625x16xf32, #tpu.memory_space<vmem_shared>>
        tpu.enqueue_dma source(%dma_start3A_129 : memref<625x16xf32, #tpu.memory_space<vmem_shared>>) target(%dma_start3A_127 : memref<625x16xf32, #tpu.memory_space<hbm>>) target_semaphore(%run_scoped3A : memref<!tpu.dma_semaphore, #tpu.memory_space<semaphore_mem>>)
        %dma_wait3A_130 = arith.constant 0 : i32
        %dma_wait3A_131 = tpu.memref_slice %arg7[%add3A_107, %dma_wait3A_130] : memref<320000x16xf32, #tpu.memory_space<hbm>> -> memref<625x16xf32, #tpu.memory_space<hbm>>
        %dma_wait3A_132 = arith.constant 0 : i32
        %dma_wait3A_133 = tpu.memref_slice %arg9[%mul3A_105, %dma_wait3A_132] : memref<10000x16xf32, #tpu.memory_space<vmem_shared>> -> memref<625x16xf32, #tpu.memory_space<vmem_shared>>
        tpu.wait_dma2 semaphore(%run_scoped3A : memref<!tpu.dma_semaphore, #tpu.memory_space<semaphore_mem>>) src(%dma_wait3A_133 : memref<625x16xf32, #tpu.memory_space<vmem_shared>>) dst(%dma_wait3A_131 : memref<625x16xf32, #tpu.memory_space<hbm>>)
        tpu.yield
      }) : () -> ()
      %scan3A_108 = arith.constant 0 : i32
      %scan3A_109 = arith.constant 0 : i32
      %scan3A_110 = arith.constant 128 : i32
      %scan3A_111 = arith.addi %scan3A_109, %scan3A_110 : i32
      %scan3A_112 = arith.constant 1 : i32
      %scan3A_113 = scf.for %scan3A_126 = %scan3A_109 to %scan3A_111 step %scan3A_112 iter_args(%scan3A_127 = %scan3A_108) -> (i32)  : i32 {
        %swap3A = arith.index_cast %scan3A_126 : i32 to index
        %swap3A_128 = arith.constant 0 : index
        %swap3A_129 = tpu.vector_load %arg14[%swap3A, %swap3A_128] {strides = array<i32>} : memref<128x128xf32, #tpu.memory_space<vmem>>, vector<16xf32>,
        tpu.vector_store %arg14[%swap3A, %swap3A_128], %broadcast_in_dim3A_0 {strides = array<i32>} : memref<128x128xf32, #tpu.memory_space<vmem>>, vector<16xf32>,
        %swap3A_130 = arith.index_cast %scan3A_126 : i32 to index
        %swap3A_131 = arith.constant 16 : index
        %swap3A_132 = tpu.vector_load %arg14[%swap3A_130, %swap3A_131] {strides = array<i32>} : memref<128x128xf32, #tpu.memory_space<vmem>>, vector<16xf32>,
        tpu.vector_store %arg14[%swap3A_130, %swap3A_131], %broadcast_in_dim3A_0 {strides = array<i32>} : memref<128x128xf32, #tpu.memory_space<vmem>>, vector<16xf32>,
        %swap3A_133 = arith.index_cast %scan3A_126 : i32 to index
        %swap3A_134 = arith.constant 32 : index
        %swap3A_135 = tpu.vector_load %arg14[%swap3A_133, %swap3A_134] {strides = array<i32>} : memref<128x128xf32, #tpu.memory_space<vmem>>, vector<16xf32>,
        tpu.vector_store %arg14[%swap3A_133, %swap3A_134], %broadcast_in_dim3A_0 {strides = array<i32>} : memref<128x128xf32, #tpu.memory_space<vmem>>, vector<16xf32>,
        %swap3A_136 = arith.index_cast %scan3A_126 : i32 to index
        %swap3A_137 = arith.constant 48 : index
        %swap3A_138 = tpu.vector_load %arg14[%swap3A_136, %swap3A_137] {strides = array<i32>} : memref<128x128xf32, #tpu.memory_space<vmem>>, vector<16xf32>,
        tpu.vector_store %arg14[%swap3A_136, %swap3A_137], %broadcast_in_dim3A_0 {strides = array<i32>} : memref<128x128xf32, #tpu.memory_space<vmem>>, vector<16xf32>,
        %swap3A_139 = arith.index_cast %scan3A_126 : i32 to index
        %swap3A_140 = arith.constant 64 : index
        %swap3A_141 = tpu.vector_load %arg14[%swap3A_139, %swap3A_140] {strides = array<i32>} : memref<128x128xf32, #tpu.memory_space<vmem>>, vector<16xf32>,
        tpu.vector_store %arg14[%swap3A_139, %swap3A_140], %broadcast_in_dim3A_0 {strides = array<i32>} : memref<128x128xf32, #tpu.memory_space<vmem>>, vector<16xf32>,
        %swap3A_142 = arith.index_cast %scan3A_126 : i32 to index
        %swap3A_143 = arith.constant 80 : index
        %swap3A_144 = tpu.vector_load %arg14[%swap3A_142, %swap3A_143] {strides = array<i32>} : memref<128x128xf32, #tpu.memory_space<vmem>>, vector<16xf32>,
        tpu.vector_store %arg14[%swap3A_142, %swap3A_143], %broadcast_in_dim3A_0 {strides = array<i32>} : memref<128x128xf32, #tpu.memory_space<vmem>>, vector<16xf32>,
        %swap3A_145 = arith.index_cast %scan3A_126 : i32 to index
        %swap3A_146 = arith.constant 96 : index
        %swap3A_147 = tpu.vector_load %arg14[%swap3A_145, %swap3A_146] {strides = array<i32>} : memref<128x128xf32, #tpu.memory_space<vmem>>, vector<16xf32>,
        tpu.vector_store %arg14[%swap3A_145, %swap3A_146], %broadcast_in_dim3A_0 {strides = array<i32>} : memref<128x128xf32, #tpu.memory_space<vmem>>, vector<16xf32>,
        %swap3A_148 = arith.index_cast %scan3A_126 : i32 to index
        %swap3A_149 = arith.constant 112 : index
        %swap3A_150 = tpu.vector_load %arg14[%swap3A_148, %swap3A_149] {strides = array<i32>} : memref<128x128xf32, #tpu.memory_space<vmem>>, vector<16xf32>,
        tpu.vector_store %arg14[%swap3A_148, %swap3A_149], %broadcast_in_dim3A_0 {strides = array<i32>} : memref<128x128xf32, #tpu.memory_space<vmem>>, vector<16xf32>,
        %scan3A_151 = arith.constant 0 : i32
        scf.yield %scan3A_151 : i32
      }
      %scan3A_114 = arith.constant 128 : i32
      %add3A_115 = arith.constant 0 : i32
      %add3A_116 = arith.addi %mul3A_105, %add3A_115 : i32
      "tpu.region"() ({
        %run_scoped3A = tpu.sem_alloc : memref<!tpu.dma_semaphore, #tpu.memory_space<semaphore_mem>>
        %dma_start3A_126 = arith.constant 0 : i32
        %dma_start3A_127 = arith.constant 0 : i32
        %dma_start3A_128 = tpu.memref_slice %arg14[%dma_start3A_126, %dma_start3A_127] : memref<128x128xf32, #tpu.memory_space<vmem>> -> memref<125x128xf32, #tpu.memory_space<vmem>>
        %dma_start3A_129 = arith.constant 0 : i32
        %dma_start3A_130 = tpu.memref_slice %arg8[%add3A_116, %dma_start3A_129] : memref<10000x128xf32, #tpu.memory_space<vmem_shared>> -> memref<125x128xf32, #tpu.memory_space<vmem_shared>>
        %dma_start3A_131 = arith.constant 0 : i32
        %dma_start3A_132 = tpu.memref_slice %arg8[%add3A_116, %dma_start3A_131] : memref<10000x128xf32, #tpu.memory_space<vmem_shared>> -> memref<125x128xf32, #tpu.memory_space<vmem_shared>>
        %dma_start3A_133 = arith.constant 0 : i32
        %dma_start3A_134 = arith.constant 0 : i32
        %dma_start3A_135 = tpu.memref_slice %arg14[%dma_start3A_133, %dma_start3A_134] : memref<128x128xf32, #tpu.memory_space<vmem>> -> memref<125x128xf32, #tpu.memory_space<vmem>>
        tpu.enqueue_dma source(%dma_start3A_135 : memref<125x128xf32, #tpu.memory_space<vmem>>) target(%dma_start3A_132 : memref<125x128xf32, #tpu.memory_space<vmem_shared>>) target_semaphore(%run_scoped3A : memref<!tpu.dma_semaphore, #tpu.memory_space<semaphore_mem>>)
        %dma_wait3A_136 = arith.constant 0 : i32
        %dma_wait3A_137 = arith.constant 0 : i32
        %dma_wait3A_138 = tpu.memref_slice %arg14[%dma_wait3A_136, %dma_wait3A_137] : memref<128x128xf32, #tpu.memory_space<vmem>> -> memref<125x128xf32, #tpu.memory_space<vmem>>
        %dma_wait3A_139 = arith.constant 0 : i32
        %dma_wait3A_140 = tpu.memref_slice %arg8[%add3A_116, %dma_wait3A_139] : memref<10000x128xf32, #tpu.memory_space<vmem_shared>> -> memref<125x128xf32, #tpu.memory_space<vmem_shared>>
        %dma_wait3A_141 = arith.constant 0 : i32
        %dma_wait3A_142 = tpu.memref_slice %arg8[%add3A_116, %dma_wait3A_141] : memref<10000x128xf32, #tpu.memory_space<vmem_shared>> -> memref<125x128xf32, #tpu.memory_space<vmem_shared>>
        %dma_wait3A_143 = arith.constant 0 : i32
        %dma_wait3A_144 = arith.constant 0 : i32
        %dma_wait3A_145 = tpu.memref_slice %arg14[%dma_wait3A_143, %dma_wait3A_144] : memref<128x128xf32, #tpu.memory_space<vmem>> -> memref<125x128xf32, #tpu.memory_space<vmem>>
        tpu.wait_dma2 semaphore(%run_scoped3A : memref<!tpu.dma_semaphore, #tpu.memory_space<semaphore_mem>>) src(%dma_wait3A_145 : memref<125x128xf32, #tpu.memory_space<vmem>>) dst(%dma_wait3A_142 : memref<125x128xf32, #tpu.memory_space<vmem_shared>>)
        tpu.yield
      }) : () -> ()
      "tpu.region"() ({
        %run_scoped3A = tpu.sem_alloc : memref<!tpu.dma_semaphore, #tpu.memory_space<semaphore_mem>>
        %dma_start3A_126 = arith.constant 0 : i32
        %dma_start3A_127 = arith.constant 0 : i32
        %dma_start3A_128 = tpu.memref_slice %arg18[%dma_start3A_126, %dma_start3A_127] : memref<128x16xf32, #tpu.memory_space<vmem>> -> memref<125x16xf32, #tpu.memory_space<vmem>>
        %dma_start3A_129 = arith.constant 0 : i32
        %dma_start3A_130 = tpu.memref_slice %arg9[%add3A_116, %dma_start3A_129] : memref<10000x16xf32, #tpu.memory_space<vmem_shared>> -> memref<125x16xf32, #tpu.memory_space<vmem_shared>>
        %dma_start3A_131 = arith.constant 0 : i32
        %dma_start3A_132 = tpu.memref_slice %arg9[%add3A_116, %dma_start3A_131] : memref<10000x16xf32, #tpu.memory_space<vmem_shared>> -> memref<125x16xf32, #tpu.memory_space<vmem_shared>>
        %dma_start3A_133 = arith.constant 0 : i32
        %dma_start3A_134 = arith.constant 0 : i32
        %dma_start3A_135 = tpu.memref_slice %arg18[%dma_start3A_133, %dma_start3A_134] : memref<128x16xf32, #tpu.memory_space<vmem>> -> memref<125x16xf32, #tpu.memory_space<vmem>>
        tpu.enqueue_dma source(%dma_start3A_135 : memref<125x16xf32, #tpu.memory_space<vmem>>) target(%dma_start3A_132 : memref<125x16xf32, #tpu.memory_space<vmem_shared>>) target_semaphore(%run_scoped3A : memref<!tpu.dma_semaphore, #tpu.memory_space<semaphore_mem>>)
        %dma_wait3A_136 = arith.constant 0 : i32
        %dma_wait3A_137 = arith.constant 0 : i32
        %dma_wait3A_138 = tpu.memref_slice %arg18[%dma_wait3A_136, %dma_wait3A_137] : memref<128x16xf32, #tpu.memory_space<vmem>> -> memref<125x16xf32, #tpu.memory_space<vmem>>
        %dma_wait3A_139 = arith.constant 0 : i32
        %dma_wait3A_140 = tpu.memref_slice %arg9[%add3A_116, %dma_wait3A_139] : memref<10000x16xf32, #tpu.memory_space<vmem_shared>> -> memref<125x16xf32, #tpu.memory_space<vmem_shared>>
        %dma_wait3A_141 = arith.constant 0 : i32
        %dma_wait3A_142 = tpu.memref_slice %arg9[%add3A_116, %dma_wait3A_141] : memref<10000x16xf32, #tpu.memory_space<vmem_shared>> -> memref<125x16xf32, #tpu.memory_space<vmem_shared>>
        %dma_wait3A_143 = arith.constant 0 : i32
        %dma_wait3A_144 = arith.constant 0 : i32
        %dma_wait3A_145 = tpu.memref_slice %arg18[%dma_wait3A_143, %dma_wait3A_144] : memref<128x16xf32, #tpu.memory_space<vmem>> -> memref<125x16xf32, #tpu.memory_space<vmem>>
        tpu.wait_dma2 semaphore(%run_scoped3A : memref<!tpu.dma_semaphore, #tpu.memory_space<semaphore_mem>>) src(%dma_wait3A_145 : memref<125x16xf32, #tpu.memory_space<vmem>>) dst(%dma_wait3A_142 : memref<125x16xf32, #tpu.memory_space<vmem_shared>>)
        tpu.yield
      }) : () -> ()
      %add3A_117 = arith.constant 125 : i32
      %add3A_118 = arith.addi %mul3A_105, %add3A_117 : i32
      "tpu.region"() ({
        %run_scoped3A = tpu.sem_alloc : memref<!tpu.dma_semaphore, #tpu.memory_space<semaphore_mem>>
        %dma_start3A_126 = arith.constant 0 : i32
        %dma_start3A_127 = arith.constant 0 : i32
        %dma_start3A_128 = tpu.memref_slice %arg14[%dma_start3A_126, %dma_start3A_127] : memref<128x128xf32, #tpu.memory_space<vmem>> -> memref<125x128xf32, #tpu.memory_space<vmem>>
        %dma_start3A_129 = arith.constant 0 : i32
        %dma_start3A_130 = tpu.memref_slice %arg8[%add3A_118, %dma_start3A_129] : memref<10000x128xf32, #tpu.memory_space<vmem_shared>> -> memref<125x128xf32, #tpu.memory_space<vmem_shared>>
        %dma_start3A_131 = arith.constant 0 : i32
        %dma_start3A_132 = tpu.memref_slice %arg8[%add3A_118, %dma_start3A_131] : memref<10000x128xf32, #tpu.memory_space<vmem_shared>> -> memref<125x128xf32, #tpu.memory_space<vmem_shared>>
        %dma_start3A_133 = arith.constant 0 : i32
        %dma_start3A_134 = arith.constant 0 : i32
        %dma_start3A_135 = tpu.memref_slice %arg14[%dma_start3A_133, %dma_start3A_134] : memref<128x128xf32, #tpu.memory_space<vmem>> -> memref<125x128xf32, #tpu.memory_space<vmem>>
        tpu.enqueue_dma source(%dma_start3A_135 : memref<125x128xf32, #tpu.memory_space<vmem>>) target(%dma_start3A_132 : memref<125x128xf32, #tpu.memory_space<vmem_shared>>) target_semaphore(%run_scoped3A : memref<!tpu.dma_semaphore, #tpu.memory_space<semaphore_mem>>)
        %dma_wait3A_136 = arith.constant 0 : i32
        %dma_wait3A_137 = arith.constant 0 : i32
        %dma_wait3A_138 = tpu.memref_slice %arg14[%dma_wait3A_136, %dma_wait3A_137] : memref<128x128xf32, #tpu.memory_space<vmem>> -> memref<125x128xf32, #tpu.memory_space<vmem>>
        %dma_wait3A_139 = arith.constant 0 : i32
        %dma_wait3A_140 = tpu.memref_slice %arg8[%add3A_118, %dma_wait3A_139] : memref<10000x128xf32, #tpu.memory_space<vmem_shared>> -> memref<125x128xf32, #tpu.memory_space<vmem_shared>>
        %dma_wait3A_141 = arith.constant 0 : i32
        %dma_wait3A_142 = tpu.memref_slice %arg8[%add3A_118, %dma_wait3A_141] : memref<10000x128xf32, #tpu.memory_space<vmem_shared>> -> memref<125x128xf32, #tpu.memory_space<vmem_shared>>
        %dma_wait3A_143 = arith.constant 0 : i32
        %dma_wait3A_144 = arith.constant 0 : i32
        %dma_wait3A_145 = tpu.memref_slice %arg14[%dma_wait3A_143, %dma_wait3A_144] : memref<128x128xf32, #tpu.memory_space<vmem>> -> memref<125x128xf32, #tpu.memory_space<vmem>>
        tpu.wait_dma2 semaphore(%run_scoped3A : memref<!tpu.dma_semaphore, #tpu.memory_space<semaphore_mem>>) src(%dma_wait3A_145 : memref<125x128xf32, #tpu.memory_space<vmem>>) dst(%dma_wait3A_142 : memref<125x128xf32, #tpu.memory_space<vmem_shared>>)
        tpu.yield
      }) : () -> ()
      "tpu.region"() ({
        %run_scoped3A = tpu.sem_alloc : memref<!tpu.dma_semaphore, #tpu.memory_space<semaphore_mem>>
        %dma_start3A_126 = arith.constant 0 : i32
        %dma_start3A_127 = arith.constant 0 : i32
        %dma_start3A_128 = tpu.memref_slice %arg18[%dma_start3A_126, %dma_start3A_127] : memref<128x16xf32, #tpu.memory_space<vmem>> -> memref<125x16xf32, #tpu.memory_space<vmem>>
        %dma_start3A_129 = arith.constant 0 : i32
        %dma_start3A_130 = tpu.memref_slice %arg9[%add3A_118, %dma_start3A_129] : memref<10000x16xf32, #tpu.memory_space<vmem_shared>> -> memref<125x16xf32, #tpu.memory_space<vmem_shared>>
        %dma_start3A_131 = arith.constant 0 : i32
        %dma_start3A_132 = tpu.memref_slice %arg9[%add3A_118, %dma_start3A_131] : memref<10000x16xf32, #tpu.memory_space<vmem_shared>> -> memref<125x16xf32, #tpu.memory_space<vmem_shared>>
        %dma_start3A_133 = arith.constant 0 : i32
        %dma_start3A_134 = arith.constant 0 : i32
        %dma_start3A_135 = tpu.memref_slice %arg18[%dma_start3A_133, %dma_start3A_134] : memref<128x16xf32, #tpu.memory_space<vmem>> -> memref<125x16xf32, #tpu.memory_space<vmem>>
        tpu.enqueue_dma source(%dma_start3A_135 : memref<125x16xf32, #tpu.memory_space<vmem>>) target(%dma_start3A_132 : memref<125x16xf32, #tpu.memory_space<vmem_shared>>) target_semaphore(%run_scoped3A : memref<!tpu.dma_semaphore, #tpu.memory_space<semaphore_mem>>)
        %dma_wait3A_136 = arith.constant 0 : i32
        %dma_wait3A_137 = arith.constant 0 : i32
        %dma_wait3A_138 = tpu.memref_slice %arg18[%dma_wait3A_136, %dma_wait3A_137] : memref<128x16xf32, #tpu.memory_space<vmem>> -> memref<125x16xf32, #tpu.memory_space<vmem>>
        %dma_wait3A_139 = arith.constant 0 : i32
        %dma_wait3A_140 = tpu.memref_slice %arg9[%add3A_118, %dma_wait3A_139] : memref<10000x16xf32, #tpu.memory_space<vmem_shared>> -> memref<125x16xf32, #tpu.memory_space<vmem_shared>>
        %dma_wait3A_141 = arith.constant 0 : i32
        %dma_wait3A_142 = tpu.memref_slice %arg9[%add3A_118, %dma_wait3A_141] : memref<10000x16xf32, #tpu.memory_space<vmem_shared>> -> memref<125x16xf32, #tpu.memory_space<vmem_shared>>
        %dma_wait3A_143 = arith.constant 0 : i32
        %dma_wait3A_144 = arith.constant 0 : i32
        %dma_wait3A_145 = tpu.memref_slice %arg18[%dma_wait3A_143, %dma_wait3A_144] : memref<128x16xf32, #tpu.memory_space<vmem>> -> memref<125x16xf32, #tpu.memory_space<vmem>>
        tpu.wait_dma2 semaphore(%run_scoped3A : memref<!tpu.dma_semaphore, #tpu.memory_space<semaphore_mem>>) src(%dma_wait3A_145 : memref<125x16xf32, #tpu.memory_space<vmem>>) dst(%dma_wait3A_142 : memref<125x16xf32, #tpu.memory_space<vmem_shared>>)
        tpu.yield
      }) : () -> ()
      %add3A_119 = arith.constant 250 : i32
      %add3A_120 = arith.addi %mul3A_105, %add3A_119 : i32
      "tpu.region"() ({
        %run_scoped3A = tpu.sem_alloc : memref<!tpu.dma_semaphore, #tpu.memory_space<semaphore_mem>>
        %dma_start3A_126 = arith.constant 0 : i32
        %dma_start3A_127 = arith.constant 0 : i32
        %dma_start3A_128 = tpu.memref_slice %arg14[%dma_start3A_126, %dma_start3A_127] : memref<128x128xf32, #tpu.memory_space<vmem>> -> memref<125x128xf32, #tpu.memory_space<vmem>>
        %dma_start3A_129 = arith.constant 0 : i32
        %dma_start3A_130 = tpu.memref_slice %arg8[%add3A_120, %dma_start3A_129] : memref<10000x128xf32, #tpu.memory_space<vmem_shared>> -> memref<125x128xf32, #tpu.memory_space<vmem_shared>>
        %dma_start3A_131 = arith.constant 0 : i32
        %dma_start3A_132 = tpu.memref_slice %arg8[%add3A_120, %dma_start3A_131] : memref<10000x128xf32, #tpu.memory_space<vmem_shared>> -> memref<125x128xf32, #tpu.memory_space<vmem_shared>>
        %dma_start3A_133 = arith.constant 0 : i32
        %dma_start3A_134 = arith.constant 0 : i32
        %dma_start3A_135 = tpu.memref_slice %arg14[%dma_start3A_133, %dma_start3A_134] : memref<128x128xf32, #tpu.memory_space<vmem>> -> memref<125x128xf32, #tpu.memory_space<vmem>>
        tpu.enqueue_dma source(%dma_start3A_135 : memref<125x128xf32, #tpu.memory_space<vmem>>) target(%dma_start3A_132 : memref<125x128xf32, #tpu.memory_space<vmem_shared>>) target_semaphore(%run_scoped3A : memref<!tpu.dma_semaphore, #tpu.memory_space<semaphore_mem>>)
        %dma_wait3A_136 = arith.constant 0 : i32
        %dma_wait3A_137 = arith.constant 0 : i32
        %dma_wait3A_138 = tpu.memref_slice %arg14[%dma_wait3A_136, %dma_wait3A_137] : memref<128x128xf32, #tpu.memory_space<vmem>> -> memref<125x128xf32, #tpu.memory_space<vmem>>
        %dma_wait3A_139 = arith.constant 0 : i32
        %dma_wait3A_140 = tpu.memref_slice %arg8[%add3A_120, %dma_wait3A_139] : memref<10000x128xf32, #tpu.memory_space<vmem_shared>> -> memref<125x128xf32, #tpu.memory_space<vmem_shared>>
        %dma_wait3A_141 = arith.constant 0 : i32
        %dma_wait3A_142 = tpu.memref_slice %arg8[%add3A_120, %dma_wait3A_141] : memref<10000x128xf32, #tpu.memory_space<vmem_shared>> -> memref<125x128xf32, #tpu.memory_space<vmem_shared>>
        %dma_wait3A_143 = arith.constant 0 : i32
        %dma_wait3A_144 = arith.constant 0 : i32
        %dma_wait3A_145 = tpu.memref_slice %arg14[%dma_wait3A_143, %dma_wait3A_144] : memref<128x128xf32, #tpu.memory_space<vmem>> -> memref<125x128xf32, #tpu.memory_space<vmem>>
        tpu.wait_dma2 semaphore(%run_scoped3A : memref<!tpu.dma_semaphore, #tpu.memory_space<semaphore_mem>>) src(%dma_wait3A_145 : memref<125x128xf32, #tpu.memory_space<vmem>>) dst(%dma_wait3A_142 : memref<125x128xf32, #tpu.memory_space<vmem_shared>>)
        tpu.yield
      }) : () -> ()
      "tpu.region"() ({
        %run_scoped3A = tpu.sem_alloc : memref<!tpu.dma_semaphore, #tpu.memory_space<semaphore_mem>>
        %dma_start3A_126 = arith.constant 0 : i32
        %dma_start3A_127 = arith.constant 0 : i32
        %dma_start3A_128 = tpu.memref_slice %arg18[%dma_start3A_126, %dma_start3A_127] : memref<128x16xf32, #tpu.memory_space<vmem>> -> memref<125x16xf32, #tpu.memory_space<vmem>>
        %dma_start3A_129 = arith.constant 0 : i32
        %dma_start3A_130 = tpu.memref_slice %arg9[%add3A_120, %dma_start3A_129] : memref<10000x16xf32, #tpu.memory_space<vmem_shared>> -> memref<125x16xf32, #tpu.memory_space<vmem_shared>>
        %dma_start3A_131 = arith.constant 0 : i32
        %dma_start3A_132 = tpu.memref_slice %arg9[%add3A_120, %dma_start3A_131] : memref<10000x16xf32, #tpu.memory_space<vmem_shared>> -> memref<125x16xf32, #tpu.memory_space<vmem_shared>>
        %dma_start3A_133 = arith.constant 0 : i32
        %dma_start3A_134 = arith.constant 0 : i32
        %dma_start3A_135 = tpu.memref_slice %arg18[%dma_start3A_133, %dma_start3A_134] : memref<128x16xf32, #tpu.memory_space<vmem>> -> memref<125x16xf32, #tpu.memory_space<vmem>>
        tpu.enqueue_dma source(%dma_start3A_135 : memref<125x16xf32, #tpu.memory_space<vmem>>) target(%dma_start3A_132 : memref<125x16xf32, #tpu.memory_space<vmem_shared>>) target_semaphore(%run_scoped3A : memref<!tpu.dma_semaphore, #tpu.memory_space<semaphore_mem>>)
        %dma_wait3A_136 = arith.constant 0 : i32
        %dma_wait3A_137 = arith.constant 0 : i32
        %dma_wait3A_138 = tpu.memref_slice %arg18[%dma_wait3A_136, %dma_wait3A_137] : memref<128x16xf32, #tpu.memory_space<vmem>> -> memref<125x16xf32, #tpu.memory_space<vmem>>
        %dma_wait3A_139 = arith.constant 0 : i32
        %dma_wait3A_140 = tpu.memref_slice %arg9[%add3A_120, %dma_wait3A_139] : memref<10000x16xf32, #tpu.memory_space<vmem_shared>> -> memref<125x16xf32, #tpu.memory_space<vmem_shared>>
        %dma_wait3A_141 = arith.constant 0 : i32
        %dma_wait3A_142 = tpu.memref_slice %arg9[%add3A_120, %dma_wait3A_141] : memref<10000x16xf32, #tpu.memory_space<vmem_shared>> -> memref<125x16xf32, #tpu.memory_space<vmem_shared>>
        %dma_wait3A_143 = arith.constant 0 : i32
        %dma_wait3A_144 = arith.constant 0 : i32
        %dma_wait3A_145 = tpu.memref_slice %arg18[%dma_wait3A_143, %dma_wait3A_144] : memref<128x16xf32, #tpu.memory_space<vmem>> -> memref<125x16xf32, #tpu.memory_space<vmem>>
        tpu.wait_dma2 semaphore(%run_scoped3A : memref<!tpu.dma_semaphore, #tpu.memory_space<semaphore_mem>>) src(%dma_wait3A_145 : memref<125x16xf32, #tpu.memory_space<vmem>>) dst(%dma_wait3A_142 : memref<125x16xf32, #tpu.memory_space<vmem_shared>>)
        tpu.yield
      }) : () -> ()
      %add3A_121 = arith.constant 375 : i32
      %add3A_122 = arith.addi %mul3A_105, %add3A_121 : i32
      "tpu.region"() ({
        %run_scoped3A = tpu.sem_alloc : memref<!tpu.dma_semaphore, #tpu.memory_space<semaphore_mem>>
        %dma_start3A_126 = arith.constant 0 : i32
        %dma_start3A_127 = arith.constant 0 : i32
        %dma_start3A_128 = tpu.memref_slice %arg14[%dma_start3A_126, %dma_start3A_127] : memref<128x128xf32, #tpu.memory_space<vmem>> -> memref<125x128xf32, #tpu.memory_space<vmem>>
        %dma_start3A_129 = arith.constant 0 : i32
        %dma_start3A_130 = tpu.memref_slice %arg8[%add3A_122, %dma_start3A_129] : memref<10000x128xf32, #tpu.memory_space<vmem_shared>> -> memref<125x128xf32, #tpu.memory_space<vmem_shared>>
        %dma_start3A_131 = arith.constant 0 : i32
        %dma_start3A_132 = tpu.memref_slice %arg8[%add3A_122, %dma_start3A_131] : memref<10000x128xf32, #tpu.memory_space<vmem_shared>> -> memref<125x128xf32, #tpu.memory_space<vmem_shared>>
        %dma_start3A_133 = arith.constant 0 : i32
        %dma_start3A_134 = arith.constant 0 : i32
        %dma_start3A_135 = tpu.memref_slice %arg14[%dma_start3A_133, %dma_start3A_134] : memref<128x128xf32, #tpu.memory_space<vmem>> -> memref<125x128xf32, #tpu.memory_space<vmem>>
        tpu.enqueue_dma source(%dma_start3A_135 : memref<125x128xf32, #tpu.memory_space<vmem>>) target(%dma_start3A_132 : memref<125x128xf32, #tpu.memory_space<vmem_shared>>) target_semaphore(%run_scoped3A : memref<!tpu.dma_semaphore, #tpu.memory_space<semaphore_mem>>)
        %dma_wait3A_136 = arith.constant 0 : i32
        %dma_wait3A_137 = arith.constant 0 : i32
        %dma_wait3A_138 = tpu.memref_slice %arg14[%dma_wait3A_136, %dma_wait3A_137] : memref<128x128xf32, #tpu.memory_space<vmem>> -> memref<125x128xf32, #tpu.memory_space<vmem>>
        %dma_wait3A_139 = arith.constant 0 : i32
        %dma_wait3A_140 = tpu.memref_slice %arg8[%add3A_122, %dma_wait3A_139] : memref<10000x128xf32, #tpu.memory_space<vmem_shared>> -> memref<125x128xf32, #tpu.memory_space<vmem_shared>>
        %dma_wait3A_141 = arith.constant 0 : i32
        %dma_wait3A_142 = tpu.memref_slice %arg8[%add3A_122, %dma_wait3A_141] : memref<10000x128xf32, #tpu.memory_space<vmem_shared>> -> memref<125x128xf32, #tpu.memory_space<vmem_shared>>
        %dma_wait3A_143 = arith.constant 0 : i32
        %dma_wait3A_144 = arith.constant 0 : i32
        %dma_wait3A_145 = tpu.memref_slice %arg14[%dma_wait3A_143, %dma_wait3A_144] : memref<128x128xf32, #tpu.memory_space<vmem>> -> memref<125x128xf32, #tpu.memory_space<vmem>>
        tpu.wait_dma2 semaphore(%run_scoped3A : memref<!tpu.dma_semaphore, #tpu.memory_space<semaphore_mem>>) src(%dma_wait3A_145 : memref<125x128xf32, #tpu.memory_space<vmem>>) dst(%dma_wait3A_142 : memref<125x128xf32, #tpu.memory_space<vmem_shared>>)
        tpu.yield
      }) : () -> ()
      "tpu.region"() ({
        %run_scoped3A = tpu.sem_alloc : memref<!tpu.dma_semaphore, #tpu.memory_space<semaphore_mem>>
        %dma_start3A_126 = arith.constant 0 : i32
        %dma_start3A_127 = arith.constant 0 : i32
        %dma_start3A_128 = tpu.memref_slice %arg18[%dma_start3A_126, %dma_start3A_127] : memref<128x16xf32, #tpu.memory_space<vmem>> -> memref<125x16xf32, #tpu.memory_space<vmem>>
        %dma_start3A_129 = arith.constant 0 : i32
        %dma_start3A_130 = tpu.memref_slice %arg9[%add3A_122, %dma_start3A_129] : memref<10000x16xf32, #tpu.memory_space<vmem_shared>> -> memref<125x16xf32, #tpu.memory_space<vmem_shared>>
        %dma_start3A_131 = arith.constant 0 : i32
        %dma_start3A_132 = tpu.memref_slice %arg9[%add3A_122, %dma_start3A_131] : memref<10000x16xf32, #tpu.memory_space<vmem_shared>> -> memref<125x16xf32, #tpu.memory_space<vmem_shared>>
        %dma_start3A_133 = arith.constant 0 : i32
        %dma_start3A_134 = arith.constant 0 : i32
        %dma_start3A_135 = tpu.memref_slice %arg18[%dma_start3A_133, %dma_start3A_134] : memref<128x16xf32, #tpu.memory_space<vmem>> -> memref<125x16xf32, #tpu.memory_space<vmem>>
        tpu.enqueue_dma source(%dma_start3A_135 : memref<125x16xf32, #tpu.memory_space<vmem>>) target(%dma_start3A_132 : memref<125x16xf32, #tpu.memory_space<vmem_shared>>) target_semaphore(%run_scoped3A : memref<!tpu.dma_semaphore, #tpu.memory_space<semaphore_mem>>)
        %dma_wait3A_136 = arith.constant 0 : i32
        %dma_wait3A_137 = arith.constant 0 : i32
        %dma_wait3A_138 = tpu.memref_slice %arg18[%dma_wait3A_136, %dma_wait3A_137] : memref<128x16xf32, #tpu.memory_space<vmem>> -> memref<125x16xf32, #tpu.memory_space<vmem>>
        %dma_wait3A_139 = arith.constant 0 : i32
        %dma_wait3A_140 = tpu.memref_slice %arg9[%add3A_122, %dma_wait3A_139] : memref<10000x16xf32, #tpu.memory_space<vmem_shared>> -> memref<125x16xf32, #tpu.memory_space<vmem_shared>>
        %dma_wait3A_141 = arith.constant 0 : i32
        %dma_wait3A_142 = tpu.memref_slice %arg9[%add3A_122, %dma_wait3A_141] : memref<10000x16xf32, #tpu.memory_space<vmem_shared>> -> memref<125x16xf32, #tpu.memory_space<vmem_shared>>
        %dma_wait3A_143 = arith.constant 0 : i32
        %dma_wait3A_144 = arith.constant 0 : i32
        %dma_wait3A_145 = tpu.memref_slice %arg18[%dma_wait3A_143, %dma_wait3A_144] : memref<128x16xf32, #tpu.memory_space<vmem>> -> memref<125x16xf32, #tpu.memory_space<vmem>>
        tpu.wait_dma2 semaphore(%run_scoped3A : memref<!tpu.dma_semaphore, #tpu.memory_space<semaphore_mem>>) src(%dma_wait3A_145 : memref<125x16xf32, #tpu.memory_space<vmem>>) dst(%dma_wait3A_142 : memref<125x16xf32, #tpu.memory_space<vmem_shared>>)
        tpu.yield
      }) : () -> ()
      %add3A_123 = arith.constant 500 : i32
      %add3A_124 = arith.addi %mul3A_105, %add3A_123 : i32
      "tpu.region"() ({
        %run_scoped3A = tpu.sem_alloc : memref<!tpu.dma_semaphore, #tpu.memory_space<semaphore_mem>>
        %dma_start3A_126 = arith.constant 0 : i32
        %dma_start3A_127 = arith.constant 0 : i32
        %dma_start3A_128 = tpu.memref_slice %arg14[%dma_start3A_126, %dma_start3A_127] : memref<128x128xf32, #tpu.memory_space<vmem>> -> memref<125x128xf32, #tpu.memory_space<vmem>>
        %dma_start3A_129 = arith.constant 0 : i32
        %dma_start3A_130 = tpu.memref_slice %arg8[%add3A_124, %dma_start3A_129] : memref<10000x128xf32, #tpu.memory_space<vmem_shared>> -> memref<125x128xf32, #tpu.memory_space<vmem_shared>>
        %dma_start3A_131 = arith.constant 0 : i32
        %dma_start3A_132 = tpu.memref_slice %arg8[%add3A_124, %dma_start3A_131] : memref<10000x128xf32, #tpu.memory_space<vmem_shared>> -> memref<125x128xf32, #tpu.memory_space<vmem_shared>>
        %dma_start3A_133 = arith.constant 0 : i32
        %dma_start3A_134 = arith.constant 0 : i32
        %dma_start3A_135 = tpu.memref_slice %arg14[%dma_start3A_133, %dma_start3A_134] : memref<128x128xf32, #tpu.memory_space<vmem>> -> memref<125x128xf32, #tpu.memory_space<vmem>>
        tpu.enqueue_dma source(%dma_start3A_135 : memref<125x128xf32, #tpu.memory_space<vmem>>) target(%dma_start3A_132 : memref<125x128xf32, #tpu.memory_space<vmem_shared>>) target_semaphore(%run_scoped3A : memref<!tpu.dma_semaphore, #tpu.memory_space<semaphore_mem>>)
        %dma_wait3A_136 = arith.constant 0 : i32
        %dma_wait3A_137 = arith.constant 0 : i32
        %dma_wait3A_138 = tpu.memref_slice %arg14[%dma_wait3A_136, %dma_wait3A_137] : memref<128x128xf32, #tpu.memory_space<vmem>> -> memref<125x128xf32, #tpu.memory_space<vmem>>
        %dma_wait3A_139 = arith.constant 0 : i32
        %dma_wait3A_140 = tpu.memref_slice %arg8[%add3A_124, %dma_wait3A_139] : memref<10000x128xf32, #tpu.memory_space<vmem_shared>> -> memref<125x128xf32, #tpu.memory_space<vmem_shared>>
        %dma_wait3A_141 = arith.constant 0 : i32
        %dma_wait3A_142 = tpu.memref_slice %arg8[%add3A_124, %dma_wait3A_141] : memref<10000x128xf32, #tpu.memory_space<vmem_shared>> -> memref<125x128xf32, #tpu.memory_space<vmem_shared>>
        %dma_wait3A_143 = arith.constant 0 : i32
        %dma_wait3A_144 = arith.constant 0 : i32
        %dma_wait3A_145 = tpu.memref_slice %arg14[%dma_wait3A_143, %dma_wait3A_144] : memref<128x128xf32, #tpu.memory_space<vmem>> -> memref<125x128xf32, #tpu.memory_space<vmem>>
        tpu.wait_dma2 semaphore(%run_scoped3A : memref<!tpu.dma_semaphore, #tpu.memory_space<semaphore_mem>>) src(%dma_wait3A_145 : memref<125x128xf32, #tpu.memory_space<vmem>>) dst(%dma_wait3A_142 : memref<125x128xf32, #tpu.memory_space<vmem_shared>>)
        tpu.yield
      }) : () -> ()
      "tpu.region"() ({
        %run_scoped3A = tpu.sem_alloc : memref<!tpu.dma_semaphore, #tpu.memory_space<semaphore_mem>>
        %dma_start3A_126 = arith.constant 0 : i32
        %dma_start3A_127 = arith.constant 0 : i32
        %dma_start3A_128 = tpu.memref_slice %arg18[%dma_start3A_126, %dma_start3A_127] : memref<128x16xf32, #tpu.memory_space<vmem>> -> memref<125x16xf32, #tpu.memory_space<vmem>>
        %dma_start3A_129 = arith.constant 0 : i32
        %dma_start3A_130 = tpu.memref_slice %arg9[%add3A_124, %dma_start3A_129] : memref<10000x16xf32, #tpu.memory_space<vmem_shared>> -> memref<125x16xf32, #tpu.memory_space<vmem_shared>>
        %dma_start3A_131 = arith.constant 0 : i32
        %dma_start3A_132 = tpu.memref_slice %arg9[%add3A_124, %dma_start3A_131] : memref<10000x16xf32, #tpu.memory_space<vmem_shared>> -> memref<125x16xf32, #tpu.memory_space<vmem_shared>>
        %dma_start3A_133 = arith.constant 0 : i32
        %dma_start3A_134 = arith.constant 0 : i32
        %dma_start3A_135 = tpu.memref_slice %arg18[%dma_start3A_133, %dma_start3A_134] : memref<128x16xf32, #tpu.memory_space<vmem>> -> memref<125x16xf32, #tpu.memory_space<vmem>>
        tpu.enqueue_dma source(%dma_start3A_135 : memref<125x16xf32, #tpu.memory_space<vmem>>) target(%dma_start3A_132 : memref<125x16xf32, #tpu.memory_space<vmem_shared>>) target_semaphore(%run_scoped3A : memref<!tpu.dma_semaphore, #tpu.memory_space<semaphore_mem>>)
        %dma_wait3A_136 = arith.constant 0 : i32
        %dma_wait3A_137 = arith.constant 0 : i32
        %dma_wait3A_138 = tpu.memref_slice %arg18[%dma_wait3A_136, %dma_wait3A_137] : memref<128x16xf32, #tpu.memory_space<vmem>> -> memref<125x16xf32, #tpu.memory_space<vmem>>
        %dma_wait3A_139 = arith.constant 0 : i32
        %dma_wait3A_140 = tpu.memref_slice %arg9[%add3A_124, %dma_wait3A_139] : memref<10000x16xf32, #tpu.memory_space<vmem_shared>> -> memref<125x16xf32, #tpu.memory_space<vmem_shared>>
        %dma_wait3A_141 = arith.constant 0 : i32
        %dma_wait3A_142 = tpu.memref_slice %arg9[%add3A_124, %dma_wait3A_141] : memref<10000x16xf32, #tpu.memory_space<vmem_shared>> -> memref<125x16xf32, #tpu.memory_space<vmem_shared>>
        %dma_wait3A_143 = arith.constant 0 : i32
        %dma_wait3A_144 = arith.constant 0 : i32
        %dma_wait3A_145 = tpu.memref_slice %arg18[%dma_wait3A_143, %dma_wait3A_144] : memref<128x16xf32, #tpu.memory_space<vmem>> -> memref<125x16xf32, #tpu.memory_space<vmem>>
        tpu.wait_dma2 semaphore(%run_scoped3A : memref<!tpu.dma_semaphore, #tpu.memory_space<semaphore_mem>>) src(%dma_wait3A_145 : memref<125x16xf32, #tpu.memory_space<vmem>>) dst(%dma_wait3A_142 : memref<125x16xf32, #tpu.memory_space<vmem_shared>>)
        tpu.yield
      }) : () -> ()
      %scan3A_125 = arith.constant 0 : i32
      scf.yield %scan3A_125 : i32
    }
    %scan3A_67 = arith.constant 16 : i32
    return
  }
}

module attributes {stable_mosaic.version = 14 : i64} {
  func.func @_tc_body(%arg0: i32, %arg1: i32, %arg2: memref<1x1x1000x128xf32, #tpu.memory_space<vmem>>, %arg3: memref<128x128xf32, #tpu.memory_space<vmem>>, %arg4: memref<1x128xf32, #tpu.memory_space<vmem>>, %arg5: memref<1x128xf32, #tpu.memory_space<vmem>>, %arg6: memref<1000x128xf32, #tpu.memory_space<vmem>>, %arg7: memref<1000x16xf32, #tpu.memory_space<vmem>>) attributes {dimension_semantics = [#tpu.dimension_semantics<arbitrary>, #tpu.dimension_semantics<arbitrary>], iteration_bounds = array<i64: 32, 10>, scalar_prefetch = 0 : i64, scratch_operands = 0 : i64, tpu.core_type = #tpu.core_type<tc>, window_params = [{transform_indices = @transform_0, window_bounds = array<i64: 1, 1, 1000, 128>}, {pipeline_mode = #tpu.pipeline_mode<synchronous>, transform_indices = @transform_1, window_bounds = array<i64: 128, 128>}, {pipeline_mode = #tpu.pipeline_mode<synchronous>, transform_indices = @transform_2, window_bounds = array<i64: 1, 128>}, {pipeline_mode = #tpu.pipeline_mode<synchronous>, transform_indices = @transform_3, window_bounds = array<i64: 1, 128>}, {transform_indices = @transform_4, window_bounds = array<i64: 1000, 128>}, {transform_indices = @transform_5, window_bounds = array<i64: 1000, 16>}]} {
    %get3A = arith.constant 0 : index
    %get3A_0 = arith.constant 0 : index
    %get3A_1 = arith.constant 0 : index
    %get3A_2 = arith.constant 0 : index
    %get3A_3 = vector.load %arg2[%get3A, %get3A_0, %get3A_1, %get3A_2] : memref<1x1x1000x128xf32, #tpu.memory_space<vmem>>, vector<1x1x1000x128xf32>
    %get3A_4 = vector.shape_cast %get3A_3 : vector<1x1x1000x128xf32> to vector<1000x128xf32>
    %get3A_5 = arith.constant 0 : index
    %get3A_6 = arith.constant 0 : index
    %get3A_7 = vector.load %arg3[%get3A_5, %get3A_6] : memref<128x128xf32, #tpu.memory_space<vmem>>, vector<128x128xf32>
    %dot_general3A = arith.constant dense<0.000000e+00> : vector<1000x128xf32>
    %dot_general3A_8 = tpu.matmul %get3A_4, %get3A_7, %dot_general3A {dimension_numbers = #tpu.dot_dimension_numbers<[1], [0], [0], [1], [0, 0, 1, 1], [], []>, transpose_lhs_hint = false} : vector<1000x128xf32>, vector<128x128xf32>, vector<1000x128xf32> -> vector<1000x128xf32>
    %swap3A = arith.constant 0 : index
    %swap3A_9 = arith.constant 0 : index
    %swap3A_10 = vector.load %arg6[%swap3A, %swap3A_9] : memref<1000x128xf32, #tpu.memory_space<vmem>>, vector<1000x128xf32>
    tpu.vector_store %arg6[%swap3A, %swap3A_9], %dot_general3A_8 {strides = array<i32>} : memref<1000x128xf32, #tpu.memory_space<vmem>>, vector<1000x128xf32>,
    %iota3A = tpu.iota {dimensions = array<i32: 0>} : vector<128x4xi32>
    %jit3A = arith.constant 32 : i32
    %div3A = vector.broadcast %jit3A : i32 to vector<128x4xi32>
    %div3A_11 = arith.divsi %iota3A, %div3A : vector<128x4xi32>
    %sign3A = arith.constant 0 : i32
    %sign3A_12 = vector.broadcast %sign3A : i32 to vector<128x4xi32>
    %sign3A_13 = arith.cmpi sgt, %iota3A, %sign3A_12 : vector<128x4xi32>
    %sign3A_14 = arith.extui %sign3A_13 : vector<128x4xi1> to vector<128x4xi32>
    %sign3A_15 = arith.constant 0 : i32
    %sign3A_16 = vector.broadcast %sign3A_15 : i32 to vector<128x4xi32>
    %sign3A_17 = arith.cmpi slt, %iota3A, %sign3A_16 : vector<128x4xi32>
    %sign3A_18 = arith.extui %sign3A_17 : vector<128x4xi1> to vector<128x4xi32>
    %sign3A_19 = arith.subi %sign3A_14, %sign3A_18 : vector<128x4xi32>
    %sign3A_20 = arith.constant 0 : i32
    %sign3A_21 = arith.cmpi sgt, %jit3A, %sign3A_20 : i32
    %sign3A_22 = arith.extui %sign3A_21 : i1 to i32
    %sign3A_23 = arith.constant 0 : i32
    %sign3A_24 = arith.cmpi slt, %jit3A, %sign3A_23 : i32
    %sign3A_25 = arith.extui %sign3A_24 : i1 to i32
    %sign3A_26 = arith.subi %sign3A_22, %sign3A_25 : i32
    %ne3A = vector.broadcast %sign3A_26 : i32 to vector<128x4xi32>
    %ne3A_27 = arith.cmpi ne, %sign3A_19, %ne3A : vector<128x4xi32>
    %rem3A = vector.broadcast %jit3A : i32 to vector<128x4xi32>
    %rem3A_28 = arith.remsi %iota3A, %rem3A : vector<128x4xi32>
    %ne3A_29 = arith.constant 0 : i32
    %ne3A_30 = vector.broadcast %ne3A_29 : i32 to vector<128x4xi32>
    %ne3A_31 = arith.cmpi ne, %rem3A_28, %ne3A_30 : vector<128x4xi32>
    %and3A = arith.andi %ne3A_27, %ne3A_31 : vector<128x4xi1>
    %sub3A = arith.constant 1 : i32
    %sub3A_32 = vector.broadcast %sub3A : i32 to vector<128x4xi32>
    %sub3A_33 = arith.subi %div3A_11, %sub3A_32 : vector<128x4xi32>
    %select_n3A = arith.select %and3A, %sub3A_33, %div3A_11 : vector<128x4xi1>, vector<128x4xi32>
    %iota3A_34 = tpu.iota {dimensions = array<i32: 1>} : vector<128x4xi32>
    %eq3A = arith.cmpi eq, %select_n3A, %iota3A_34 : vector<128x4xi32>
    %convert_element_type3A = arith.extui %eq3A : vector<128x4xi1> to vector<128x4xi32>
    %convert_element_type3A_35 = arith.sitofp %convert_element_type3A : vector<128x4xi32> to vector<128x4xf32>
    %get3A_36 = arith.constant 0 : index
    %get3A_37 = arith.constant 0 : index
    %get3A_38 = vector.load %arg4[%get3A_36, %get3A_37] : memref<1x128xf32, #tpu.memory_space<vmem>>, vector<1x128xf32>
    %mul3A = vector.broadcast %get3A_38 : vector<1x128xf32> to vector<1000x128xf32>
    %mul3A_39 = arith.mulf %dot_general3A_8, %mul3A : vector<1000x128xf32>
    %dot_general3A_40 = arith.constant dense<0.000000e+00> : vector<1000x4xf32>
    %dot_general3A_41 = tpu.matmul %mul3A_39, %convert_element_type3A_35, %dot_general3A_40 {dimension_numbers = #tpu.dot_dimension_numbers<[1], [0], [0], [1], [0, 0, 1, 1], [], []>, transpose_lhs_hint = false} : vector<1000x128xf32>, vector<128x4xf32>, vector<1000x4xf32> -> vector<1000x4xf32>
    %get3A_42 = arith.constant 0 : index
    %get3A_43 = arith.constant 0 : index
    %get3A_44 = vector.load %arg5[%get3A_42, %get3A_43] : memref<1x128xf32, #tpu.memory_space<vmem>>, vector<1x128xf32>
    %mul3A_45 = vector.broadcast %get3A_44 : vector<1x128xf32> to vector<1000x128xf32>
    %mul3A_46 = arith.mulf %dot_general3A_8, %mul3A_45 : vector<1000x128xf32>
    %dot_general3A_47 = arith.constant dense<0.000000e+00> : vector<1000x4xf32>
    %dot_general3A_48 = tpu.matmul %mul3A_46, %convert_element_type3A_35, %dot_general3A_47 {dimension_numbers = #tpu.dot_dimension_numbers<[1], [0], [0], [1], [0, 0, 1, 1], [], []>, transpose_lhs_hint = false} : vector<1000x128xf32>, vector<128x4xf32>, vector<1000x4xf32> -> vector<1000x4xf32>
    %broadcast_in_dim3A = arith.constant 0.000000e+00 : f32
    %broadcast_in_dim3A_49 = vector.broadcast %broadcast_in_dim3A : f32 to vector<1000x8xf32>
    %concatenate3A = tpu.concatenate %dot_general3A_41, %dot_general3A_48, %broadcast_in_dim3A_49 in 1 : vector<1000x4xf32>, vector<1000x4xf32>, vector<1000x8xf32> -> vector<1000x16xf32>
    %swap3A_50 = arith.constant 0 : index
    %swap3A_51 = arith.constant 0 : index
    %swap3A_52 = vector.load %arg7[%swap3A_50, %swap3A_51] : memref<1000x16xf32, #tpu.memory_space<vmem>>, vector<1000x16xf32>
    tpu.vector_store %arg7[%swap3A_50, %swap3A_51], %concatenate3A {strides = array<i32>} : memref<1000x16xf32, #tpu.memory_space<vmem>>, vector<1000x16xf32>,
    return
  }
  func.func @transform_0(%arg0: i32, %arg1: i32) -> (i32, i32, i32, i32) {
    %jit3A = arith.constant 4 : i32
    %eq3A = arith.constant 0 : i32
    %eq3A_0 = arith.cmpi eq, %jit3A, %eq3A : i32
    %jit3A_1 = arith.constant 1 : i32
    %select_n3A = arith.select %eq3A_0, %jit3A_1, %jit3A : i32
    %rem3A = arith.remsi %arg0, %select_n3A : i32
    %ne3A = arith.constant 0 : i32
    %ne3A_2 = arith.cmpi ne, %rem3A, %ne3A : i32
    %lt3A = arith.constant 0 : i32
    %lt3A_3 = arith.cmpi slt, %rem3A, %lt3A : i32
    %lt3A_4 = arith.constant 0 : i32
    %lt3A_5 = arith.cmpi slt, %select_n3A, %lt3A_4 : i32
    %ne3A_6 = arith.xori %lt3A_3, %lt3A_5 : i1
    %and3A = arith.andi %ne3A_6, %ne3A_2 : i1
    %add3A = arith.addi %rem3A, %select_n3A : i32
    %select_n3A_7 = arith.select %and3A, %add3A, %rem3A : i32
    %jit3A_8 = arith.constant 4 : i32
    %div3A = arith.divsi %arg0, %jit3A_8 : i32
    %sign3A = arith.constant 0 : i32
    %sign3A_9 = arith.cmpi sgt, %arg0, %sign3A : i32
    %sign3A_10 = arith.extui %sign3A_9 : i1 to i32
    %sign3A_11 = arith.constant 0 : i32
    %sign3A_12 = arith.cmpi slt, %arg0, %sign3A_11 : i32
    %sign3A_13 = arith.extui %sign3A_12 : i1 to i32
    %sign3A_14 = arith.subi %sign3A_10, %sign3A_13 : i32
    %sign3A_15 = arith.constant 0 : i32
    %sign3A_16 = arith.cmpi sgt, %jit3A_8, %sign3A_15 : i32
    %sign3A_17 = arith.extui %sign3A_16 : i1 to i32
    %sign3A_18 = arith.constant 0 : i32
    %sign3A_19 = arith.cmpi slt, %jit3A_8, %sign3A_18 : i32
    %sign3A_20 = arith.extui %sign3A_19 : i1 to i32
    %sign3A_21 = arith.subi %sign3A_17, %sign3A_20 : i32
    %ne3A_22 = arith.cmpi ne, %sign3A_14, %sign3A_21 : i32
    %rem3A_23 = arith.remsi %arg0, %jit3A_8 : i32
    %ne3A_24 = arith.constant 0 : i32
    %ne3A_25 = arith.cmpi ne, %rem3A_23, %ne3A_24 : i32
    %and3A_26 = arith.andi %ne3A_22, %ne3A_25 : i1
    %sub3A = arith.constant 1 : i32
    %sub3A_27 = arith.subi %div3A, %sub3A : i32
    %select_n3A_28 = arith.select %and3A_26, %sub3A_27, %div3A : i32
    %c0_i32 = arith.constant 0 : i32
    %c0_i32_29 = arith.constant 0 : i32
    return %select_n3A_7, %select_n3A_28, %arg1, %c0_i32 : i32, i32, i32, i32
  }
  func.func @transform_1(%arg0: i32, %arg1: i32) -> (i32, i32) {
    %c0_i32 = arith.constant 0 : i32
    %c0_i32_0 = arith.constant 0 : i32
    %c0_i32_1 = arith.constant 0 : i32
    return %c0_i32, %c0_i32_0 : i32, i32
  }
  func.func @transform_2(%arg0: i32, %arg1: i32) -> (i32, i32) {
    %c0_i32 = arith.constant 0 : i32
    %c0_i32_0 = arith.constant 0 : i32
    %c0_i32_1 = arith.constant 0 : i32
    return %c0_i32, %c0_i32_0 : i32, i32
  }
  func.func @transform_3(%arg0: i32, %arg1: i32) -> (i32, i32) {
    %c0_i32 = arith.constant 0 : i32
    %c0_i32_0 = arith.constant 0 : i32
    %c0_i32_1 = arith.constant 0 : i32
    return %c0_i32, %c0_i32_0 : i32, i32
  }
  func.func @transform_4(%arg0: i32, %arg1: i32) -> (i32, i32) {
    %mul3A = arith.constant 10 : i32
    %mul3A_0 = arith.muli %arg0, %mul3A : i32
    %add3A = arith.addi %mul3A_0, %arg1 : i32
    %c0_i32 = arith.constant 0 : i32
    %c0_i32_1 = arith.constant 0 : i32
    return %add3A, %c0_i32 : i32, i32
  }
  func.func @transform_5(%arg0: i32, %arg1: i32) -> (i32, i32) {
    %mul3A = arith.constant 10 : i32
    %mul3A_0 = arith.muli %arg0, %mul3A : i32
    %add3A = arith.addi %mul3A_0, %arg1 : i32
    %c0_i32 = arith.constant 0 : i32
    %c0_i32_1 = arith.constant 0 : i32
    return %add3A, %c0_i32 : i32, i32
  }
}

module attributes {stable_mosaic.version = 14 : i64} {
  func.func @_fin_body(%arg0: i32, %arg1: memref<1000x128xf32, #tpu.memory_space<vmem>>, %arg2: memref<1000x16xf32, #tpu.memory_space<vmem>>, %arg3: memref<1000x128xf32, #tpu.memory_space<vmem>>) attributes {dimension_semantics = [#tpu.dimension_semantics<arbitrary>], iteration_bounds = array<i64: 320>, scalar_prefetch = 0 : i64, scratch_operands = 0 : i64, tpu.core_type = #tpu.core_type<tc>, window_params = [{transform_indices = @transform_0, window_bounds = array<i64: 1000, 128>}, {transform_indices = @transform_1, window_bounds = array<i64: 1000, 16>}, {transform_indices = @transform_2, window_bounds = array<i64: 1000, 128>}]} {
    %iota3A = tpu.iota {dimensions = array<i32: 0>} : vector<16x128xi32>
    %iota3A_0 = tpu.iota {dimensions = array<i32: 1>} : vector<16x128xi32>
    %jit3A = arith.constant 32 : i32
    %div3A = vector.broadcast %jit3A : i32 to vector<16x128xi32>
    %div3A_1 = arith.divsi %iota3A_0, %div3A : vector<16x128xi32>
    %sign3A = arith.constant 0 : i32
    %sign3A_2 = vector.broadcast %sign3A : i32 to vector<16x128xi32>
    %sign3A_3 = arith.cmpi sgt, %iota3A_0, %sign3A_2 : vector<16x128xi32>
    %sign3A_4 = arith.extui %sign3A_3 : vector<16x128xi1> to vector<16x128xi32>
    %sign3A_5 = arith.constant 0 : i32
    %sign3A_6 = vector.broadcast %sign3A_5 : i32 to vector<16x128xi32>
    %sign3A_7 = arith.cmpi slt, %iota3A_0, %sign3A_6 : vector<16x128xi32>
    %sign3A_8 = arith.extui %sign3A_7 : vector<16x128xi1> to vector<16x128xi32>
    %sign3A_9 = arith.subi %sign3A_4, %sign3A_8 : vector<16x128xi32>
    %sign3A_10 = arith.constant 0 : i32
    %sign3A_11 = arith.cmpi sgt, %jit3A, %sign3A_10 : i32
    %sign3A_12 = arith.extui %sign3A_11 : i1 to i32
    %sign3A_13 = arith.constant 0 : i32
    %sign3A_14 = arith.cmpi slt, %jit3A, %sign3A_13 : i32
    %sign3A_15 = arith.extui %sign3A_14 : i1 to i32
    %sign3A_16 = arith.subi %sign3A_12, %sign3A_15 : i32
    %ne3A = vector.broadcast %sign3A_16 : i32 to vector<16x128xi32>
    %ne3A_17 = arith.cmpi ne, %sign3A_9, %ne3A : vector<16x128xi32>
    %rem3A = vector.broadcast %jit3A : i32 to vector<16x128xi32>
    %rem3A_18 = arith.remsi %iota3A_0, %rem3A : vector<16x128xi32>
    %ne3A_19 = arith.constant 0 : i32
    %ne3A_20 = vector.broadcast %ne3A_19 : i32 to vector<16x128xi32>
    %ne3A_21 = arith.cmpi ne, %rem3A_18, %ne3A_20 : vector<16x128xi32>
    %and3A = arith.andi %ne3A_17, %ne3A_21 : vector<16x128xi1>
    %sub3A = arith.constant 1 : i32
    %sub3A_22 = vector.broadcast %sub3A : i32 to vector<16x128xi32>
    %sub3A_23 = arith.subi %div3A_1, %sub3A_22 : vector<16x128xi32>
    %select_n3A = arith.select %and3A, %sub3A_23, %div3A_1 : vector<16x128xi1>, vector<16x128xi32>
    %eq3A = arith.cmpi eq, %iota3A, %select_n3A : vector<16x128xi32>
    %convert_element_type3A = arith.extui %eq3A : vector<16x128xi1> to vector<16x128xi32>
    %convert_element_type3A_24 = arith.sitofp %convert_element_type3A : vector<16x128xi32> to vector<16x128xf32>
    %get3A = arith.constant 0 : index
    %get3A_25 = arith.constant 0 : index
    %get3A_26 = vector.load %arg2[%get3A, %get3A_25] : memref<1000x16xf32, #tpu.memory_space<vmem>>, vector<1000x16xf32>
    %dot_general3A = arith.constant dense<0.000000e+00> : vector<1000x128xf32>
    %dot_general3A_27 = tpu.matmul %get3A_26, %convert_element_type3A_24, %dot_general3A {dimension_numbers = #tpu.dot_dimension_numbers<[1], [0], [0], [1], [0, 0, 1, 1], [], []>, transpose_lhs_hint = false} : vector<1000x16xf32>, vector<16x128xf32>, vector<1000x128xf32> -> vector<1000x128xf32>
    %get3A_28 = arith.constant 0 : index
    %get3A_29 = arith.constant 0 : index
    %get3A_30 = vector.load %arg1[%get3A_28, %get3A_29] : memref<1000x128xf32, #tpu.memory_space<vmem>>, vector<1000x128xf32>
    %add3A = arith.constant 1.000000e-16 : f32
    %add3A_31 = vector.broadcast %add3A : f32 to vector<1000x128xf32>
    %add3A_32 = arith.addf %dot_general3A_27, %add3A_31 : vector<1000x128xf32>
    %div3A_33 = arith.divf %get3A_30, %add3A_32 : vector<1000x128xf32>
    %gt3A = arith.constant 0.000000e+00 : f32
    %gt3A_34 = vector.broadcast %gt3A : f32 to vector<1000x128xf32>
    %gt3A_35 = arith.cmpf ogt, %div3A_33, %gt3A_34 : vector<1000x128xf32>
    %min3A = arith.constant 0.000000e+00 : f32
    %min3A_36 = vector.broadcast %min3A : f32 to vector<1000x128xf32>
    %min3A_37 = arith.minimumf %div3A_33, %min3A_36 : vector<1000x128xf32>
    %exp3A = math.exp %min3A_37 : vector<1000x128xf32>
    %sub3A_38 = arith.constant 1.000000e+00 : f32
    %sub3A_39 = vector.broadcast %sub3A_38 : f32 to vector<1000x128xf32>
    %sub3A_40 = arith.subf %exp3A, %sub3A_39 : vector<1000x128xf32>
    %select_n3A_41 = arith.select %gt3A_35, %div3A_33, %sub3A_40 : vector<1000x128xi1>, vector<1000x128xf32>
    %swap3A = arith.constant 0 : index
    %swap3A_42 = arith.constant 0 : index
    %swap3A_43 = vector.load %arg3[%swap3A, %swap3A_42] : memref<1000x128xf32, #tpu.memory_space<vmem>>, vector<1000x128xf32>
    tpu.vector_store %arg3[%swap3A, %swap3A_42], %select_n3A_41 {strides = array<i32>} : memref<1000x128xf32, #tpu.memory_space<vmem>>, vector<1000x128xf32>,
    return
  }
  func.func @transform_0(%arg0: i32) -> (i32, i32) {
    %c0_i32 = arith.constant 0 : i32
    %c0_i32_0 = arith.constant 0 : i32
    return %arg0, %c0_i32 : i32, i32
  }
  func.func @transform_1(%arg0: i32) -> (i32, i32) {
    %c0_i32 = arith.constant 0 : i32
    %c0_i32_0 = arith.constant 0 : i32
    return %arg0, %c0_i32 : i32, i32
  }
  func.func @transform_2(%arg0: i32) -> (i32, i32) {
    %c0_i32 = arith.constant 0 : i32
    %c0_i32_0 = arith.constant 0 : i32
    return %arg0, %c0_i32 : i32, i32
  }
}

</mosaic_0001>

<sc_bundles>
// kernel: kernel.5.cloned.1.call-start
scs
__scs_entry_jumppad:
0x0: {  	(pc) =	sbr.rel $0x88, $3  }
0x1: {  	(tag) =	ssettag $0x0;
	lr =	simm.s32 $0x1  }
0x2: {  	[smem:$0x3F9C] =	sst lr;
	_ =	strace $0xD0000000  }
0x3: {  	_ = 	snop  }
0x4: {  	_ = 	snop  }
0x5: {  	_ = 	snop  }
0x6: {  	_ = 	snop  }
0x7: {  	_ = 	snop  }
__scs_overlays_trampoline_lowered:
0x8: {  	[smem:$0x3FAB] =	sst s0  }
0x9: {  	[smem:$0x3FAC] =	sst s1  }
0xa: {  	[smem:$0x3FAD] =	sst s2  }
0xb: {  	[smem:$0x3FAE] =	sst s3  }
0xc: {  	[smem:$0x3FAF] =	sst s4  }
0xd: {  	[smem:$0x3FB0] =	sst s5  }
0xe: {  	[smem:$0x3FB1] =	sst s6  }
0xf: {  	[smem:$0x3FB2] =	sst s7  }
0x10: {  	[smem:$0x3FB3] =	sst s8  }
0x11: {  	[smem:$0x3FB4] =	sst s9;
	s0 =	simm.s32 @!p0 $0x0  }
0x12: {  	s1 =	sld [smem:$0x3F9A];
	s0 =	simm.s32 @p0 $0x1  }
0x13: {  	[smem:$0x3FB5] =	sst s0;
	s0 =	simm.s32 @!p1 $0x0  }
0x14: {  	s2 =	sld [smem:$0x3F99];
	s0 =	simm.s32 @p1 $0x1  }
0x15: {  	[smem:$0x3FB6] =	sst s0;
	s0 =	simm.s32 @!p2 $0x0  }
0x16: {  	s3 =	sld [smem:$0x3FDB];
	s0 =	simm.s32 @p2 $0x1  }
0x17: {  	s4 =	simm.s32 $0x1BF5;
	[smem:$0x3FB8] =	sst s0  }
0x18: {  	s0 =	sld [smem:$0x3F9B];
	_ =	swait.ge [sflag:s4], $0x0  }
0x19: {  	s7 =	sld [smem:$0x3F9C]  }
0x1a: {  	s8 =	sadd.s32 $0xFFFFE003, lr  }
0x1b: {  	s9 =	sadd.s32 $0xFFFFFEF7, lr;
	s5 =	simm.s32 $0xFFFFFFFF;
	p2 =	slt.u32 s8, $0xFFFFF086  }
0x1c: {  	p1 =	slt.u32 s9, $0xF7A;
	s5 =	simm.s32 @!p2 $0x0  }
0x1d: {  	s5 =	simm.s32 @p1 $0x1;
	p0 =	seq.s32 s7, s2  }
0x1e: {  	s7 =	smul.u32 @!p0 $0xF7A, s2;
	p2 =	seq.s32 @!p0 s5, $0x0  }
0x1f: {  	s9 =	smul.u32 $0xF7A, s1;
	s8 =	simm.s32 @!p0 $0x1BF5;
	p2 =	por !p2, p0  }
0x20: {  	[sflag:s8] =	ssyncset.s32 @!p0 $0xFFFFF086;
	s6 =	sadd.s32 @!p0 s3, s7;
	s7 =	simm.s32 @!p0 $0x108  }
0x21: {  	s3 =	sadd.s32 s3, s9;
	s6 =	sadd.s32 @!p0 $0x88, s6;
	s7 =	simm.s32 @p2 $0x1082  }
0x22: {  	[simem:s7], [sflag:s8] =	dma.local @!p0 [hbm:s6], $0xF7A  }
0x23: {  	s9 =	sor.u32 $0xD0000000, s2;
	s6 =	simm.s32 $0x108;
	_ =	swait.ge @!p0 [sflag:s8], $0x0  }
0x24: {  	s3 =	sadd.s32 $0x88, s3;
	s6 =	simm.s32 @!p1 $0x1082;
	[sflag:s4] =	ssyncset.s32 $0xFFFFF086  }
0x25: {  	[simem:s6], [sflag:s4] =	dma.local [hbm:s3], $0xF7A  }
0x26: {  	[smem:$0x3F9C] =	sst s1;
	(tag) =	ssettag s2;
	_ =	strace s9  }
0x27: {  	s1 =	sld [smem:$0x3FAC]  }
0x28: {  	s2 =	sld [smem:$0x3FAD]  }
0x29: {  	s4 =	sld [smem:$0x3FAF]  }
0x2a: {  	p0 =	seq.s32 s5, $0x0;
	s5 =	sld [smem:$0x3FB0]  }
0x2b: {  	s6 =	sld [smem:$0x3FB1]  }
0x2c: {  	s7 =	sld [smem:$0x3FB2]  }
0x2d: {  	s3 =	simm.s32 $0x108;
	s8 =	sld [smem:$0x3FB3]  }
0x2e: {  	s3 =	simm.s32 @!p0 $0x1082;
	s9 =	sld [smem:$0x3FB4]  }
0x2f: {  	lr =	sadd.s32 s0, s3;
	s0 =	sld [smem:$0x3FAB]  }
0x30: {  	s3 =	sld [smem:$0x3FAE]  }
0x31: {  	[smem:$0x3FB7] =	sst s10  }
0x32: {  	s10 =	sld [smem:$0x3FB5];
	_ =	sdelay $0x3  }
0x33: {  	p0 =	seq.s32 s10, $0x1;
	s10 =	sld [smem:$0x3FB7];
	_ =	sdelay $0x3  }
0x34: {  	[smem:$0x3FB7] =	sst s10  }
0x35: {  	s10 =	sld [smem:$0x3FB6];
	_ =	sdelay $0x3  }
0x36: {  	p1 =	seq.s32 s10, $0x1;
	s10 =	sld [smem:$0x3FB7];
	_ =	sdelay $0x3  }
0x37: {  	[smem:$0x3FB7] =	sst s10  }
0x38: {  	s10 =	sld [smem:$0x3FB8]  }
0x39: {  	_ = 	snop;
	(pc) =	sbr.ind lr, $3  }
0x3a: {  	_ = 	snop  }
0x3b: {  	_ = 	snop  }
0x3c: {  	p2 =	seq.s32 s10, $0x1;
	s10 =	sld [smem:$0x3FB7]  }
0x3d: {  	_ =	shalt  }
0x3e: {  	_ =	shalt  }
0x3f: {  	_ =	shalt  }
0x40: {  	_ =	shalt  }
0x41: {  	_ =	shalt  }
0x42: {  	_ =	shalt  }
0x43: {  	_ =	shalt  }
0x44: {  	_ =	shalt  }
0x45: {  	_ =	shalt  }
0x46: {  	_ =	shalt  }
0x47: {  	_ =	shalt  }
0x48: {  	_ =	shalt  }
0x49: {  	_ =	shalt  }
0x4a: {  	_ =	shalt  }
0x4b: {  	_ =	shalt  }
0x4c: {  	_ =	shalt  }
0x4d: {  	_ =	shalt  }
0x4e: {  	_ =	shalt  }
0x4f: {  	_ =	shalt  }
0x50: {  	_ =	shalt  }
0x51: {  	_ =	shalt  }
0x52: {  	_ =	shalt  }
0x53: {  	_ =	shalt  }
0x54: {  	_ =	shalt  }
0x55: {  	_ =	shalt  }
0x56: {  	_ =	shalt  }
0x57: {  	_ =	shalt  }
0x58: {  	_ =	shalt  }
0x59: {  	_ =	shalt  }
0x5a: {  	_ =	shalt  }
0x5b: {  	_ =	shalt  }
0x5c: {  	_ =	shalt  }
0x5d: {  	_ =	shalt  }
0x5e: {  	_ =	shalt  }
0x5f: {  	_ =	shalt  }
0x60: {  	_ =	shalt  }
0x61: {  	_ =	shalt  }
0x62: {  	_ =	shalt  }
0x63: {  	_ =	shalt  }
0x64: {  	_ =	shalt  }
0x65: {  	_ =	shalt  }
0x66: {  	_ =	shalt  }
0x67: {  	_ =	shalt  }
0x68: {  	_ =	shalt  }
0x69: {  	_ =	shalt  }
0x6a: {  	_ =	shalt  }
0x6b: {  	_ =	shalt  }
0x6c: {  	_ =	shalt  }
0x6d: {  	_ =	shalt  }
0x6e: {  	_ =	shalt  }
0x6f: {  	_ =	shalt  }
0x70: {  	_ =	shalt  }
0x71: {  	_ =	shalt  }
0x72: {  	_ =	shalt  }
0x73: {  	_ =	shalt  }
0x74: {  	_ =	shalt  }
0x75: {  	_ =	shalt  }
0x76: {  	_ =	shalt  }
0x77: {  	_ =	shalt  }
0x78: {  	_ =	shalt  }
0x79: {  	_ =	shalt  }
0x7a: {  	_ =	shalt  }
0x7b: {  	_ =	shalt  }
0x7c: {  	_ =	shalt  }
0x7d: {  	_ =	shalt  }
0x7e: {  	_ =	shalt  }
0x7f: {  	_ =	shalt  }
0x80: {  	_ =	shalt  }
0x81: {  	_ =	shalt  }
0x82: {  	_ =	shalt  }
0x83: {  	_ =	shalt  }
0x84: {  	_ =	shalt  }
0x85: {  	_ =	shalt  }
0x86: {  	_ =	shalt  }
0x87: {  	_ =	shalt  }
.Lfunc_end0:
.L_simem_size_0:
called_computation_lowered:
.L_overlay_start_0:
0x88: {  	s2 =	sld [smem:$0x3FD9]  }
0x89: {  	s3 =	sld [smem:$0x3FFE];
	_ =	sdelay $0x1  }
0x8a: {  	s1 =	srdreg.scid  }
0x8b: {  	s0 =	sand.u32 $0x1, s1  }
0x8c: {  	s17 =	sshll.u32 s0, $0xA;
	s2 =	sadd.s32 s3, s2  }
0x8d: {  	s2 =	sadd.s32 s2, s17  }
0x8e: {  	[smem:$0x3FC3] =	sst s2  }
0x8f: {  	_ = 	snop  }
0x90: {  	s2 =	sld [smem:$0x3FD0];
	(tm) =	ssettm $0x1  }
0x91: {  	s18 =	sld [smem:$0x3FFB];
	_ =	sdelay $0x3  }
0x92: {  	_ =	strace s18  }
0x93: {  	s3 =	sld [smem:$0x3FFC];
	_ =	sdelay $0x3  }
0x94: {  	_ =	strace s3  }
0x95: {  	s3 =	sld [smem:$0x3FFD];
	_ =	sdelay $0x3  }
0x96: {  	_ =	strace s3  }
0x97: {  	_ =	strace $0x8FFFFFFF  }
0x98: {  	s19 =	sld [smem:$0x3FDB];
	_ =	sdelay $0x1  }
0x99: {  	s4 =	simm.s32 $_scs_section_size  }
0x9a: {  	s5 =	simm.s32 $_size__tile_overlayer_lowered;
	s6 =	simm.s32 $_tile_overlayer_lowered  }
0x9b: {  	s22 =	simm.s32 $0x1BFF;
	s21 =	sshll.u32 s6, $0x1;
	s3 =	sadd.s32 s4, s19  }
0x9c: {  	s7 =	simm.s32 $0x0;
	s20 =	sshll.u32 s5, $0x1;
	s5 =	sadd.s32 s21, s3  }
0x9d: {  	[timem:s7], [sflag:s22] =	dma.local [hbm:s5], s20  }
0x9e: {  	_ =	swait.ge [sflag:s22], s20  }
0x9f: {  	s4 =	ssub.s32 $0x0, s20;
	[sflag:s22] =	ssyncset.done $0x0  }
0xa0: {  	[sflag:s22] =	ssyncadd.s32 s4;
	_ =	sdelay $0x1  }
0xa1: {  	s23 =	simm.s32 $0x1B8B  }
0xa2: {  	_ =	swait.ge [sflag:s23], $0x1  }
0xa3: {  	[sflag:s23] =	ssyncset.done $0x0  }
0xa4: {  	s25 =	simm.s32 $0x1B8E;
	s24 =	sld [smem:$0x3FFE];
	[sflag:s23] =	ssyncadd.s32 $0xFFFFFFFF  }
0xa5: {  	s26 =	simm.s32 $execute0_lowered;
	[smem:$0x3FD2] =	sst s25  }
0xa6: {  	s5 =	sshll.u32 s26, $0x1;
	_ =	strace $0x80000046;
	[dreg:$0x1] =	wrdreg $0xFFFFFFFF  }
0xa7: {  	s28 =	simm.s32 $_size_execute0_lowered;
	s3 =	sadd.s32 s3, s5;
	[dreg:$0x0] =	wrdreg $0x0  }
0xa8: {  	s5 =	sshll.u32 s28, $0x1;
	[dreg:$0x2] =	wrdreg s3  }
0xa9: {  	[dreg:$0x3] =	wrdreg s5  }
0xaa: {  	[dreg:$0x4] =	wrdreg $0xC0  }
0xab: {  	_ =	task [dreg:s7], $0x5FFFF  }
0xac: {  	[dreg:$0x1] =	wrdreg $0xFFFFFFFF  }
0xad: {  	[dreg:$0x0] =	wrdreg $0x60  }
0xae: {  	[dreg:$0x2] =	wrdreg s2  }
0xaf: {  	[dreg:$0x3] =	wrdreg s24  }
0xb0: {  	[dreg:$0x4] =	wrdreg $0x0  }
0xb1: {  	[dreg:$0x5] =	wrdreg $0x138800  }
0xb2: {  	[dreg:$0x6] =	wrdreg $0x9  }
0xb3: {  	_ =	task.clear_ibuf [dreg:s7], $0x7FFFF;
	_ =	strace $0x90000046  }
0xb4: {  	s29 =	simm.s32 $0x9;
	_ =	strace $0x80000048  }
0xb5: {  	_ =	swait.ge [sflag:s29], $0x1  }
0xb6: {  	[sflag:s29] =	ssyncadd.s32 $0xFFFFFFFF  }
0xb7: {  	_ =	strace $0x90000048  }
0xb8: {  	_ =	sfence  }
0xb9: {  	s30 =	sld [smem:$0x0];
	_ =	sdelay $0x2  }
0xba: {  	s31 =	sshll.u32 s1, $0xD;
	s1 =	sshrl.u32 s1, $0x2  }
0xbb: {  	s3 =	sand.u32 $0x4000, s31;
	s1 =	sadd.s32 s1, s30  }
0xbc: {  	s0 =	sor.u32 s3, s0;
	s1 =	sshll.u32 s1, $0x11  }
0xbd: {  	s0 =	sor.u32 s1, s0  }
0xbe: {  	s0 =	sadd.s32 $0x8F2B, s0  }
0xbf: {  	[sflag:s0] =	ssyncadd.remote.s32 $0x1  }
0xc0: {  	_ =	sfence.sel $0xFFFF  }
0xc1: {  	[dreg:$0x0] =	wrdreg $0xFFFFFFFF;
	(pc) =	sbr.abs _section_cstart, $3  }
0xc2: {  	[dreg:$0x1] =	wrdreg $0xFFFFFFFF  }
0xc3: {  	_ =	task.clear_ibuf [dreg:s7], $0x2FFFF;
	_ =	strace $0x9FFFFFFF  }
0xc4: {  	(tm) =	ssettm $0x7FFFFFFF  }
0xc5: {  	_ =	shalt  }
tec
execute0_lowered:
.L_overlay_start_1:
0x0: {  	(tag) =	ssettag $0x1  }
0x1: {  	s1 =	rddreg [dreg:$0x0]  }
0x2: {  	s0 =	rddreg [dreg:$0x1]  }
0x3: {  	s2 =	rddreg [dreg:$0x2]  }
0x4: {  	s3 =	rddreg [dreg:$0x3]  }
0x5: {  	s4 =	simm.s32 $0x0;
	s5 =	srdreg.scid;
	s12 =	stileid.u32  }
0x6: {  	s28 =	simm.s32 $0x4;
	s29 =	simm.s32 $0x1B990;
	s30 =	simm.s32 $0x80  }
0x7: {  	s31 =	simm.s32 $0x16010;
	[smem:$0x7FF] =	sst s4;
	s6 =	sadd.s32 $0x4EC400, s0  }
0x8: {  	s7 =	sadd.s32 $0x5400, s0;
	s8 =	sadd.s32 $0x400, s0;
	s9 =	smul.u32 $0x4E200, s12  }
0x9: {  	s5 =	sand.u32 $0x1, s5;
	s10 =	sadd.s32 $0x588800, s0;
	s11 =	smul.u32 $0x9C40, s12  }
0xa: {  	s0 =	sadd.s32 $0xA400, s0;
	_ =	strace $0x80000047;
	[dreg:$0x5] =	wrdreg s10  }
0xb: {  	s14 =	smul.u32 $0x271, s12;
	s25 =	ssub.s32 $0x2, s5;
	[dreg:$0x6] =	wrdreg s0  }
0xc: {  	s5 =	sshll.u32 s5, $0x4;
	s26 =	sshrl.u32 s25, $0x1;
	s9 =	sshrl.u32 s9, $0x2  }
0xd: {  	s11 =	sshrl.u32 s11, $0x2;
	s15 =	sadd.s32 $0x7D, s14;
	s17 =	sadd.s32 $0xFA, s14  }
0xe: {  	s21 =	sadd.s32 $0x177, s14;
	[dreg:$0x7] =	wrdreg s14;
	s24 =	sadd.s32 $0x1F4, s14  }
0xf: {  	[dreg:$0x11] =	wrdreg s5;
	s5 =	simm.s32 $0x16090;
	s14 =	simm.s32 $0x1B190  }
0x10: {  	s0 =	ssub.s32 s25, s26;
	s13 =	sadd.s32 s9, s2;
	s19 =	sadd.s32 s11, s3  }
0x11: {  	s16 =	sshll.u32 s15, $0x7;
	s9 =	sshll.u32 s15, $0x4;
	s18 =	sshll.u32 s17, $0x7  }
0x12: {  	s20 =	sshll.u32 s17, $0x4;
	s22 =	sshll.u32 s21, $0x7;
	s25 =	sshll.u32 s24, $0x7  }
0x13: {  	s26 =	ssub.s32 $0x4F1, s12;
	s10 =	sadd.s32 s16, s2;
	[dreg:$0x8] =	wrdreg s19  }
0x14: {  	s11 =	simm.s32 $0x1A990;
	s9 =	sadd.s32 s9, s3;
	[dreg:$0x9] =	wrdreg s10  }
0x15: {  	s15 =	simm.s32 $0x1;
	s0 =	smax.u32 s0, $0x1;
	[dreg:$0xa] =	wrdreg s9  }
0x16: {  	s16 =	simm.s32 $0x0;
	s9 =	sadd.s32 s18, s2;
	[dreg:$0x12] =	wrdreg s0  }
0x17: {  	s10 =	sshll.u32 s21, $0x4;
	[dreg:$0xb] =	wrdreg s9;
	s9 =	sadd.s32 s20, s3  }
0x18: {  	s0 =	simm.s32 $0x15F90;
	s23 =	sadd.s32 s10, s3;
	[dreg:$0xc] =	wrdreg s9  }
0x19: {  	s10 =	sadd.s32 s25, s2;
	s25 =	simm.s32 $0x3;
	[dreg:$0xe] =	wrdreg s23  }
0x1a: {  	s9 =	sadd.s32 s22, s2;
	[dreg:$0xf] =	wrdreg s10;
	s22 =	sshrl.u32 s26, $0x4  }
0x1b: {  	v3 =	vlaneseq.u32;
	s26 =	simm.s32 $0x16190;
	[dreg:$0xd] =	wrdreg s9;
	s9 =	sshll.u32 s24, $0x4  }
0x1c: {  	v0 =	vimm.f32 $0.0e+00;
	v1 =	vand.u32 $0x3, v3;
	s10 =	simm.s32 $0x16110;
	s23 =	simm.s32 $0x2;
	s9 =	sadd.s32 s9, s3  }
0x1d: {  	v2 =	vimm.s32 $0x0;
	v3 =	vmul.u32 $0x4, v3;
	v4 =	vor.u32 $0x4, v1;
	s24 =	sshll.u32 s12, $0x7;
	[dreg:$0x10] =	wrdreg s9;
	s9 =	simm.s32 $0x1A190  }
.LBB2_1:
0x1e: {  	[dreg:$0x13] =	wrdreg s16;
	s12 =	simm.s32 $0x40;
	s16 =	simm.s32 $0x0  }
.LBB2_2:
0x1f: {  	p0 =	sne.s32 s12, $0x1FC0;
	[tilespmem:s16+$0x1B190] =	vst v0;
	s16 =	smov.u32 s12;
	s12 =	sadd.s32 $0x40, s12  }
.Ltmp0:
0x20: {  	(pc) =	sbr.rel @p0 .LBB2_2-.Ltmp0, $2  }
0x21: {  	_ =	sdelay $0x2  }
0x22: {  	s16 =	sshra.s32 s16, $0x2  }
0x23: {  	[tilespmem:s16+$0x1B190] =	vst v0;
	s12 =	simm.s32 $0x40;
	s16 =	simm.s32 $0x0  }
.LBB2_4:
0x24: {  	p0 =	sne.s32 s12, $0x1FC0;
	[tilespmem:s16+$0x1B990] =	vst v0;
	s16 =	smov.u32 s12;
	s12 =	sadd.s32 $0x40, s12  }
.Ltmp1:
0x25: {  	(pc) =	sbr.rel @p0 .LBB2_4-.Ltmp1, $2  }
0x26: {  	_ =	sdelay $0x2  }
0x27: {  	s16 =	sshra.s32 s16, $0x2  }
0x28: {  	[tilespmem:s16+$0x1B990] =	vst v0;
	s12 =	simm.s32 $0x0;
	s16 =	simm.s32 $0x200  }
.LBB2_6:
0x29: {  	p0 =	sne.s32 s16, $0xFE00;
	[tilespmem:s12+$0x16200] =	vst v0  }
0x2a: {  	[tilespmem:s12+$0x16190] =	vst v0  }
0x2b: {  	[tilespmem:s12+$0x161A0] =	vst v0  }
.Ltmp2:
0x2c: {  	[tilespmem:s12+$0x161B0] =	vst v0;
	(pc) =	sbr.rel @p0 .LBB2_6-.Ltmp2, $4  }
0x2d: {  	[tilespmem:s12+$0x161C0] =	vst v0  }
0x2e: {  	[tilespmem:s12+$0x161D0] =	vst v0  }
0x2f: {  	[tilespmem:s12+$0x161E0] =	vst v0  }
0x30: {  	[tilespmem:s12+$0x161F0] =	vst v0;
	s12 =	sshra.s32 s16, $0x2;
	s16 =	sadd.s32 $0x200, s16  }
0x31: {  	[tilespmem:s12+$0x16200] =	vst v0  }
0x32: {  	[tilespmem:s12+$0x16190] =	vst v0  }
0x33: {  	[tilespmem:s12+$0x161A0] =	vst v0  }
0x34: {  	[tilespmem:s12+$0x161B0] =	vst v0  }
0x35: {  	[tilespmem:s12+$0x161C0] =	vst v0  }
0x36: {  	[tilespmem:s12+$0x161D0] =	vst v0  }
0x37: {  	[tilespmem:s12+$0x161E0] =	vst v0  }
0x38: {  	[tilespmem:s12+$0x161F0] =	vst v0  }
0x39: {  	[spmem:s13] =	stream.linear.scatter [tilespmem:s26], [sflag:$0x4], $0x3E80, $0x38;
	[tilespmem:$0x1C190] =	vst v63  }
0x3a: {  	_ =	swait.ge [sflag:s28], $0x3E80  }
0x3b: {  	[sflag:s28] =	ssyncset.done $0x0  }
0x3c: {  	[sflag:s28] =	ssyncadd.s32 $0xFFFFC180  }
0x3d: {  	[spmem:s19] =	stream.linear.scatter [tilespmem:s29], [sflag:$0x4], $0x7D0, $0x38;
	[tilespmem:$0x1C190] =	vst v63  }
0x3e: {  	_ =	swait.ge [sflag:s28], $0x7D0  }
0x3f: {  	[sflag:s28] =	ssyncset.done $0x0  }
0x40: {  	s20 =	rddreg [dreg:$0x9];
	[sflag:s28] =	ssyncadd.s32 $0xFFFFF830  }
0x41: {  	[spmem:s20] =	stream.linear.scatter [tilespmem:s26], [sflag:$0x4], $0x3E80, $0x38;
	[tilespmem:$0x1C190] =	vst v63  }
0x42: {  	_ =	swait.ge [sflag:s28], $0x3E80  }
0x43: {  	[sflag:s28] =	ssyncset.done $0x0  }
0x44: {  	s21 =	rddreg [dreg:$0xa];
	[sflag:s28] =	ssyncadd.s32 $0xFFFFC180  }
0x45: {  	[spmem:s21] =	stream.linear.scatter [tilespmem:s29], [sflag:$0x4], $0x7D0, $0x38;
	[tilespmem:$0x1C190] =	vst v63  }
0x46: {  	_ =	swait.ge [sflag:s28], $0x7D0  }
0x47: {  	[sflag:s28] =	ssyncset.done $0x0  }
0x48: {  	s16 =	rddreg [dreg:$0xb];
	[sflag:s28] =	ssyncadd.s32 $0xFFFFF830  }
0x49: {  	[spmem:s16] =	stream.linear.scatter [tilespmem:s26], [sflag:$0x4], $0x3E80, $0x38;
	[tilespmem:$0x1C190] =	vst v63  }
0x4a: {  	_ =	swait.ge [sflag:s28], $0x3E80  }
0x4b: {  	[sflag:s28] =	ssyncset.done $0x0  }
0x4c: {  	s17 =	rddreg [dreg:$0xc];
	[sflag:s28] =	ssyncadd.s32 $0xFFFFC180  }
0x4d: {  	[spmem:s17] =	stream.linear.scatter [tilespmem:s29], [sflag:$0x4], $0x7D0, $0x38;
	[tilespmem:$0x1C190] =	vst v63  }
0x4e: {  	_ =	swait.ge [sflag:s28], $0x7D0  }
0x4f: {  	[sflag:s28] =	ssyncset.done $0x0  }
0x50: {  	s18 =	rddreg [dreg:$0xd];
	[sflag:s28] =	ssyncadd.s32 $0xFFFFF830  }
0x51: {  	[spmem:s18] =	stream.linear.scatter [tilespmem:s26], [sflag:$0x4], $0x3E80, $0x38;
	[tilespmem:$0x1C190] =	vst v63  }
0x52: {  	_ =	swait.ge [sflag:s28], $0x3E80  }
0x53: {  	[sflag:s28] =	ssyncset.done $0x0  }
0x54: {  	s19 =	rddreg [dreg:$0xe];
	[sflag:s28] =	ssyncadd.s32 $0xFFFFC180  }
0x55: {  	[spmem:s19] =	stream.linear.scatter [tilespmem:s29], [sflag:$0x4], $0x7D0, $0x38;
	[tilespmem:$0x1C190] =	vst v63  }
0x56: {  	_ =	swait.ge [sflag:s28], $0x7D0  }
0x57: {  	[sflag:s28] =	ssyncset.done $0x0  }
0x58: {  	s20 =	rddreg [dreg:$0xf];
	[sflag:s28] =	ssyncadd.s32 $0xFFFFF830  }
0x59: {  	[spmem:s20] =	stream.linear.scatter [tilespmem:s26], [sflag:$0x4], $0x3E80, $0x38;
	[tilespmem:$0x1C190] =	vst v63  }
0x5a: {  	_ =	swait.ge [sflag:s28], $0x3E80  }
0x5b: {  	[sflag:s28] =	ssyncset.done $0x0  }
0x5c: {  	s21 =	rddreg [dreg:$0x10];
	[sflag:s28] =	ssyncadd.s32 $0xFFFFC180  }
0x5d: {  	[spmem:s21] =	stream.linear.scatter [tilespmem:s29], [sflag:$0x4], $0x7D0, $0x38;
	[tilespmem:$0x1C190] =	vst v63  }
0x5e: {  	_ =	swait.ge [sflag:s28], $0x7D0  }
0x5f: {  	[sflag:s28] =	ssyncset.done $0x0  }
0x60: {  	s16 =	simm.s32 $0x0;
	[sflag:s28] =	ssyncadd.s32 $0xFFFFF830  }
.LBB2_8:
0x61: {  	[bflag:$0x0] =	sbarrier.arrive $0xFFFF  }
0x62: {  	[tilespmem:$0x16010] =	vst v2  }
0x63: {  	[tilespmem:$0x16020] =	vst v2  }
0x64: {  	[tilespmem:$0x16030] =	vst v2  }
0x65: {  	[tilespmem:$0x16040] =	vst v2  }
0x66: {  	[tilespmem:$0x16050] =	vst v2  }
0x67: {  	[tilespmem:$0x16060] =	vst v2  }
0x68: {  	[tilespmem:$0x16070] =	vst v2;
	s12 =	rddreg [dreg:$0x11]  }
0x69: {  	[tilespmem:$0x16080] =	vst v2;
	s12 =	sadd.s32 s12, s16  }
0x6a: {  	[spmem:s2] =	stream.indirect.scatter.add.f32 [tilespmem:s26], [sflag:$0x3], $0x80, s31, s30, $0xb8;
	[tilespmem:$0x1C190] =	vst v63  }
0x6b: {  	s17 =	smul.u32 $0x2710, s12  }
0x6c: {  	s18 =	simm.s32 $0x0  }
0x6d: {  	[spmem:s3] =	stream.indirect.scatter.add.f32 [tilespmem:s29], [sflag:$0x3], $0x10, s31, s30, $0xb8;
	v5 =	vmov s17;
	[tilespmem:$0x1C190] =	vst v63  }
.LBB2_9:
0x6e: {  	s12 =	sshll.u32 s18, $0xB  }
0x6f: {  	s12 =	sor.u32 s24, s12  }
0x70: {  	s12 =	sshrl.u32 s12, $0x3  }
0x71: {  	s19 =	sadd.s32 s7, s12  }
0x72: {  	[tilespmem:s0], [sflag:$0x4] =	stream.linear.gather [hbm4b:s19+s4], $0x80, $0x38;
	[tilespmem:$0x1C190] =	vst v63  }
0x73: {  	_ =	swait.ge [sflag:s28], $0x80  }
0x74: {  	[sflag:s28] =	ssyncset.done $0x0  }
0x75: {  	[sflag:s28] =	ssyncadd.s32 $0xFFFFFF80  }
0x76: {  	_ =	swait.ge [sflag:s25], $0x4000  }
0x77: {  	[sflag:s25] =	ssyncset.done $0x0  }
0x78: {  	[sflag:s25] =	ssyncadd.s32 $0xFFFFC000  }
0x79: {  	_ =	swait.ge [sflag:s25], $0x800  }
0x7a: {  	[sflag:s25] =	ssyncset.done $0x0  }
0x7b: {  	s12 =	sadd.s32 s8, s12;
	[sflag:s25] =	ssyncadd.s32 $0xFFFFF800  }
0x7c: {  	[tilespmem:s31], [sflag:$0x4] =	stream.linear.gather [hbm4b:s12+s4], $0x80, $0x38;
	[tilespmem:$0x1C190] =	vst v63  }
0x7d: {  	_ =	swait.ge [sflag:s28], $0x80  }
0x7e: {  	[sflag:s28] =	ssyncset.done $0x0  }
0x7f: {  	[sflag:s28] =	ssyncadd.s32 $0xFFFFFF80  }
0x80: {  	v6 =	vld [tilespmem:$0x15F90]  }
0x81: {  	v7 =	vld [tilespmem:$0x16010]  }
0x82: {  	v8 =	vld [tilespmem:$0x15FA0]  }
0x83: {  	v9 =	vld [tilespmem:$0x16020]  }
0x84: {  	v10 =	vld [tilespmem:$0x15FB0]  }
0x85: {  	v11 =	vld [tilespmem:$0x16030];
	v6 =	vadd.s32 v5, v6  }
0x86: {  	[tilespmem:$0x16090] =	vst v6;
	v6 =	vadd.s32 v5, v7;
	v7 =	vld [tilespmem:$0x15FC0]  }
0x87: {  	[tilespmem:$0x16110] =	vst v6;
	v6 =	vadd.s32 v5, v8;
	v8 =	vld [tilespmem:$0x16040]  }
0x88: {  	v55 =	vld [tilespmem:$0x15FD0];
	[tilespmem:$0x160A0] =	vst v6;
	v6 =	vadd.s32 v5, v9  }
0x89: {  	v56 =	vld [tilespmem:$0x16050];
	[tilespmem:$0x16120] =	vst v6;
	v6 =	vadd.s32 v5, v10  }
0x8a: {  	v57 =	vld [tilespmem:$0x15FE0];
	[tilespmem:$0x160B0] =	vst v6;
	v6 =	vadd.s32 v5, v11  }
0x8b: {  	[tilespmem:$0x16130] =	vst v6;
	v6 =	vadd.s32 v5, v7;
	v7 =	vld [tilespmem:$0x16060]  }
0x8c: {  	[tilespmem:$0x160C0] =	vst v6;
	v6 =	vadd.s32 v5, v8;
	v8 =	vld [tilespmem:$0x15FF0]  }
0x8d: {  	v58 =	vld [tilespmem:$0x16070];
	[tilespmem:$0x16140] =	vst v6;
	v6 =	vadd.s32 v5, v55  }
0x8e: {  	v59 =	vld [tilespmem:$0x16000];
	[tilespmem:$0x160D0] =	vst v6;
	v6 =	vadd.s32 v5, v56  }
0x8f: {  	v60 =	vld [tilespmem:$0x16080];
	[tilespmem:$0x16150] =	vst v6;
	v6 =	vadd.s32 v5, v57  }
0x90: {  	[tilespmem:$0x160E0] =	vst v6;
	v6 =	vadd.s32 v5, v7  }
0x91: {  	[tilespmem:$0x16160] =	vst v6;
	v6 =	vadd.s32 v5, v8  }
0x92: {  	[tilespmem:$0x160F0] =	vst v6;
	v6 =	vadd.s32 v5, v58  }
0x93: {  	[tilespmem:$0x16170] =	vst v6;
	v6 =	vadd.s32 v5, v59  }
0x94: {  	[tilespmem:$0x16100] =	vst v6;
	v6 =	vadd.s32 v5, v60  }
0x95: {  	[tilespmem:$0x16180] =	vst v6  }
0x96: {  	[tilespmem:s26], [sflag:$0x1] =	stream.indirect.gather [hbm4b:s1+s30], $0x80, s5, s30, $0xb8;
	[tilespmem:$0x1C190] =	vst v63  }
0x97: {  	s20 =	simm.s32 $0x0  }
0x98: {  	v6 =	vmov s20;
	[tilespmem:s9], [sflag:$0x2] =	stream.indirect.gather [hbm4b:s6+s30], $0x10, s5, s30, $0xb8;
	[tilespmem:$0x1C190] =	vst v63  }
0x99: {  	v6 =	vshll.u32 v6, $0x2  }
0x9a: {  	v6 =	vor.u32 v3, v6;
	[tilespmem:s11], [sflag:$0x2] =	stream.indirect.gather [hbm4b:s6+s30], $0x10, s10, s30, $0xb8;
	[tilespmem:$0x1C190] =	vst v63  }
0x9b: {  	v6 =	vand.u32 $0x730, v6;
	_ =	swait.ge [sflag:s23], $0x800  }
0x9c: {  	v7 =	vor.u32 v1, v6;
	[sflag:s23] =	ssyncset.done $0x0  }
0x9d: {  	v6 =	vor.u32 v4, v6;
	[sflag:s23] =	ssyncadd.s32 $0xFFFFF800  }
0x9e: {  	_ =	swait.ge [sflag:s23], $0x800  }
0x9f: {  	[sflag:s23] =	ssyncset.done $0x0  }
0xa0: {  	[sflag:s23] =	ssyncadd.s32 $0xFFFFF800  }
0xa1: {  	v8 =	vld.idx.msk [tilespmem:v7+s9+$0x0], $0xffff  }
0xa2: {  	v6 =	vld.idx.msk [tilespmem:v6+s11+$0x0], $0xffff;
	_ =	sdelay $0x4  }
0xa3: {  	v6 =	vadd.f32 v6, v8;
	_ =	sdelay $0x1  }
0xa4: {  	v8 =	vmul.f32 $2.000000030e-01, v6  }
0xa5: {  	vm0 =	vgt.f32 v6, $0.0e+00  }
0xa6: {  	v6 =	vsel vm0, v6, v8  }
0xa7: {  	v6 =	vmul.f32 $1.442695020e+00, v6;
	_ =	sdelay $0x1  }
0xa8: {  	(erf) = vpow2.f32 v6  }
0xa9: {  	s21 =	simm.s32 $0x10  }
0xaa: {  	v6 =	vmov s21  }
0xab: {  	v6 =	vshll.u32 v6, $0x2  }
0xac: {  	v6 =	vor.u32 v3, v6  }
0xad: {  	v6 =	vand.u32 $0x7FFFFFF0, v6  }
0xae: {  	v8 =	vor.u32 v1, v6  }
0xaf: {  	v6 =	vor.u32 v4, v6;
	_ =	sdelay $0x1  }
0xb0: {  	v61 =	vpop (erf)  }
0xb1: {  	[tilespmem:v7+s14+$0x0] =	vst.idx.msk $0xffff, v61  }
0xb2: {  	v7 =	vld.idx.msk [tilespmem:v8+s9+$0x0], $0xffff  }
0xb3: {  	v6 =	vld.idx.msk [tilespmem:v6+s11+$0x0], $0xffff;
	_ =	sdelay $0x4  }
0xb4: {  	v6 =	vadd.f32 v6, v7;
	_ =	sdelay $0x1  }
0xb5: {  	v7 =	vmul.f32 $2.000000030e-01, v6  }
0xb6: {  	vm13 =	vgt.f32 v6, $0.0e+00  }
0xb7: {  	v6 =	vsel vm13, v6, v7  }
0xb8: {  	v6 =	vmul.f32 $1.442695020e+00, v6;
	_ =	sdelay $0x1  }
0xb9: {  	(erf) = vpow2.f32 v6  }
0xba: {  	s19 =	simm.s32 $0x20  }
0xbb: {  	v6 =	vmov s19  }
0xbc: {  	v6 =	vshll.u32 v6, $0x2  }
0xbd: {  	v6 =	vor.u32 v3, v6  }
0xbe: {  	v6 =	vand.u32 $0x7FFFFFF0, v6  }
0xbf: {  	v7 =	vor.u32 v1, v6  }
0xc0: {  	v6 =	vor.u32 v4, v6;
	_ =	sdelay $0x1  }
0xc1: {  	v62 =	vpop (erf)  }
0xc2: {  	[tilespmem:v8+s14+$0x0] =	vst.idx.msk $0xffff, v62  }
0xc3: {  	v8 =	vld.idx.msk [tilespmem:v7+s9+$0x0], $0xffff  }
0xc4: {  	v6 =	vld.idx.msk [tilespmem:v6+s11+$0x0], $0xffff;
	_ =	sdelay $0x4  }
0xc5: {  	v6 =	vadd.f32 v6, v8;
	_ =	sdelay $0x1  }
0xc6: {  	v8 =	vmul.f32 $2.000000030e-01, v6  }
0xc7: {  	vm14 =	vgt.f32 v6, $0.0e+00  }
0xc8: {  	v6 =	vsel vm14, v6, v8  }
0xc9: {  	v6 =	vmul.f32 $1.442695020e+00, v6;
	_ =	sdelay $0x1  }
0xca: {  	(erf) = vpow2.f32 v6  }
0xcb: {  	s20 =	simm.s32 $0x30  }
0xcc: {  	v6 =	vmov s20  }
0xcd: {  	v6 =	vshll.u32 v6, $0x2  }
0xce: {  	v6 =	vor.u32 v3, v6  }
0xcf: {  	v8 =	vand.u32 $0x7FFFFFF0, v6  }
0xd0: {  	v6 =	vor.u32 v1, v8  }
0xd1: {  	v8 =	vor.u32 v4, v8;
	_ =	sdelay $0x1  }
0xd2: {  	v63 =	vpop (erf)  }
0xd3: {  	[tilespmem:v7+s14+$0x0] =	vst.idx.msk $0xffff, v63  }
0xd4: {  	v7 =	vld.idx.msk [tilespmem:v6+s9+$0x0], $0xffff  }
0xd5: {  	v8 =	vld.idx.msk [tilespmem:v8+s11+$0x0], $0xffff;
	_ =	sdelay $0x4  }
0xd6: {  	v7 =	vadd.f32 v8, v7;
	_ =	sdelay $0x1  }
0xd7: {  	v8 =	vmul.f32 $2.000000030e-01, v7  }
0xd8: {  	vm15 =	vgt.f32 v7, $0.0e+00  }
0xd9: {  	v7 =	vsel vm15, v7, v8  }
0xda: {  	v7 =	vmul.f32 $1.442695020e+00, v7;
	_ =	sdelay $0x1  }
0xdb: {  	(erf) = vpow2.f32 v7  }
0xdc: {  	s21 =	simm.s32 $0x40  }
0xdd: {  	v8 =	vmov s21  }
0xde: {  	v8 =	vshll.u32 v8, $0x2  }
0xdf: {  	v8 =	vor.u32 v3, v8  }
0xe0: {  	s19 =	simm.s32 $0x70;
	s20 =	simm.s32 $0x4;
	v7 =	vand.u32 $0x730, v8  }
.LBB2_10:
0xe1: {  	s20 =	sadd.s32 $0x4, s20;
	v8 =	vor.u32 v1, v7;
	v7 =	vor.u32 v4, v7  }
0xe2: {  	p0 =	slt.u32 s20, $0x1C;
	_ =	sdelay $0x1  }
0xe3: {  	v9 =	vpop (erf)  }
0xe4: {  	[tilespmem:v6+s14+$0x0] =	vst.idx.msk $0xffff, v9  }
0xe5: {  	v6 =	vld.idx.msk [tilespmem:v8+s9+$0x0], $0xffff  }
0xe6: {  	v7 =	vld.idx.msk [tilespmem:v7+s11+$0x0], $0xffff;
	_ =	sdelay $0x5  }
0xe7: {  	v6 =	vadd.f32 v7, v6;
	_ =	sdelay $0x1  }
0xe8: {  	vm0 =	vgt.f32 v6, $0.0e+00;
	v7 =	vmul.f32 $2.000000030e-01, v6;
	_ =	sdelay $0x1  }
0xe9: {  	v6 =	vsel vm0, v6, v7  }
0xea: {  	v6 =	vmul.f32 $1.442695020e+00, v6;
	_ =	sdelay $0x1  }
0xeb: {  	(erf) = vpow2.f32 v6  }
0xec: {  	s12 =	sadd.s32 $0xFFFFFFE0, s19  }
0xed: {  	v6 =	vmov s12  }
0xee: {  	v6 =	vshll.u32 v6, $0x2  }
0xef: {  	v6 =	vor.u32 v3, v6  }
0xf0: {  	v6 =	vand.u32 $0x7FFFFFF0, v6  }
0xf1: {  	v7 =	vor.u32 v1, v6;
	v6 =	vor.u32 v4, v6;
	_ =	sdelay $0x2  }
0xf2: {  	v9 =	vpop (erf)  }
0xf3: {  	[tilespmem:v8+s14+$0x0] =	vst.idx.msk $0xffff, v9  }
0xf4: {  	v8 =	vld.idx.msk [tilespmem:v7+s9+$0x0], $0xffff  }
0xf5: {  	v6 =	vld.idx.msk [tilespmem:v6+s11+$0x0], $0xffff;
	_ =	sdelay $0x5  }
0xf6: {  	v6 =	vadd.f32 v6, v8;
	_ =	sdelay $0x1  }
0xf7: {  	vm0 =	vgt.f32 v6, $0.0e+00;
	v8 =	vmul.f32 $2.000000030e-01, v6;
	_ =	sdelay $0x1  }
0xf8: {  	v6 =	vsel vm0, v6, v8  }
0xf9: {  	v6 =	vmul.f32 $1.442695020e+00, v6;
	_ =	sdelay $0x1  }
0xfa: {  	(erf) = vpow2.f32 v6  }
0xfb: {  	s12 =	sadd.s32 $0xFFFFFFF0, s19  }
0xfc: {  	v6 =	vmov s12  }
0xfd: {  	v6 =	vshll.u32 v6, $0x2  }
0xfe: {  	v6 =	vor.u32 v3, v6  }
0xff: {  	v6 =	vand.u32 $0x7FFFFFF0, v6  }
0x100: {  	v8 =	vor.u32 v1, v6;
	v6 =	vor.u32 v4, v6;
	_ =	sdelay $0x2  }
0x101: {  	v9 =	vpop (erf)  }
0x102: {  	[tilespmem:v7+s14+$0x0] =	vst.idx.msk $0xffff, v9  }
0x103: {  	v7 =	vld.idx.msk [tilespmem:v8+s9+$0x0], $0xffff  }
0x104: {  	v6 =	vld.idx.msk [tilespmem:v6+s11+$0x0], $0xffff;
	_ =	sdelay $0x5  }
0x105: {  	v6 =	vadd.f32 v6, v7;
	_ =	sdelay $0x1  }
0x106: {  	vm0 =	vgt.f32 v6, $0.0e+00;
	v7 =	vmul.f32 $2.000000030e-01, v6;
	_ =	sdelay $0x1  }
0x107: {  	v6 =	vsel vm0, v6, v7  }
0x108: {  	v6 =	vmul.f32 $1.442695020e+00, v6;
	_ =	sdelay $0x1  }
0x109: {  	(erf) = vpow2.f32 v6;
	_ =	sdelay $0x1  }
0x10a: {  	v6 =	vmov s19  }
0x10b: {  	v6 =	vshll.u32 v6, $0x2  }
0x10c: {  	v6 =	vor.u32 v3, v6  }
0x10d: {  	v7 =	vand.u32 $0x7FFFFFF0, v6  }
0x10e: {  	v6 =	vor.u32 v1, v7;
	v7 =	vor.u32 v4, v7;
	_ =	sdelay $0x2  }
0x10f: {  	v9 =	vpop (erf)  }
0x110: {  	[tilespmem:v8+s14+$0x0] =	vst.idx.msk $0xffff, v9  }
0x111: {  	v8 =	vld.idx.msk [tilespmem:v6+s9+$0x0], $0xffff  }
0x112: {  	v7 =	vld.idx.msk [tilespmem:v7+s11+$0x0], $0xffff;
	_ =	sdelay $0x5  }
0x113: {  	v7 =	vadd.f32 v7, v8;
	_ =	sdelay $0x1  }
0x114: {  	vm0 =	vgt.f32 v7, $0.0e+00;
	v8 =	vmul.f32 $2.000000030e-01, v7;
	_ =	sdelay $0x1  }
0x115: {  	v7 =	vsel vm0, v7, v8  }
0x116: {  	v7 =	vmul.f32 $1.442695020e+00, v7;
	_ =	sdelay $0x1  }
0x117: {  	s19 =	sadd.s32 $0x40, s19;
	(erf) = vpow2.f32 v7  }
.Ltmp3:
0x118: {  	s12 =	sadd.s32 $0xFFFFFFD0, s19;
	(pc) =	sbr.rel @p0 .LBB2_10-.Ltmp3, $4  }
0x119: {  	v7 =	vmov s12  }
0x11a: {  	v7 =	vshll.u32 v7, $0x2  }
0x11b: {  	v7 =	vor.u32 v3, v7  }
0x11c: {  	v7 =	vand.u32 $0x730, v7  }
0x11d: {  	v8 =	vor.u32 v1, v7  }
0x11e: {  	v7 =	vor.u32 v4, v7;
	_ =	sdelay $0x1  }
0x11f: {  	v9 =	vpop (erf)  }
0x120: {  	[tilespmem:v6+s14+$0x0] =	vst.idx.msk $0xffff, v9  }
0x121: {  	v6 =	vld.idx.msk [tilespmem:v8+s9+$0x0], $0xffff  }
0x122: {  	v7 =	vld.idx.msk [tilespmem:v7+s11+$0x0], $0xffff;
	_ =	sdelay $0x4  }
0x123: {  	v6 =	vadd.f32 v7, v6;
	_ =	sdelay $0x1  }
0x124: {  	v7 =	vmul.f32 $2.000000030e-01, v6  }
0x125: {  	vm0 =	vgt.f32 v6, $0.0e+00  }
0x126: {  	v6 =	vsel vm0, v6, v7  }
0x127: {  	v6 =	vmul.f32 $1.442695020e+00, v6;
	_ =	sdelay $0x1  }
0x128: {  	(erf) = vpow2.f32 v6  }
0x129: {  	s12 =	sadd.s32 $0xFFFFFFE0, s19  }
0x12a: {  	v6 =	vmov s12  }
0x12b: {  	v6 =	vshll.u32 v6, $0x2  }
0x12c: {  	v6 =	vor.u32 v3, v6  }
0x12d: {  	v6 =	vand.u32 $0x7FFFFFF0, v6  }
0x12e: {  	v7 =	vor.u32 v1, v6  }
0x12f: {  	v6 =	vor.u32 v4, v6;
	_ =	sdelay $0x1  }
0x130: {  	v9 =	vpop (erf)  }
0x131: {  	[tilespmem:v8+s14+$0x0] =	vst.idx.msk $0xffff, v9  }
0x132: {  	v8 =	vld.idx.msk [tilespmem:v7+s9+$0x0], $0xffff  }
0x133: {  	v6 =	vld.idx.msk [tilespmem:v6+s11+$0x0], $0xffff;
	_ =	sdelay $0x4  }
0x134: {  	v6 =	vadd.f32 v6, v8;
	_ =	sdelay $0x1  }
0x135: {  	v8 =	vmul.f32 $2.000000030e-01, v6  }
0x136: {  	vm13 =	vgt.f32 v6, $0.0e+00  }
0x137: {  	v6 =	vsel vm13, v6, v8  }
0x138: {  	v6 =	vmul.f32 $1.442695020e+00, v6;
	_ =	sdelay $0x1  }
0x139: {  	(erf) = vpow2.f32 v6  }
0x13a: {  	s21 =	sadd.s32 $0xFFFFFFF0, s19  }
0x13b: {  	v6 =	vmov s21  }
0x13c: {  	v6 =	vshll.u32 v6, $0x2  }
0x13d: {  	v6 =	vor.u32 v3, v6  }
0x13e: {  	v6 =	vand.u32 $0x7FFFFFF0, v6  }
0x13f: {  	v8 =	vor.u32 v1, v6  }
0x140: {  	v6 =	vor.u32 v4, v6;
	_ =	sdelay $0x1  }
0x141: {  	v9 =	vpop (erf)  }
0x142: {  	[tilespmem:v7+s14+$0x0] =	vst.idx.msk $0xffff, v9  }
0x143: {  	v7 =	vld.idx.msk [tilespmem:v8+s9+$0x0], $0xffff  }
0x144: {  	v6 =	vld.idx.msk [tilespmem:v6+s11+$0x0], $0xffff;
	_ =	sdelay $0x4  }
0x145: {  	v6 =	vadd.f32 v6, v7;
	_ =	sdelay $0x1  }
0x146: {  	v7 =	vmul.f32 $2.000000030e-01, v6  }
0x147: {  	vm14 =	vgt.f32 v6, $0.0e+00  }
0x148: {  	v6 =	vsel vm14, v6, v7  }
0x149: {  	v6 =	vmul.f32 $1.442695020e+00, v6;
	_ =	sdelay $0x1  }
0x14a: {  	(erf) = vpow2.f32 v6;
	_ =	sdelay $0x1  }
0x14b: {  	v6 =	vmov s19  }
0x14c: {  	v6 =	vshll.u32 v6, $0x2  }
0x14d: {  	v6 =	vor.u32 v3, v6  }
0x14e: {  	v6 =	vand.u32 $0x7FFFFFF0, v6  }
0x14f: {  	v7 =	vor.u32 v1, v6  }
0x150: {  	v6 =	vor.u32 v4, v6;
	_ =	sdelay $0x1  }
0x151: {  	v9 =	vpop (erf)  }
0x152: {  	[tilespmem:v8+s14+$0x0] =	vst.idx.msk $0xffff, v9  }
0x153: {  	v8 =	vld.idx.msk [tilespmem:v7+s9+$0x0], $0xffff  }
0x154: {  	v6 =	vld.idx.msk [tilespmem:v6+s11+$0x0], $0xffff;
	_ =	sdelay $0x4  }
0x155: {  	v6 =	vadd.f32 v6, v8;
	_ =	sdelay $0x1  }
0x156: {  	v8 =	vmul.f32 $2.000000030e-01, v6  }
0x157: {  	vm15 =	vgt.f32 v6, $0.0e+00  }
0x158: {  	v6 =	vsel vm15, v6, v8  }
0x159: {  	v6 =	vmul.f32 $1.442695020e+00, v6;
	_ =	sdelay $0x1  }
0x15a: {  	(erf) = vpow2.f32 v6;
	_ =	sdelay $0x7  }
0x15b: {  	s20 =	simm.s32 $0x0  }
0x15c: {  	v8 =	vmov s20;
	v6 =	vpop (erf)  }
0x15d: {  	[tilespmem:v7+s14+$0x0] =	vst.idx.msk $0xffff, v6  }
0x15e: {  	_ =	swait.ge [sflag:s15], $0x4000  }
0x15f: {  	[sflag:s15] =	ssyncset.done $0x0  }
0x160: {  	[sflag:s15] =	ssyncadd.s32 $0xFFFFC000  }
0x161: {  	s19 =	simm.s32 $0x16210;
	v6 =	vld.idx.msk [tilespmem:v8+s14+$0x0], $0xffff  }
0x162: {  	v7 =	vld [tilespmem:s19+$0xFFFFFF80]  }
0x163: {  	v9 =	vld [tilespmem:s19+$0xFFFFFF90];
	_ =	sdelay $0x2  }
0x164: {  	v10 =	vor.u32 $0x1, v8  }
0x165: {  	v7 =	vmul.f32 v7, v6  }
0x166: {  	v6 =	vmul.f32 v9, v6  }
0x167: {  	[tilespmem:s19+$0xFFFFFF80] =	vst v7  }
0x168: {  	[tilespmem:s19+$0xFFFFFF90] =	vst v6;
	v7 =	vld [tilespmem:s19+$0xFFFFFFA0]  }
0x169: {  	v6 =	vld.idx.msk [tilespmem:v10+s14+$0x0], $0xffff  }
0x16a: {  	v9 =	vld [tilespmem:s19+$0xFFFFFFB0];
	_ =	sdelay $0x2  }
0x16b: {  	v10 =	vor.u32 $0x2, v8  }
0x16c: {  	v7 =	vmul.f32 v7, v6  }
0x16d: {  	v6 =	vmul.f32 v9, v6  }
0x16e: {  	[tilespmem:s19+$0xFFFFFFA0] =	vst v7  }
0x16f: {  	[tilespmem:s19+$0xFFFFFFB0] =	vst v6;
	v7 =	vld [tilespmem:s19+$0xFFFFFFC0]  }
0x170: {  	v6 =	vld.idx.msk [tilespmem:v10+s14+$0x0], $0xffff  }
0x171: {  	v9 =	vld [tilespmem:s19+$0xFFFFFFD0];
	_ =	sdelay $0x2  }
0x172: {  	v8 =	vor.u32 $0x3, v8  }
0x173: {  	v7 =	vmul.f32 v7, v6  }
0x174: {  	v6 =	vmul.f32 v9, v6  }
0x175: {  	[tilespmem:s19+$0xFFFFFFC0] =	vst v7  }
0x176: {  	[tilespmem:s19+$0xFFFFFFD0] =	vst v6  }
0x177: {  	v6 =	vld.idx.msk [tilespmem:v8+s14+$0x0], $0xffff  }
0x178: {  	v8 =	vld [tilespmem:s19+$0xFFFFFFE0]  }
0x179: {  	v7 =	vld [tilespmem:s19+$0xFFFFFFF0];
	_ =	sdelay $0x1  }
0x17a: {  	s21 =	simm.s32 $0x10  }
0x17b: {  	v9 =	vmov s21  }
0x17c: {  	v8 =	vmul.f32 v8, v6  }
0x17d: {  	v6 =	vmul.f32 v7, v6  }
0x17e: {  	[tilespmem:s19+$0xFFFFFFE0] =	vst v8  }
0x17f: {  	v7 =	vld [tilespmem:s19+$0x0];
	[tilespmem:s19+$0xFFFFFFF0] =	vst v6  }
0x180: {  	v6 =	vld.idx.msk [tilespmem:v9+s14+$0x0], $0xffff  }
0x181: {  	v8 =	vld [tilespmem:s19+$0x10];
	_ =	sdelay $0x2  }
0x182: {  	v10 =	vor.u32 $0x1, v9  }
0x183: {  	v7 =	vmul.f32 v7, v6  }
0x184: {  	v6 =	vmul.f32 v8, v6  }
0x185: {  	[tilespmem:s19+$0x0] =	vst v7  }
0x186: {  	[tilespmem:s19+$0x10] =	vst v6;
	v7 =	vld [tilespmem:s19+$0x20]  }
0x187: {  	v6 =	vld.idx.msk [tilespmem:v10+s14+$0x0], $0xffff  }
0x188: {  	v8 =	vld [tilespmem:s19+$0x30];
	_ =	sdelay $0x2  }
0x189: {  	v10 =	vor.u32 $0x2, v9  }
0x18a: {  	v7 =	vmul.f32 v7, v6  }
0x18b: {  	v8 =	vmul.f32 v8, v6  }
0x18c: {  	[tilespmem:s19+$0x20] =	vst v7  }
0x18d: {  	[tilespmem:s19+$0x30] =	vst v8;
	v7 =	vld [tilespmem:s19+$0x40]  }
0x18e: {  	v8 =	vld.idx.msk [tilespmem:v10+s14+$0x0], $0xffff  }
0x18f: {  	v10 =	vld [tilespmem:s19+$0x50];
	_ =	sdelay $0x2  }
0x190: {  	v9 =	vor.u32 $0x3, v9  }
0x191: {  	v11 =	vmul.f32 v7, v8  }
0x192: {  	v8 =	vmul.f32 v10, v8  }
0x193: {  	v6 =	vld [tilespmem:s19+$0x60];
	[tilespmem:s19+$0x40] =	vst v11  }
0x194: {  	v7 =	vld [tilespmem:s19+$0x70];
	[tilespmem:s19+$0x50] =	vst v8  }
0x195: {  	s20 =	simm.s32 $0x16210;
	s21 =	simm.s32 $0x2;
	v8 =	vld.idx.msk [tilespmem:v9+s14+$0x0], $0xffff  }
.LBB2_12:
0x196: {  	p0 =	slt.u32 s21, $0x7E  }
0x197: {  	s19 =	sadd.s32 $0x100, s19;
	s12 =	smov.u32 s21;
	s21 =	sadd.s32 $0x2, s21  }
0x198: {  	_ =	sdelay $0x1  }
0x199: {  	s12 =	sshll.u32 s12, $0x4  }
0x19a: {  	v9 =	vmov s12;
	s12 =	sadd.s32 $0x10, s12  }
0x19b: {  	v6 =	vmul.f32 v6, v8;
	v7 =	vmul.f32 v7, v8;
	_ =	sdelay $0x1  }
0x19c: {  	[tilespmem:s20+$0x60] =	vst v6  }
0x19d: {  	v8 =	vld [tilespmem:s19+$0xFFFFFF90];
	[tilespmem:s20+$0x70] =	vst v7;
	s20 =	smov.u32 s19  }
0x19e: {  	v10 =	vld.idx.msk [tilespmem:v9+s14+$0x0], $0xffff  }
0x19f: {  	v11 =	vld [tilespmem:s19+$0xFFFFFF80]  }
0x1a0: {  	v7 =	vld [tilespmem:s19+$0x70]  }
0x1a1: {  	v6 =	vld [tilespmem:s19+$0x60]  }
0x1a2: {  	v12 =	vor.u32 $0x1, v9;
	_ =	sdelay $0x1  }
0x1a3: {  	v8 =	vmul.f32 v8, v10;
	v11 =	vmul.f32 v11, v10;
	_ =	sdelay $0x1  }
0x1a4: {  	[tilespmem:s19+$0xFFFFFF80] =	vst v11  }
0x1a5: {  	[tilespmem:s19+$0xFFFFFF90] =	vst v8;
	v8 =	vld [tilespmem:s19+$0xFFFFFFB0]  }
0x1a6: {  	v10 =	vld.idx.msk [tilespmem:v12+s14+$0x0], $0xffff  }
0x1a7: {  	v11 =	vld [tilespmem:s19+$0xFFFFFFA0];
	_ =	sdelay $0x1  }
0x1a8: {  	v12 =	vor.u32 $0x2, v9;
	_ =	sdelay $0x2  }
0x1a9: {  	v8 =	vmul.f32 v8, v10;
	v11 =	vmul.f32 v11, v10;
	_ =	sdelay $0x1  }
0x1aa: {  	[tilespmem:s19+$0xFFFFFFA0] =	vst v11  }
0x1ab: {  	[tilespmem:s19+$0xFFFFFFB0] =	vst v8;
	v8 =	vld [tilespmem:s19+$0xFFFFFFD0]  }
0x1ac: {  	v10 =	vld.idx.msk [tilespmem:v12+s14+$0x0], $0xffff  }
0x1ad: {  	v11 =	vld [tilespmem:s19+$0xFFFFFFC0]  }
0x1ae: {  	v9 =	vor.u32 $0x3, v9;
	_ =	sdelay $0x3  }
0x1af: {  	v8 =	vmul.f32 v8, v10;
	v11 =	vmul.f32 v11, v10;
	_ =	sdelay $0x1  }
0x1b0: {  	[tilespmem:s19+$0xFFFFFFC0] =	vst v11;
	v10 =	vld [tilespmem:s19+$0xFFFFFFF0]  }
0x1b1: {  	[tilespmem:s19+$0xFFFFFFD0] =	vst v8  }
0x1b2: {  	v8 =	vld.idx.msk [tilespmem:v9+s14+$0x0], $0xffff  }
0x1b3: {  	v11 =	vmov s12;
	v9 =	vld [tilespmem:s19+$0xFFFFFFE0];
	_ =	sdelay $0x4  }
0x1b4: {  	v9 =	vmul.f32 v9, v8;
	v8 =	vmul.f32 v10, v8;
	_ =	sdelay $0x1  }
0x1b5: {  	[tilespmem:s19+$0xFFFFFFE0] =	vst v9  }
0x1b6: {  	[tilespmem:s19+$0xFFFFFFF0] =	vst v8;
	v8 =	vld [tilespmem:s19+$0x10]  }
0x1b7: {  	v10 =	vor.u32 $0x1, v11;
	v9 =	vld.idx.msk [tilespmem:v11+s14+$0x0], $0xffff  }
0x1b8: {  	v12 =	vld [tilespmem:s19+$0x0];
	_ =	sdelay $0x4  }
0x1b9: {  	v8 =	vmul.f32 v8, v9;
	v12 =	vmul.f32 v12, v9;
	_ =	sdelay $0x1  }
0x1ba: {  	[tilespmem:s19+$0x0] =	vst v12  }
0x1bb: {  	v9 =	vor.u32 $0x2, v11;
	[tilespmem:s19+$0x10] =	vst v8;
	v8 =	vld [tilespmem:s19+$0x30]  }
0x1bc: {  	v10 =	vld.idx.msk [tilespmem:v10+s14+$0x0], $0xffff  }
0x1bd: {  	v12 =	vld [tilespmem:s19+$0x20];
	_ =	sdelay $0x4  }
0x1be: {  	v8 =	vmul.f32 v8, v10;
	v12 =	vmul.f32 v12, v10;
	_ =	sdelay $0x1  }
0x1bf: {  	v10 =	vor.u32 $0x3, v11;
	[tilespmem:s19+$0x20] =	vst v12  }
0x1c0: {  	[tilespmem:s19+$0x30] =	vst v8;
	v8 =	vld [tilespmem:s19+$0x50]  }
0x1c1: {  	v9 =	vld.idx.msk [tilespmem:v9+s14+$0x0], $0xffff  }
0x1c2: {  	v11 =	vld [tilespmem:s19+$0x40];
	_ =	sdelay $0x4  }
.Ltmp4:
0x1c3: {  	v8 =	vmul.f32 v8, v9;
	v11 =	vmul.f32 v11, v9;
	(pc) =	sbr.rel @p0 .LBB2_12-.Ltmp4, $4  }
0x1c4: {  	_ = 	snop  }
0x1c5: {  	[tilespmem:s19+$0x40] =	vst v11  }
0x1c6: {  	[tilespmem:s19+$0x50] =	vst v8  }
0x1c7: {  	v8 =	vld.idx.msk [tilespmem:v10+s14+$0x0], $0xffff  }
0x1c8: {  	_ =	sdelay $0x3  }
0x1c9: {  	s18 =	sadd.s32 $0x1, s18;
	v6 =	vmul.f32 v6, v8  }
0x1ca: {  	p0 =	sne.s32 s18, s22;
	v7 =	vmul.f32 v7, v8  }
.Ltmp5:
0x1cb: {  	[tilespmem:s20+$0x60] =	vst v6;
	(pc) =	sbr.rel @p0 .LBB2_9-.Ltmp5, $4  }
0x1cc: {  	[tilespmem:s20+$0x70] =	vst v7  }
0x1cd: {  	[spmem:s2] =	stream.indirect.scatter.add.f32 [tilespmem:s26], [sflag:$0x3], $0x80, s31, s30, $0xb8;
	[tilespmem:$0x1C190] =	vst v63  }
0x1ce: {  	_ = 	snop  }
0x1cf: {  	[spmem:s3] =	stream.indirect.scatter.add.f32 [tilespmem:s14], [sflag:$0x3], $0x10, s31, s30, $0xb8;
	[tilespmem:$0x1C190] =	vst v63  }
0x1d0: {  	_ =	swait.ge [sflag:s25], $0x4000  }
0x1d1: {  	[sflag:s25] =	ssyncset.done $0x0  }
0x1d2: {  	[sflag:s25] =	ssyncadd.s32 $0xFFFFC000  }
0x1d3: {  	_ =	swait.ge [sflag:s25], $0x800  }
0x1d4: {  	[sflag:s25] =	ssyncset.done $0x0  }
0x1d5: {  	s12 =	rddreg [dreg:$0x7];
	[sflag:s25] =	ssyncadd.s32 $0xFFFFF800  }
0x1d6: {  	s18 =	stileid.u32;
	s12 =	sadd.s32 s12, s17;
	[bflag:$0x0] =	sbarrier.arrive $0xFFFF  }
0x1d7: {  	s18 =	sshll.u32 s18, $0x6;
	s17 =	sshll.u32 s12, $0x4;
	s19 =	rddreg [dreg:$0x5]  }
0x1d8: {  	s21 =	sshrl.u32 s13, $0x3;
	s18 =	sor.u32 $0x1C04, s18;
	s17 =	sadd.s32 s19, s17  }
0x1d9: {  	[hbm:s17], [sflag:s18] =	dma.local [spmem:s21], $0x2710  }
0x1da: {  	_ =	swait.ge [sflag:s28], $0x2710  }
0x1db: {  	s20 =	rddreg [dreg:$0x6]  }
0x1dc: {  	s12 =	sshll.u32 s12, $0x1;
	[sflag:s28] =	ssyncset.done $0x0;
	s19 =	rddreg [dreg:$0x8]  }
0x1dd: {  	[sflag:s28] =	ssyncadd.s32 $0xFFFFD8F0;
	s12 =	sadd.s32 s20, s12;
	s21 =	sshrl.u32 s19, $0x3  }
0x1de: {  	[hbm:s12], [sflag:s18] =	dma.local [spmem:s21], $0x4E2  }
0x1df: {  	_ =	swait.ge [sflag:s28], $0x4E2  }
0x1e0: {  	[sflag:s28] =	ssyncset.done $0x0  }
0x1e1: {  	s17 =	simm.s32 $0x200;
	s12 =	simm.s32 $0x0;
	[sflag:s28] =	ssyncadd.s32 $0xFFFFFB1E  }
.LBB2_15:
0x1e2: {  	p0 =	sne.s32 s17, $0xFE00;
	[tilespmem:s12+$0x16200] =	vst v0  }
0x1e3: {  	[tilespmem:s12+$0x16190] =	vst v0  }
0x1e4: {  	[tilespmem:s12+$0x161A0] =	vst v0  }
.Ltmp6:
0x1e5: {  	[tilespmem:s12+$0x161B0] =	vst v0;
	(pc) =	sbr.rel @p0 .LBB2_15-.Ltmp6, $4  }
0x1e6: {  	[tilespmem:s12+$0x161C0] =	vst v0  }
0x1e7: {  	[tilespmem:s12+$0x161D0] =	vst v0  }
0x1e8: {  	[tilespmem:s12+$0x161E0] =	vst v0  }
0x1e9: {  	[tilespmem:s12+$0x161F0] =	vst v0;
	s12 =	sshra.s32 s17, $0x2;
	s17 =	sadd.s32 $0x200, s17  }
0x1ea: {  	[tilespmem:s12+$0x16200] =	vst v0  }
0x1eb: {  	[tilespmem:s12+$0x16190] =	vst v0  }
0x1ec: {  	[tilespmem:s12+$0x161A0] =	vst v0  }
0x1ed: {  	[tilespmem:s12+$0x161B0] =	vst v0  }
0x1ee: {  	[tilespmem:s12+$0x161C0] =	vst v0  }
0x1ef: {  	[tilespmem:s12+$0x161D0] =	vst v0  }
0x1f0: {  	[tilespmem:s12+$0x161E0] =	vst v0  }
0x1f1: {  	[tilespmem:s12+$0x161F0] =	vst v0  }
0x1f2: {  	[spmem:s13] =	stream.linear.scatter [tilespmem:s26], [sflag:$0x4], $0x3E80, $0x38;
	[tilespmem:$0x1C190] =	vst v63  }
0x1f3: {  	_ =	swait.ge [sflag:s28], $0x3E80  }
0x1f4: {  	[sflag:s28] =	ssyncset.done $0x0  }
0x1f5: {  	[sflag:s28] =	ssyncadd.s32 $0xFFFFC180  }
0x1f6: {  	[spmem:s19] =	stream.linear.scatter [tilespmem:s29], [sflag:$0x4], $0x7D0, $0x38;
	[tilespmem:$0x1C190] =	vst v63  }
0x1f7: {  	_ =	swait.ge [sflag:s28], $0x7D0  }
0x1f8: {  	[sflag:s28] =	ssyncset.done $0x0  }
0x1f9: {  	s17 =	rddreg [dreg:$0x9];
	[sflag:s28] =	ssyncadd.s32 $0xFFFFF830  }
0x1fa: {  	[spmem:s17] =	stream.linear.scatter [tilespmem:s26], [sflag:$0x4], $0x3E80, $0x38;
	[tilespmem:$0x1C190] =	vst v63  }
0x1fb: {  	_ =	swait.ge [sflag:s28], $0x3E80  }
0x1fc: {  	[sflag:s28] =	ssyncset.done $0x0  }
0x1fd: {  	s18 =	rddreg [dreg:$0xa];
	[sflag:s28] =	ssyncadd.s32 $0xFFFFC180  }
0x1fe: {  	[spmem:s18] =	stream.linear.scatter [tilespmem:s29], [sflag:$0x4], $0x7D0, $0x38;
	[tilespmem:$0x1C190] =	vst v63  }
0x1ff: {  	_ =	swait.ge [sflag:s28], $0x7D0  }
0x200: {  	[sflag:s28] =	ssyncset.done $0x0  }
0x201: {  	s20 =	rddreg [dreg:$0xb];
	[sflag:s28] =	ssyncadd.s32 $0xFFFFF830  }
0x202: {  	[spmem:s20] =	stream.linear.scatter [tilespmem:s26], [sflag:$0x4], $0x3E80, $0x38;
	[tilespmem:$0x1C190] =	vst v63  }
0x203: {  	_ =	swait.ge [sflag:s28], $0x3E80  }
0x204: {  	[sflag:s28] =	ssyncset.done $0x0  }
0x205: {  	s21 =	rddreg [dreg:$0xc];
	[sflag:s28] =	ssyncadd.s32 $0xFFFFC180  }
0x206: {  	[spmem:s21] =	stream.linear.scatter [tilespmem:s29], [sflag:$0x4], $0x7D0, $0x38;
	[tilespmem:$0x1C190] =	vst v63  }
0x207: {  	_ =	swait.ge [sflag:s28], $0x7D0  }
0x208: {  	[sflag:s28] =	ssyncset.done $0x0  }
0x209: {  	s17 =	rddreg [dreg:$0xd];
	[sflag:s28] =	ssyncadd.s32 $0xFFFFF830  }
0x20a: {  	[spmem:s17] =	stream.linear.scatter [tilespmem:s26], [sflag:$0x4], $0x3E80, $0x38;
	[tilespmem:$0x1C190] =	vst v63  }
0x20b: {  	_ =	swait.ge [sflag:s28], $0x3E80  }
0x20c: {  	[sflag:s28] =	ssyncset.done $0x0  }
0x20d: {  	s18 =	rddreg [dreg:$0xe];
	[sflag:s28] =	ssyncadd.s32 $0xFFFFC180  }
0x20e: {  	[spmem:s18] =	stream.linear.scatter [tilespmem:s29], [sflag:$0x4], $0x7D0, $0x38;
	[tilespmem:$0x1C190] =	vst v63  }
0x20f: {  	_ =	swait.ge [sflag:s28], $0x7D0  }
0x210: {  	[sflag:s28] =	ssyncset.done $0x0  }
0x211: {  	s20 =	rddreg [dreg:$0xf];
	[sflag:s28] =	ssyncadd.s32 $0xFFFFF830  }
0x212: {  	[spmem:s20] =	stream.linear.scatter [tilespmem:s26], [sflag:$0x4], $0x3E80, $0x38;
	[tilespmem:$0x1C190] =	vst v63  }
0x213: {  	s16 =	sadd.s32 $0x1, s16;
	_ =	swait.ge [sflag:s28], $0x3E80  }
0x214: {  	p0 =	sne.s32 s16, $0x10;
	[sflag:s28] =	ssyncset.done $0x0  }
.Ltmp7:
0x215: {  	s21 =	rddreg [dreg:$0x10];
	[sflag:s28] =	ssyncadd.s32 $0xFFFFC180;
	(pc) =	sbr.rel @p0 .LBB2_8-.Ltmp7, $4  }
0x216: {  	[spmem:s21] =	stream.linear.scatter [tilespmem:s29], [sflag:$0x4], $0x7D0, $0x38;
	[tilespmem:$0x1C190] =	vst v63  }
0x217: {  	_ =	swait.ge [sflag:s28], $0x7D0  }
0x218: {  	[sflag:s28] =	ssyncset.done $0x0  }
0x219: {  	[sflag:s28] =	ssyncadd.s32 $0xFFFFF830  }
0x21a: {  	s16 =	rddreg [dreg:$0x13]  }
0x21b: {  	s12 =	rddreg [dreg:$0x12];
	s16 =	sadd.s32 $0x1, s16  }
0x21c: {  	p0 =	sne.s32 s16, s12  }
.Ltmp8:
0x21d: {  	_ = 	snop;
	(pc) =	sbr.rel @p0 .LBB2_1-.Ltmp8, $1  }
0x21e: {  	_ =	sdelay $0x3  }
0x21f: {  	_ =	sfence.sel $0x180000  }
0x220: {  	[bflag:$0x0] =	sbarrier.arrive $0xFFFF  }
0x221: {  	_ =	strace $0x90000047  }
0x222: {  	s0 =	stileid.u32;
	[bflag:$0x2] =	sbarrier.arrive $0xFFFF  }
0x223: {  	p0 =	sne.s32 s0, $0x0;
	s0 =	rddreg [dreg:$0x4]  }
0x224: {  	s0 =	sadd.s32 @!p0 $0x100000, s0  }
0x225: {  	[sflag:s0] =	ssyncadd.tile.s32 @!p0 $0x1;
	_ =	shalt  }
.Lfunc_end2:
_tile_overlayer_lowered:
.L_overlay_start_2:
0x226: {  	(tag) =	ssettag $0x2  }
0x227: {  	s0 =	rddreg [dreg:$0x0];
	s2 =	stileid.u32  }
0x228: {  	s1 =	rddreg [dreg:$0x1];
	p0 =	sne.s32 s2, $0x0  }
0x229: {  	s3 =	rddreg [dreg:$0x2];
	[bflag:$0x3] =	sbarrier.arrive $0xFFFF;
	s2 =	simm.s32 @!p0 $0x1C04  }
0x22a: {  	[timem:s3], [sflag:s2] =	dma.local @!p0 [hbm:s0], s1  }
0x22b: {  	s0 =	simm.s32 @!p0 $0x4  }
0x22c: {  	_ =	swait.ge @!p0 [sflag:s0], s1  }
0x22d: {  	s1 =	ssub.s32 @!p0 $0x0, s1;
	[sflag:s0] =	ssyncset.done @!p0 $0x0  }
0x22e: {  	[sflag:s0] =	ssyncadd.s32 @!p0 s1  }
0x22f: {  	[bflag:$0x3] =	sbarrier.arrive $0xFFFF  }
0x230: {  	_ =	shalt  }

</sc_bundles>
